<compile_context>
chip_gen: v7x
topology: tpu7x:2x2x1
jax: 0.10.2.dev20260603
libtpu: 0.0.44.dev20260713+nightly
codegen_flags: <defaults>
</compile_context>

<pallas_src>
import jax
import jax.numpy as jnp
from jax import lax
from jax.experimental import pallas as pl
from jax.experimental.pallas import tpu as pltpu
from jax.experimental.pallas import tpu_sc as plsc

NUM_TOKENS = 32768
NUM_EXPERTS = 64
TOP_K = 8
LANES = 16
NUM_CORES = 2
NUM_SUBCORES = 16
NUM_WORKERS = NUM_CORES * NUM_SUBCORES
TOK_PER_W = NUM_TOKENS // NUM_WORKERS
ET = NUM_EXPERTS // TOP_K
TT = NUM_TOKENS // 128
TT_PER_W = TOK_PER_W // 128
UNROLL = 8
TPAD = 144


def _merge_top8(a, ai, b, bi, lo_mask):
    rb = jnp.flip(b)
    rbi = jnp.flip(bi)
    d = jnp.where(lo_mask, a, rb)
    di = jnp.where(lo_mask, ai, rbi)
    return plsc.sort_key_val(d, di, descending=True)


def _tec_body(logits_hbm, w_hbm, id_hbm, id2_hbm, logits_v, w_v, id_v,
              dma_sem):
    wid = lax.axis_index("s") * NUM_CORES + lax.axis_index("c")
    copies = [
        pltpu.async_copy(logits_hbm.at[et, pl.ds(wid * TT_PER_W, TT_PER_W)],
                         logits_v.at[et, :, :, pl.ds(0, 128)], dma_sem)
        for et in range(ET)]
    for c in copies:
        c.wait()

    iota = lax.iota(jnp.int32, LANES)
    lo_mask = iota < TOP_K
    et_lo = iota >> 3
    e_vec = iota & 7

    def token_top8(t):
        tl = t // 128
        tloc = t % 128
        f_tl = jnp.full((LANES,), 0, jnp.int32) + tl
        f_tloc = jnp.full((LANES,), 0, jnp.int32) + tloc
        sorted_chunks = []
        for q in range(NUM_EXPERTS // LANES):
            v = plsc.load_gather(
                logits_v, [et_lo + 2 * q, f_tl, e_vec, f_tloc])
            sorted_chunks.append(
                plsc.sort_key_val(v, iota + q * LANES, descending=True))
        (a, ai), (b, bi), (c, ci), (d, di) = sorted_chunks
        m0, m0i = _merge_top8(a, ai, b, bi, lo_mask)
        m1, m1i = _merge_top8(c, ci, d, di, lo_mask)
        top, topi = _merge_top8(m0, m0i, m1, m1i, lo_mask)
        plsc.store_scatter(w_v, [f_tl, iota, f_tloc], top, mask=lo_mask)
        plsc.store_scatter(id_v, [f_tl, iota, f_tloc], topi, mask=lo_mask)

    @plsc.parallel_loop(0, TOK_PER_W, unroll=UNROLL)
    def pass1(t):
        token_top8(t)

    @plsc.parallel_loop(0, TOK_PER_W // LANES, unroll=4)
    def pass2(g):
        tl = g // 8
        t0 = (g % 8) * LANES
        f_tl = jnp.full((LANES,), 0, jnp.int32) + tl
        t_vec = t0 + iota
        cols = [jnp.full((LANES,), r, jnp.int32) for r in range(TOP_K)]
        vals = [plsc.load_gather(w_v, [f_tl, cols[r], t_vec])
                for r in range(TOP_K)]
        es = [jnp.exp(v - vals[0]) for v in vals]
        s = es[0]
        for e in es[1:]:
            s = s + e
        for r in range(TOP_K):
            plsc.store_scatter(w_v, [f_tl, cols[r], t_vec], es[r] / s)

    out_copies = [
        pltpu.async_copy(w_v.at[:, :, pl.ds(0, 128)],
                         w_hbm.at[pl.ds(wid * TT_PER_W, TT_PER_W)], dma_sem),
        pltpu.async_copy(id_v.at[:, :, pl.ds(0, 128)],
                         id_hbm.at[pl.ds(wid * TT_PER_W, TT_PER_W)], dma_sem),
        pltpu.async_copy(id_v.at[:, :, pl.ds(0, 128)],
                         id2_hbm.at[pl.ds(wid * TT_PER_W, TT_PER_W)], dma_sem),
    ]
    for c in out_copies:
        c.wait()


@jax.jit
def _select_topk(router_logits_fp32):
    mesh = plsc.VectorSubcoreMesh(
        core_axis_name="c", subcore_axis_name="s",
        num_cores=NUM_CORES, num_subcores=NUM_SUBCORES)
    fn = pl.kernel(
        _tec_body,
        out_type=(
            jax.ShapeDtypeStruct((TT, TOP_K, 128), jnp.float32),
            jax.ShapeDtypeStruct((TT, TOP_K, 128), jnp.int32),
            jax.ShapeDtypeStruct((TT, TOP_K, 128), jnp.int32),
        ),
        mesh=mesh,
        compiler_params=pltpu.CompilerParams(
            needs_layout_passes=False, use_tc_tiling_on_sc=False),
        scratch_types=[
            pltpu.VMEM((ET, TT_PER_W, TOP_K, TPAD), jnp.float32),
            pltpu.VMEM((TT_PER_W, TOP_K, TPAD), jnp.float32),
            pltpu.VMEM((TT_PER_W, TOP_K, TPAD), jnp.int32),
            pltpu.SemaphoreType.DMA,
        ],
    )
    a = router_logits_fp32.reshape(TT, 128, ET, TOP_K).transpose(2, 0, 3, 1)
    o_w, o_id, o_id2 = fn(a)
    weights = o_w.transpose(0, 2, 1).reshape(NUM_TOKENS, TOP_K)
    ids = o_id.transpose(0, 2, 1).reshape(NUM_TOKENS, TOP_K)
    ids2 = o_id2.transpose(0, 2, 1).reshape(NUM_TOKENS, TOP_K)
    return weights, ids, ids2


def kernel(router_logits_fp32, topk_ids, topk_weights):
    del topk_ids, topk_weights
    weights, ids, ids2 = _select_topk(router_logits_fp32)
    return (weights, ids, ids2)

# --- scband reference (transcript-rebuilt; emitter-appended) ---
"""Pipeline reference for scband-select-topk-2216203124743 (READ-ONLY COPY).

The authoritative reference and input builder live on the scoring server;
editing this copy changes nothing except your own understanding.
"""

import jax, jax.numpy as jnp
import numpy as np

TOP_K = 8
NUM_EXPERTS = 64
NUM_TOKENS = 32768

def setup_inputs(seed: int = 0) -> dict:
    key = jax.random.key(seed)
    k1, = jax.random.split(key, 1)
    router_logits_fp32 = jax.random.normal(k1, (NUM_TOKENS, NUM_EXPERTS), dtype=jnp.float32)
    topk_ids = jnp.zeros((NUM_TOKENS, TOP_K), dtype=jnp.int32)
    topk_weights = jnp.zeros((NUM_TOKENS, TOP_K), dtype=jnp.float32)
    return {"router_logits_fp32": router_logits_fp32, "topk_ids": topk_ids, "topk_weights": topk_weights}

def reference(router_logits_fp32, topk_ids, topk_weights):
    # aiter.topk_softmax(topk_weights, topk_ids, token_expert_indicies, gating_output, renormalize=True)
    # semantics: softmax over experts, take top-k probs and expert ids, renormalize weights to sum to 1.
    probs = jax.nn.softmax(router_logits_fp32.astype(jnp.float32), axis=-1)
    vals, ids = jax.lax.top_k(probs, TOP_K)
    vals = vals / jnp.sum(vals, axis=-1, keepdims=True)
    topk_weights_out = vals.astype(jnp.float32)
    topk_ids_out = ids.astype(jnp.int32)
    token_expert_indicies = ids.astype(jnp.int32)
    return (topk_weights_out, topk_ids_out, token_expert_indicies)

if __name__ == "__main__":
    import jax
    _d = setup_inputs()
    print(jax.jit(kernel)(*tuple(_d.values())))

</pallas_src>

<mosaic_0001>
#map = affine_map<(d0, d1) -> (0, 0, 0, 0)>
#map1 = affine_map<(d0, d1) -> (0, 0, 0)>
module attributes {stable_mosaic.version = 14 : i64} {
  func.func @_tec_body(%arg0: i32, %arg1: i32, %arg2: memref<8x256x8x128xf32, #tpu.memory_space<hbm>>, %arg3: memref<256x8x128xf32, #tpu.memory_space<hbm>>, %arg4: memref<256x8x128xi32, #tpu.memory_space<hbm>>, %arg5: memref<256x8x128xi32, #tpu.memory_space<hbm>>, %arg6: memref<8x8x8x144xf32, #tpu.memory_space<vmem>>, %arg7: memref<8x8x144xf32, #tpu.memory_space<vmem>>, %arg8: memref<8x8x144xi32, #tpu.memory_space<vmem>>, %arg9: memref<!tpu.dma_semaphore, #tpu.memory_space<semaphore_mem>>) attributes {dimension_semantics = [#tpu.dimension_semantics<core_parallel>, #tpu.dimension_semantics<subcore_parallel>], iteration_bounds = array<i64: 2, 16>, scalar_prefetch = 0 : i64, scratch_operands = 4 : i64, tpu.core_type = #tpu.core_type<sc_vector_subcore>, window_params = [{transform_indices = #map}, {transform_indices = #map1}, {transform_indices = #map1}, {transform_indices = #map1}]} {
    %mul3A = arith.constant 2 : i32
    %mul3A_0 = arith.muli %arg1, %mul3A : i32
    %add3A = arith.addi %mul3A_0, %arg0 : i32
    %mul3A_1 = arith.constant 8 : i32
    %mul3A_2 = arith.muli %add3A, %mul3A_1 : i32
    %dma_start3A = arith.constant 0 : i32
    %dma_start3A_3 = arith.constant 0 : i32
    %dma_start3A_4 = arith.constant 0 : i32
    %dma_start3A_5 = arith.constant 0 : i32
    %dma_start3A_6 = arith.constant 0 : i32
    %dma_start3A_7 = tpu.memref_slice %arg6[%dma_start3A_3, %dma_start3A_4, %dma_start3A_5, %dma_start3A_6] : memref<8x8x8x144xf32, #tpu.memory_space<vmem>> -> memref<1x8x8x128xf32, #tpu.memory_space<vmem>>
    %dma_start3A_8 = tpu.memref_squeeze %dma_start3A_7 : memref<1x8x8x128xf32, #tpu.memory_space<vmem>> -> memref<8x8x128xf32, #tpu.memory_space<vmem>>
    %dma_start3A_9 = arith.constant 0 : i32
    %dma_start3A_10 = arith.constant 0 : i32
    %dma_start3A_11 = tpu.memref_slice %arg2[%dma_start3A, %mul3A_2, %dma_start3A_9, %dma_start3A_10] : memref<8x256x8x128xf32, #tpu.memory_space<hbm>> -> memref<1x8x8x128xf32, #tpu.memory_space<hbm>>
    %dma_start3A_12 = tpu.memref_squeeze %dma_start3A_11 : memref<1x8x8x128xf32, #tpu.memory_space<hbm>> -> memref<8x8x128xf32, #tpu.memory_space<hbm>>
    %dma_start3A_13 = arith.constant 0 : i32
    %dma_start3A_14 = arith.constant 0 : i32
    %dma_start3A_15 = arith.constant 0 : i32
    %dma_start3A_16 = tpu.memref_slice %arg6[%dma_start3A_3, %dma_start3A_13, %dma_start3A_14, %dma_start3A_15] : memref<8x8x8x144xf32, #tpu.memory_space<vmem>> -> memref<1x8x8x128xf32, #tpu.memory_space<vmem>>
    %dma_start3A_17 = tpu.memref_squeeze %dma_start3A_16 : memref<1x8x8x128xf32, #tpu.memory_space<vmem>> -> memref<8x8x128xf32, #tpu.memory_space<vmem>>
    %dma_start3A_18 = arith.constant 0 : i32
    %dma_start3A_19 = arith.constant 0 : i32
    %dma_start3A_20 = tpu.memref_slice %arg2[%dma_start3A, %mul3A_2, %dma_start3A_18, %dma_start3A_19] : memref<8x256x8x128xf32, #tpu.memory_space<hbm>> -> memref<1x8x8x128xf32, #tpu.memory_space<hbm>>
    %dma_start3A_21 = tpu.memref_squeeze %dma_start3A_20 : memref<1x8x8x128xf32, #tpu.memory_space<hbm>> -> memref<8x8x128xf32, #tpu.memory_space<hbm>>
    tpu.enqueue_dma source(%dma_start3A_21 : memref<8x8x128xf32, #tpu.memory_space<hbm>>) target(%dma_start3A_17 : memref<8x8x128xf32, #tpu.memory_space<vmem>>) target_semaphore(%arg9 : memref<!tpu.dma_semaphore, #tpu.memory_space<semaphore_mem>>)
    %mul3A_22 = arith.constant 8 : i32
    %mul3A_23 = arith.muli %add3A, %mul3A_22 : i32
    %dma_start3A_24 = arith.constant 1 : i32
    %dma_start3A_25 = arith.constant 1 : i32
    %dma_start3A_26 = arith.constant 0 : i32
    %dma_start3A_27 = arith.constant 0 : i32
    %dma_start3A_28 = arith.constant 0 : i32
    %dma_start3A_29 = tpu.memref_slice %arg6[%dma_start3A_25, %dma_start3A_26, %dma_start3A_27, %dma_start3A_28] : memref<8x8x8x144xf32, #tpu.memory_space<vmem>> -> memref<1x8x8x128xf32, #tpu.memory_space<vmem>>
    %dma_start3A_30 = tpu.memref_squeeze %dma_start3A_29 : memref<1x8x8x128xf32, #tpu.memory_space<vmem>> -> memref<8x8x128xf32, #tpu.memory_space<vmem>>
    %dma_start3A_31 = arith.constant 0 : i32
    %dma_start3A_32 = arith.constant 0 : i32
    %dma_start3A_33 = tpu.memref_slice %arg2[%dma_start3A_24, %mul3A_23, %dma_start3A_31, %dma_start3A_32] : memref<8x256x8x128xf32, #tpu.memory_space<hbm>> -> memref<1x8x8x128xf32, #tpu.memory_space<hbm>>
    %dma_start3A_34 = tpu.memref_squeeze %dma_start3A_33 : memref<1x8x8x128xf32, #tpu.memory_space<hbm>> -> memref<8x8x128xf32, #tpu.memory_space<hbm>>
    %dma_start3A_35 = arith.constant 0 : i32
    %dma_start3A_36 = arith.constant 0 : i32
    %dma_start3A_37 = arith.constant 0 : i32
    %dma_start3A_38 = tpu.memref_slice %arg6[%dma_start3A_25, %dma_start3A_35, %dma_start3A_36, %dma_start3A_37] : memref<8x8x8x144xf32, #tpu.memory_space<vmem>> -> memref<1x8x8x128xf32, #tpu.memory_space<vmem>>
    %dma_start3A_39 = tpu.memref_squeeze %dma_start3A_38 : memref<1x8x8x128xf32, #tpu.memory_space<vmem>> -> memref<8x8x128xf32, #tpu.memory_space<vmem>>
    %dma_start3A_40 = arith.constant 0 : i32
    %dma_start3A_41 = arith.constant 0 : i32
    %dma_start3A_42 = tpu.memref_slice %arg2[%dma_start3A_24, %mul3A_23, %dma_start3A_40, %dma_start3A_41] : memref<8x256x8x128xf32, #tpu.memory_space<hbm>> -> memref<1x8x8x128xf32, #tpu.memory_space<hbm>>
    %dma_start3A_43 = tpu.memref_squeeze %dma_start3A_42 : memref<1x8x8x128xf32, #tpu.memory_space<hbm>> -> memref<8x8x128xf32, #tpu.memory_space<hbm>>
    tpu.enqueue_dma source(%dma_start3A_43 : memref<8x8x128xf32, #tpu.memory_space<hbm>>) target(%dma_start3A_39 : memref<8x8x128xf32, #tpu.memory_space<vmem>>) target_semaphore(%arg9 : memref<!tpu.dma_semaphore, #tpu.memory_space<semaphore_mem>>)
    %mul3A_44 = arith.constant 8 : i32
    %mul3A_45 = arith.muli %add3A, %mul3A_44 : i32
    %dma_start3A_46 = arith.constant 2 : i32
    %dma_start3A_47 = arith.constant 2 : i32
    %dma_start3A_48 = arith.constant 0 : i32
    %dma_start3A_49 = arith.constant 0 : i32
    %dma_start3A_50 = arith.constant 0 : i32
    %dma_start3A_51 = tpu.memref_slice %arg6[%dma_start3A_47, %dma_start3A_48, %dma_start3A_49, %dma_start3A_50] : memref<8x8x8x144xf32, #tpu.memory_space<vmem>> -> memref<1x8x8x128xf32, #tpu.memory_space<vmem>>
    %dma_start3A_52 = tpu.memref_squeeze %dma_start3A_51 : memref<1x8x8x128xf32, #tpu.memory_space<vmem>> -> memref<8x8x128xf32, #tpu.memory_space<vmem>>
    %dma_start3A_53 = arith.constant 0 : i32
    %dma_start3A_54 = arith.constant 0 : i32
    %dma_start3A_55 = tpu.memref_slice %arg2[%dma_start3A_46, %mul3A_45, %dma_start3A_53, %dma_start3A_54] : memref<8x256x8x128xf32, #tpu.memory_space<hbm>> -> memref<1x8x8x128xf32, #tpu.memory_space<hbm>>
    %dma_start3A_56 = tpu.memref_squeeze %dma_start3A_55 : memref<1x8x8x128xf32, #tpu.memory_space<hbm>> -> memref<8x8x128xf32, #tpu.memory_space<hbm>>
    %dma_start3A_57 = arith.constant 0 : i32
    %dma_start3A_58 = arith.constant 0 : i32
    %dma_start3A_59 = arith.constant 0 : i32
    %dma_start3A_60 = tpu.memref_slice %arg6[%dma_start3A_47, %dma_start3A_57, %dma_start3A_58, %dma_start3A_59] : memref<8x8x8x144xf32, #tpu.memory_space<vmem>> -> memref<1x8x8x128xf32, #tpu.memory_space<vmem>>
    %dma_start3A_61 = tpu.memref_squeeze %dma_start3A_60 : memref<1x8x8x128xf32, #tpu.memory_space<vmem>> -> memref<8x8x128xf32, #tpu.memory_space<vmem>>
    %dma_start3A_62 = arith.constant 0 : i32
    %dma_start3A_63 = arith.constant 0 : i32
    %dma_start3A_64 = tpu.memref_slice %arg2[%dma_start3A_46, %mul3A_45, %dma_start3A_62, %dma_start3A_63] : memref<8x256x8x128xf32, #tpu.memory_space<hbm>> -> memref<1x8x8x128xf32, #tpu.memory_space<hbm>>
    %dma_start3A_65 = tpu.memref_squeeze %dma_start3A_64 : memref<1x8x8x128xf32, #tpu.memory_space<hbm>> -> memref<8x8x128xf32, #tpu.memory_space<hbm>>
    tpu.enqueue_dma source(%dma_start3A_65 : memref<8x8x128xf32, #tpu.memory_space<hbm>>) target(%dma_start3A_61 : memref<8x8x128xf32, #tpu.memory_space<vmem>>) target_semaphore(%arg9 : memref<!tpu.dma_semaphore, #tpu.memory_space<semaphore_mem>>)
    %mul3A_66 = arith.constant 8 : i32
    %mul3A_67 = arith.muli %add3A, %mul3A_66 : i32
    %dma_start3A_68 = arith.constant 3 : i32
    %dma_start3A_69 = arith.constant 3 : i32
    %dma_start3A_70 = arith.constant 0 : i32
    %dma_start3A_71 = arith.constant 0 : i32
    %dma_start3A_72 = arith.constant 0 : i32
    %dma_start3A_73 = tpu.memref_slice %arg6[%dma_start3A_69, %dma_start3A_70, %dma_start3A_71, %dma_start3A_72] : memref<8x8x8x144xf32, #tpu.memory_space<vmem>> -> memref<1x8x8x128xf32, #tpu.memory_space<vmem>>
    %dma_start3A_74 = tpu.memref_squeeze %dma_start3A_73 : memref<1x8x8x128xf32, #tpu.memory_space<vmem>> -> memref<8x8x128xf32, #tpu.memory_space<vmem>>
    %dma_start3A_75 = arith.constant 0 : i32
    %dma_start3A_76 = arith.constant 0 : i32
    %dma_start3A_77 = tpu.memref_slice %arg2[%dma_start3A_68, %mul3A_67, %dma_start3A_75, %dma_start3A_76] : memref<8x256x8x128xf32, #tpu.memory_space<hbm>> -> memref<1x8x8x128xf32, #tpu.memory_space<hbm>>
    %dma_start3A_78 = tpu.memref_squeeze %dma_start3A_77 : memref<1x8x8x128xf32, #tpu.memory_space<hbm>> -> memref<8x8x128xf32, #tpu.memory_space<hbm>>
    %dma_start3A_79 = arith.constant 0 : i32
    %dma_start3A_80 = arith.constant 0 : i32
    %dma_start3A_81 = arith.constant 0 : i32
    %dma_start3A_82 = tpu.memref_slice %arg6[%dma_start3A_69, %dma_start3A_79, %dma_start3A_80, %dma_start3A_81] : memref<8x8x8x144xf32, #tpu.memory_space<vmem>> -> memref<1x8x8x128xf32, #tpu.memory_space<vmem>>
    %dma_start3A_83 = tpu.memref_squeeze %dma_start3A_82 : memref<1x8x8x128xf32, #tpu.memory_space<vmem>> -> memref<8x8x128xf32, #tpu.memory_space<vmem>>
    %dma_start3A_84 = arith.constant 0 : i32
    %dma_start3A_85 = arith.constant 0 : i32
    %dma_start3A_86 = tpu.memref_slice %arg2[%dma_start3A_68, %mul3A_67, %dma_start3A_84, %dma_start3A_85] : memref<8x256x8x128xf32, #tpu.memory_space<hbm>> -> memref<1x8x8x128xf32, #tpu.memory_space<hbm>>
    %dma_start3A_87 = tpu.memref_squeeze %dma_start3A_86 : memref<1x8x8x128xf32, #tpu.memory_space<hbm>> -> memref<8x8x128xf32, #tpu.memory_space<hbm>>
    tpu.enqueue_dma source(%dma_start3A_87 : memref<8x8x128xf32, #tpu.memory_space<hbm>>) target(%dma_start3A_83 : memref<8x8x128xf32, #tpu.memory_space<vmem>>) target_semaphore(%arg9 : memref<!tpu.dma_semaphore, #tpu.memory_space<semaphore_mem>>)
    %mul3A_88 = arith.constant 8 : i32
    %mul3A_89 = arith.muli %add3A, %mul3A_88 : i32
    %dma_start3A_90 = arith.constant 4 : i32
    %dma_start3A_91 = arith.constant 4 : i32
    %dma_start3A_92 = arith.constant 0 : i32
    %dma_start3A_93 = arith.constant 0 : i32
    %dma_start3A_94 = arith.constant 0 : i32
    %dma_start3A_95 = tpu.memref_slice %arg6[%dma_start3A_91, %dma_start3A_92, %dma_start3A_93, %dma_start3A_94] : memref<8x8x8x144xf32, #tpu.memory_space<vmem>> -> memref<1x8x8x128xf32, #tpu.memory_space<vmem>>
    %dma_start3A_96 = tpu.memref_squeeze %dma_start3A_95 : memref<1x8x8x128xf32, #tpu.memory_space<vmem>> -> memref<8x8x128xf32, #tpu.memory_space<vmem>>
    %dma_start3A_97 = arith.constant 0 : i32
    %dma_start3A_98 = arith.constant 0 : i32
    %dma_start3A_99 = tpu.memref_slice %arg2[%dma_start3A_90, %mul3A_89, %dma_start3A_97, %dma_start3A_98] : memref<8x256x8x128xf32, #tpu.memory_space<hbm>> -> memref<1x8x8x128xf32, #tpu.memory_space<hbm>>
    %dma_start3A_100 = tpu.memref_squeeze %dma_start3A_99 : memref<1x8x8x128xf32, #tpu.memory_space<hbm>> -> memref<8x8x128xf32, #tpu.memory_space<hbm>>
    %dma_start3A_101 = arith.constant 0 : i32
    %dma_start3A_102 = arith.constant 0 : i32
    %dma_start3A_103 = arith.constant 0 : i32
    %dma_start3A_104 = tpu.memref_slice %arg6[%dma_start3A_91, %dma_start3A_101, %dma_start3A_102, %dma_start3A_103] : memref<8x8x8x144xf32, #tpu.memory_space<vmem>> -> memref<1x8x8x128xf32, #tpu.memory_space<vmem>>
    %dma_start3A_105 = tpu.memref_squeeze %dma_start3A_104 : memref<1x8x8x128xf32, #tpu.memory_space<vmem>> -> memref<8x8x128xf32, #tpu.memory_space<vmem>>
    %dma_start3A_106 = arith.constant 0 : i32
    %dma_start3A_107 = arith.constant 0 : i32
    %dma_start3A_108 = tpu.memref_slice %arg2[%dma_start3A_90, %mul3A_89, %dma_start3A_106, %dma_start3A_107] : memref<8x256x8x128xf32, #tpu.memory_space<hbm>> -> memref<1x8x8x128xf32, #tpu.memory_space<hbm>>
    %dma_start3A_109 = tpu.memref_squeeze %dma_start3A_108 : memref<1x8x8x128xf32, #tpu.memory_space<hbm>> -> memref<8x8x128xf32, #tpu.memory_space<hbm>>
    tpu.enqueue_dma source(%dma_start3A_109 : memref<8x8x128xf32, #tpu.memory_space<hbm>>) target(%dma_start3A_105 : memref<8x8x128xf32, #tpu.memory_space<vmem>>) target_semaphore(%arg9 : memref<!tpu.dma_semaphore, #tpu.memory_space<semaphore_mem>>)
    %mul3A_110 = arith.constant 8 : i32
    %mul3A_111 = arith.muli %add3A, %mul3A_110 : i32
    %dma_start3A_112 = arith.constant 5 : i32
    %dma_start3A_113 = arith.constant 5 : i32
    %dma_start3A_114 = arith.constant 0 : i32
    %dma_start3A_115 = arith.constant 0 : i32
    %dma_start3A_116 = arith.constant 0 : i32
    %dma_start3A_117 = tpu.memref_slice %arg6[%dma_start3A_113, %dma_start3A_114, %dma_start3A_115, %dma_start3A_116] : memref<8x8x8x144xf32, #tpu.memory_space<vmem>> -> memref<1x8x8x128xf32, #tpu.memory_space<vmem>>
    %dma_start3A_118 = tpu.memref_squeeze %dma_start3A_117 : memref<1x8x8x128xf32, #tpu.memory_space<vmem>> -> memref<8x8x128xf32, #tpu.memory_space<vmem>>
    %dma_start3A_119 = arith.constant 0 : i32
    %dma_start3A_120 = arith.constant 0 : i32
    %dma_start3A_121 = tpu.memref_slice %arg2[%dma_start3A_112, %mul3A_111, %dma_start3A_119, %dma_start3A_120] : memref<8x256x8x128xf32, #tpu.memory_space<hbm>> -> memref<1x8x8x128xf32, #tpu.memory_space<hbm>>
    %dma_start3A_122 = tpu.memref_squeeze %dma_start3A_121 : memref<1x8x8x128xf32, #tpu.memory_space<hbm>> -> memref<8x8x128xf32, #tpu.memory_space<hbm>>
    %dma_start3A_123 = arith.constant 0 : i32
    %dma_start3A_124 = arith.constant 0 : i32
    %dma_start3A_125 = arith.constant 0 : i32
    %dma_start3A_126 = tpu.memref_slice %arg6[%dma_start3A_113, %dma_start3A_123, %dma_start3A_124, %dma_start3A_125] : memref<8x8x8x144xf32, #tpu.memory_space<vmem>> -> memref<1x8x8x128xf32, #tpu.memory_space<vmem>>
    %dma_start3A_127 = tpu.memref_squeeze %dma_start3A_126 : memref<1x8x8x128xf32, #tpu.memory_space<vmem>> -> memref<8x8x128xf32, #tpu.memory_space<vmem>>
    %dma_start3A_128 = arith.constant 0 : i32
    %dma_start3A_129 = arith.constant 0 : i32
    %dma_start3A_130 = tpu.memref_slice %arg2[%dma_start3A_112, %mul3A_111, %dma_start3A_128, %dma_start3A_129] : memref<8x256x8x128xf32, #tpu.memory_space<hbm>> -> memref<1x8x8x128xf32, #tpu.memory_space<hbm>>
    %dma_start3A_131 = tpu.memref_squeeze %dma_start3A_130 : memref<1x8x8x128xf32, #tpu.memory_space<hbm>> -> memref<8x8x128xf32, #tpu.memory_space<hbm>>
    tpu.enqueue_dma source(%dma_start3A_131 : memref<8x8x128xf32, #tpu.memory_space<hbm>>) target(%dma_start3A_127 : memref<8x8x128xf32, #tpu.memory_space<vmem>>) target_semaphore(%arg9 : memref<!tpu.dma_semaphore, #tpu.memory_space<semaphore_mem>>)
    %mul3A_132 = arith.constant 8 : i32
    %mul3A_133 = arith.muli %add3A, %mul3A_132 : i32
    %dma_start3A_134 = arith.constant 6 : i32
    %dma_start3A_135 = arith.constant 6 : i32
    %dma_start3A_136 = arith.constant 0 : i32
    %dma_start3A_137 = arith.constant 0 : i32
    %dma_start3A_138 = arith.constant 0 : i32
    %dma_start3A_139 = tpu.memref_slice %arg6[%dma_start3A_135, %dma_start3A_136, %dma_start3A_137, %dma_start3A_138] : memref<8x8x8x144xf32, #tpu.memory_space<vmem>> -> memref<1x8x8x128xf32, #tpu.memory_space<vmem>>
    %dma_start3A_140 = tpu.memref_squeeze %dma_start3A_139 : memref<1x8x8x128xf32, #tpu.memory_space<vmem>> -> memref<8x8x128xf32, #tpu.memory_space<vmem>>
    %dma_start3A_141 = arith.constant 0 : i32
    %dma_start3A_142 = arith.constant 0 : i32
    %dma_start3A_143 = tpu.memref_slice %arg2[%dma_start3A_134, %mul3A_133, %dma_start3A_141, %dma_start3A_142] : memref<8x256x8x128xf32, #tpu.memory_space<hbm>> -> memref<1x8x8x128xf32, #tpu.memory_space<hbm>>
    %dma_start3A_144 = tpu.memref_squeeze %dma_start3A_143 : memref<1x8x8x128xf32, #tpu.memory_space<hbm>> -> memref<8x8x128xf32, #tpu.memory_space<hbm>>
    %dma_start3A_145 = arith.constant 0 : i32
    %dma_start3A_146 = arith.constant 0 : i32
    %dma_start3A_147 = arith.constant 0 : i32
    %dma_start3A_148 = tpu.memref_slice %arg6[%dma_start3A_135, %dma_start3A_145, %dma_start3A_146, %dma_start3A_147] : memref<8x8x8x144xf32, #tpu.memory_space<vmem>> -> memref<1x8x8x128xf32, #tpu.memory_space<vmem>>
    %dma_start3A_149 = tpu.memref_squeeze %dma_start3A_148 : memref<1x8x8x128xf32, #tpu.memory_space<vmem>> -> memref<8x8x128xf32, #tpu.memory_space<vmem>>
    %dma_start3A_150 = arith.constant 0 : i32
    %dma_start3A_151 = arith.constant 0 : i32
    %dma_start3A_152 = tpu.memref_slice %arg2[%dma_start3A_134, %mul3A_133, %dma_start3A_150, %dma_start3A_151] : memref<8x256x8x128xf32, #tpu.memory_space<hbm>> -> memref<1x8x8x128xf32, #tpu.memory_space<hbm>>
    %dma_start3A_153 = tpu.memref_squeeze %dma_start3A_152 : memref<1x8x8x128xf32, #tpu.memory_space<hbm>> -> memref<8x8x128xf32, #tpu.memory_space<hbm>>
    tpu.enqueue_dma source(%dma_start3A_153 : memref<8x8x128xf32, #tpu.memory_space<hbm>>) target(%dma_start3A_149 : memref<8x8x128xf32, #tpu.memory_space<vmem>>) target_semaphore(%arg9 : memref<!tpu.dma_semaphore, #tpu.memory_space<semaphore_mem>>)
    %mul3A_154 = arith.constant 8 : i32
    %mul3A_155 = arith.muli %add3A, %mul3A_154 : i32
    %dma_start3A_156 = arith.constant 7 : i32
    %dma_start3A_157 = arith.constant 7 : i32
    %dma_start3A_158 = arith.constant 0 : i32
    %dma_start3A_159 = arith.constant 0 : i32
    %dma_start3A_160 = arith.constant 0 : i32
    %dma_start3A_161 = tpu.memref_slice %arg6[%dma_start3A_157, %dma_start3A_158, %dma_start3A_159, %dma_start3A_160] : memref<8x8x8x144xf32, #tpu.memory_space<vmem>> -> memref<1x8x8x128xf32, #tpu.memory_space<vmem>>
    %dma_start3A_162 = tpu.memref_squeeze %dma_start3A_161 : memref<1x8x8x128xf32, #tpu.memory_space<vmem>> -> memref<8x8x128xf32, #tpu.memory_space<vmem>>
    %dma_start3A_163 = arith.constant 0 : i32
    %dma_start3A_164 = arith.constant 0 : i32
    %dma_start3A_165 = tpu.memref_slice %arg2[%dma_start3A_156, %mul3A_155, %dma_start3A_163, %dma_start3A_164] : memref<8x256x8x128xf32, #tpu.memory_space<hbm>> -> memref<1x8x8x128xf32, #tpu.memory_space<hbm>>
    %dma_start3A_166 = tpu.memref_squeeze %dma_start3A_165 : memref<1x8x8x128xf32, #tpu.memory_space<hbm>> -> memref<8x8x128xf32, #tpu.memory_space<hbm>>
    %dma_start3A_167 = arith.constant 0 : i32
    %dma_start3A_168 = arith.constant 0 : i32
    %dma_start3A_169 = arith.constant 0 : i32
    %dma_start3A_170 = tpu.memref_slice %arg6[%dma_start3A_157, %dma_start3A_167, %dma_start3A_168, %dma_start3A_169] : memref<8x8x8x144xf32, #tpu.memory_space<vmem>> -> memref<1x8x8x128xf32, #tpu.memory_space<vmem>>
    %dma_start3A_171 = tpu.memref_squeeze %dma_start3A_170 : memref<1x8x8x128xf32, #tpu.memory_space<vmem>> -> memref<8x8x128xf32, #tpu.memory_space<vmem>>
    %dma_start3A_172 = arith.constant 0 : i32
    %dma_start3A_173 = arith.constant 0 : i32
    %dma_start3A_174 = tpu.memref_slice %arg2[%dma_start3A_156, %mul3A_155, %dma_start3A_172, %dma_start3A_173] : memref<8x256x8x128xf32, #tpu.memory_space<hbm>> -> memref<1x8x8x128xf32, #tpu.memory_space<hbm>>
    %dma_start3A_175 = tpu.memref_squeeze %dma_start3A_174 : memref<1x8x8x128xf32, #tpu.memory_space<hbm>> -> memref<8x8x128xf32, #tpu.memory_space<hbm>>
    tpu.enqueue_dma source(%dma_start3A_175 : memref<8x8x128xf32, #tpu.memory_space<hbm>>) target(%dma_start3A_171 : memref<8x8x128xf32, #tpu.memory_space<vmem>>) target_semaphore(%arg9 : memref<!tpu.dma_semaphore, #tpu.memory_space<semaphore_mem>>)
    %dma_wait3A = arith.constant 0 : i32
    %dma_wait3A_176 = arith.constant 0 : i32
    %dma_wait3A_177 = arith.constant 0 : i32
    %dma_wait3A_178 = arith.constant 0 : i32
    %dma_wait3A_179 = arith.constant 0 : i32
    %dma_wait3A_180 = tpu.memref_slice %arg6[%dma_wait3A_176, %dma_wait3A_177, %dma_wait3A_178, %dma_wait3A_179] : memref<8x8x8x144xf32, #tpu.memory_space<vmem>> -> memref<1x8x8x128xf32, #tpu.memory_space<vmem>>
    %dma_wait3A_181 = tpu.memref_squeeze %dma_wait3A_180 : memref<1x8x8x128xf32, #tpu.memory_space<vmem>> -> memref<8x8x128xf32, #tpu.memory_space<vmem>>
    %dma_wait3A_182 = arith.constant 0 : i32
    %dma_wait3A_183 = arith.constant 0 : i32
    %dma_wait3A_184 = tpu.memref_slice %arg2[%dma_wait3A, %mul3A_2, %dma_wait3A_182, %dma_wait3A_183] : memref<8x256x8x128xf32, #tpu.memory_space<hbm>> -> memref<1x8x8x128xf32, #tpu.memory_space<hbm>>
    %dma_wait3A_185 = tpu.memref_squeeze %dma_wait3A_184 : memref<1x8x8x128xf32, #tpu.memory_space<hbm>> -> memref<8x8x128xf32, #tpu.memory_space<hbm>>
    %dma_wait3A_186 = arith.constant 0 : i32
    %dma_wait3A_187 = arith.constant 0 : i32
    %dma_wait3A_188 = arith.constant 0 : i32
    %dma_wait3A_189 = tpu.memref_slice %arg6[%dma_wait3A_176, %dma_wait3A_186, %dma_wait3A_187, %dma_wait3A_188] : memref<8x8x8x144xf32, #tpu.memory_space<vmem>> -> memref<1x8x8x128xf32, #tpu.memory_space<vmem>>
    %dma_wait3A_190 = tpu.memref_squeeze %dma_wait3A_189 : memref<1x8x8x128xf32, #tpu.memory_space<vmem>> -> memref<8x8x128xf32, #tpu.memory_space<vmem>>
    %dma_wait3A_191 = arith.constant 0 : i32
    %dma_wait3A_192 = arith.constant 0 : i32
    %dma_wait3A_193 = tpu.memref_slice %arg2[%dma_wait3A, %mul3A_2, %dma_wait3A_191, %dma_wait3A_192] : memref<8x256x8x128xf32, #tpu.memory_space<hbm>> -> memref<1x8x8x128xf32, #tpu.memory_space<hbm>>
    %dma_wait3A_194 = tpu.memref_squeeze %dma_wait3A_193 : memref<1x8x8x128xf32, #tpu.memory_space<hbm>> -> memref<8x8x128xf32, #tpu.memory_space<hbm>>
    tpu.wait_dma2 semaphore(%arg9 : memref<!tpu.dma_semaphore, #tpu.memory_space<semaphore_mem>>) src(%dma_wait3A_194 : memref<8x8x128xf32, #tpu.memory_space<hbm>>) dst(%dma_wait3A_190 : memref<8x8x128xf32, #tpu.memory_space<vmem>>)
    %dma_wait3A_195 = arith.constant 1 : i32
    %dma_wait3A_196 = arith.constant 1 : i32
    %dma_wait3A_197 = arith.constant 0 : i32
    %dma_wait3A_198 = arith.constant 0 : i32
    %dma_wait3A_199 = arith.constant 0 : i32
    %dma_wait3A_200 = tpu.memref_slice %arg6[%dma_wait3A_196, %dma_wait3A_197, %dma_wait3A_198, %dma_wait3A_199] : memref<8x8x8x144xf32, #tpu.memory_space<vmem>> -> memref<1x8x8x128xf32, #tpu.memory_space<vmem>>
    %dma_wait3A_201 = tpu.memref_squeeze %dma_wait3A_200 : memref<1x8x8x128xf32, #tpu.memory_space<vmem>> -> memref<8x8x128xf32, #tpu.memory_space<vmem>>
    %dma_wait3A_202 = arith.constant 0 : i32
    %dma_wait3A_203 = arith.constant 0 : i32
    %dma_wait3A_204 = tpu.memref_slice %arg2[%dma_wait3A_195, %mul3A_23, %dma_wait3A_202, %dma_wait3A_203] : memref<8x256x8x128xf32, #tpu.memory_space<hbm>> -> memref<1x8x8x128xf32, #tpu.memory_space<hbm>>
    %dma_wait3A_205 = tpu.memref_squeeze %dma_wait3A_204 : memref<1x8x8x128xf32, #tpu.memory_space<hbm>> -> memref<8x8x128xf32, #tpu.memory_space<hbm>>
    %dma_wait3A_206 = arith.constant 0 : i32
    %dma_wait3A_207 = arith.constant 0 : i32
    %dma_wait3A_208 = arith.constant 0 : i32
    %dma_wait3A_209 = tpu.memref_slice %arg6[%dma_wait3A_196, %dma_wait3A_206, %dma_wait3A_207, %dma_wait3A_208] : memref<8x8x8x144xf32, #tpu.memory_space<vmem>> -> memref<1x8x8x128xf32, #tpu.memory_space<vmem>>
    %dma_wait3A_210 = tpu.memref_squeeze %dma_wait3A_209 : memref<1x8x8x128xf32, #tpu.memory_space<vmem>> -> memref<8x8x128xf32, #tpu.memory_space<vmem>>
    %dma_wait3A_211 = arith.constant 0 : i32
    %dma_wait3A_212 = arith.constant 0 : i32
    %dma_wait3A_213 = tpu.memref_slice %arg2[%dma_wait3A_195, %mul3A_23, %dma_wait3A_211, %dma_wait3A_212] : memref<8x256x8x128xf32, #tpu.memory_space<hbm>> -> memref<1x8x8x128xf32, #tpu.memory_space<hbm>>
    %dma_wait3A_214 = tpu.memref_squeeze %dma_wait3A_213 : memref<1x8x8x128xf32, #tpu.memory_space<hbm>> -> memref<8x8x128xf32, #tpu.memory_space<hbm>>
    tpu.wait_dma2 semaphore(%arg9 : memref<!tpu.dma_semaphore, #tpu.memory_space<semaphore_mem>>) src(%dma_wait3A_214 : memref<8x8x128xf32, #tpu.memory_space<hbm>>) dst(%dma_wait3A_210 : memref<8x8x128xf32, #tpu.memory_space<vmem>>)
    %dma_wait3A_215 = arith.constant 2 : i32
    %dma_wait3A_216 = arith.constant 2 : i32
    %dma_wait3A_217 = arith.constant 0 : i32
    %dma_wait3A_218 = arith.constant 0 : i32
    %dma_wait3A_219 = arith.constant 0 : i32
    %dma_wait3A_220 = tpu.memref_slice %arg6[%dma_wait3A_216, %dma_wait3A_217, %dma_wait3A_218, %dma_wait3A_219] : memref<8x8x8x144xf32, #tpu.memory_space<vmem>> -> memref<1x8x8x128xf32, #tpu.memory_space<vmem>>
    %dma_wait3A_221 = tpu.memref_squeeze %dma_wait3A_220 : memref<1x8x8x128xf32, #tpu.memory_space<vmem>> -> memref<8x8x128xf32, #tpu.memory_space<vmem>>
    %dma_wait3A_222 = arith.constant 0 : i32
    %dma_wait3A_223 = arith.constant 0 : i32
    %dma_wait3A_224 = tpu.memref_slice %arg2[%dma_wait3A_215, %mul3A_45, %dma_wait3A_222, %dma_wait3A_223] : memref<8x256x8x128xf32, #tpu.memory_space<hbm>> -> memref<1x8x8x128xf32, #tpu.memory_space<hbm>>
    %dma_wait3A_225 = tpu.memref_squeeze %dma_wait3A_224 : memref<1x8x8x128xf32, #tpu.memory_space<hbm>> -> memref<8x8x128xf32, #tpu.memory_space<hbm>>
    %dma_wait3A_226 = arith.constant 0 : i32
    %dma_wait3A_227 = arith.constant 0 : i32
    %dma_wait3A_228 = arith.constant 0 : i32
    %dma_wait3A_229 = tpu.memref_slice %arg6[%dma_wait3A_216, %dma_wait3A_226, %dma_wait3A_227, %dma_wait3A_228] : memref<8x8x8x144xf32, #tpu.memory_space<vmem>> -> memref<1x8x8x128xf32, #tpu.memory_space<vmem>>
    %dma_wait3A_230 = tpu.memref_squeeze %dma_wait3A_229 : memref<1x8x8x128xf32, #tpu.memory_space<vmem>> -> memref<8x8x128xf32, #tpu.memory_space<vmem>>
    %dma_wait3A_231 = arith.constant 0 : i32
    %dma_wait3A_232 = arith.constant 0 : i32
    %dma_wait3A_233 = tpu.memref_slice %arg2[%dma_wait3A_215, %mul3A_45, %dma_wait3A_231, %dma_wait3A_232] : memref<8x256x8x128xf32, #tpu.memory_space<hbm>> -> memref<1x8x8x128xf32, #tpu.memory_space<hbm>>
    %dma_wait3A_234 = tpu.memref_squeeze %dma_wait3A_233 : memref<1x8x8x128xf32, #tpu.memory_space<hbm>> -> memref<8x8x128xf32, #tpu.memory_space<hbm>>
    tpu.wait_dma2 semaphore(%arg9 : memref<!tpu.dma_semaphore, #tpu.memory_space<semaphore_mem>>) src(%dma_wait3A_234 : memref<8x8x128xf32, #tpu.memory_space<hbm>>) dst(%dma_wait3A_230 : memref<8x8x128xf32, #tpu.memory_space<vmem>>)
    %dma_wait3A_235 = arith.constant 3 : i32
    %dma_wait3A_236 = arith.constant 3 : i32
    %dma_wait3A_237 = arith.constant 0 : i32
    %dma_wait3A_238 = arith.constant 0 : i32
    %dma_wait3A_239 = arith.constant 0 : i32
    %dma_wait3A_240 = tpu.memref_slice %arg6[%dma_wait3A_236, %dma_wait3A_237, %dma_wait3A_238, %dma_wait3A_239] : memref<8x8x8x144xf32, #tpu.memory_space<vmem>> -> memref<1x8x8x128xf32, #tpu.memory_space<vmem>>
    %dma_wait3A_241 = tpu.memref_squeeze %dma_wait3A_240 : memref<1x8x8x128xf32, #tpu.memory_space<vmem>> -> memref<8x8x128xf32, #tpu.memory_space<vmem>>
    %dma_wait3A_242 = arith.constant 0 : i32
    %dma_wait3A_243 = arith.constant 0 : i32
    %dma_wait3A_244 = tpu.memref_slice %arg2[%dma_wait3A_235, %mul3A_67, %dma_wait3A_242, %dma_wait3A_243] : memref<8x256x8x128xf32, #tpu.memory_space<hbm>> -> memref<1x8x8x128xf32, #tpu.memory_space<hbm>>
    %dma_wait3A_245 = tpu.memref_squeeze %dma_wait3A_244 : memref<1x8x8x128xf32, #tpu.memory_space<hbm>> -> memref<8x8x128xf32, #tpu.memory_space<hbm>>
    %dma_wait3A_246 = arith.constant 0 : i32
    %dma_wait3A_247 = arith.constant 0 : i32
    %dma_wait3A_248 = arith.constant 0 : i32
    %dma_wait3A_249 = tpu.memref_slice %arg6[%dma_wait3A_236, %dma_wait3A_246, %dma_wait3A_247, %dma_wait3A_248] : memref<8x8x8x144xf32, #tpu.memory_space<vmem>> -> memref<1x8x8x128xf32, #tpu.memory_space<vmem>>
    %dma_wait3A_250 = tpu.memref_squeeze %dma_wait3A_249 : memref<1x8x8x128xf32, #tpu.memory_space<vmem>> -> memref<8x8x128xf32, #tpu.memory_space<vmem>>
    %dma_wait3A_251 = arith.constant 0 : i32
    %dma_wait3A_252 = arith.constant 0 : i32
    %dma_wait3A_253 = tpu.memref_slice %arg2[%dma_wait3A_235, %mul3A_67, %dma_wait3A_251, %dma_wait3A_252] : memref<8x256x8x128xf32, #tpu.memory_space<hbm>> -> memref<1x8x8x128xf32, #tpu.memory_space<hbm>>
    %dma_wait3A_254 = tpu.memref_squeeze %dma_wait3A_253 : memref<1x8x8x128xf32, #tpu.memory_space<hbm>> -> memref<8x8x128xf32, #tpu.memory_space<hbm>>
    tpu.wait_dma2 semaphore(%arg9 : memref<!tpu.dma_semaphore, #tpu.memory_space<semaphore_mem>>) src(%dma_wait3A_254 : memref<8x8x128xf32, #tpu.memory_space<hbm>>) dst(%dma_wait3A_250 : memref<8x8x128xf32, #tpu.memory_space<vmem>>)
    %dma_wait3A_255 = arith.constant 4 : i32
    %dma_wait3A_256 = arith.constant 4 : i32
    %dma_wait3A_257 = arith.constant 0 : i32
    %dma_wait3A_258 = arith.constant 0 : i32
    %dma_wait3A_259 = arith.constant 0 : i32
    %dma_wait3A_260 = tpu.memref_slice %arg6[%dma_wait3A_256, %dma_wait3A_257, %dma_wait3A_258, %dma_wait3A_259] : memref<8x8x8x144xf32, #tpu.memory_space<vmem>> -> memref<1x8x8x128xf32, #tpu.memory_space<vmem>>
    %dma_wait3A_261 = tpu.memref_squeeze %dma_wait3A_260 : memref<1x8x8x128xf32, #tpu.memory_space<vmem>> -> memref<8x8x128xf32, #tpu.memory_space<vmem>>
    %dma_wait3A_262 = arith.constant 0 : i32
    %dma_wait3A_263 = arith.constant 0 : i32
    %dma_wait3A_264 = tpu.memref_slice %arg2[%dma_wait3A_255, %mul3A_89, %dma_wait3A_262, %dma_wait3A_263] : memref<8x256x8x128xf32, #tpu.memory_space<hbm>> -> memref<1x8x8x128xf32, #tpu.memory_space<hbm>>
    %dma_wait3A_265 = tpu.memref_squeeze %dma_wait3A_264 : memref<1x8x8x128xf32, #tpu.memory_space<hbm>> -> memref<8x8x128xf32, #tpu.memory_space<hbm>>
    %dma_wait3A_266 = arith.constant 0 : i32
    %dma_wait3A_267 = arith.constant 0 : i32
    %dma_wait3A_268 = arith.constant 0 : i32
    %dma_wait3A_269 = tpu.memref_slice %arg6[%dma_wait3A_256, %dma_wait3A_266, %dma_wait3A_267, %dma_wait3A_268] : memref<8x8x8x144xf32, #tpu.memory_space<vmem>> -> memref<1x8x8x128xf32, #tpu.memory_space<vmem>>
    %dma_wait3A_270 = tpu.memref_squeeze %dma_wait3A_269 : memref<1x8x8x128xf32, #tpu.memory_space<vmem>> -> memref<8x8x128xf32, #tpu.memory_space<vmem>>
    %dma_wait3A_271 = arith.constant 0 : i32
    %dma_wait3A_272 = arith.constant 0 : i32
    %dma_wait3A_273 = tpu.memref_slice %arg2[%dma_wait3A_255, %mul3A_89, %dma_wait3A_271, %dma_wait3A_272] : memref<8x256x8x128xf32, #tpu.memory_space<hbm>> -> memref<1x8x8x128xf32, #tpu.memory_space<hbm>>
    %dma_wait3A_274 = tpu.memref_squeeze %dma_wait3A_273 : memref<1x8x8x128xf32, #tpu.memory_space<hbm>> -> memref<8x8x128xf32, #tpu.memory_space<hbm>>
    tpu.wait_dma2 semaphore(%arg9 : memref<!tpu.dma_semaphore, #tpu.memory_space<semaphore_mem>>) src(%dma_wait3A_274 : memref<8x8x128xf32, #tpu.memory_space<hbm>>) dst(%dma_wait3A_270 : memref<8x8x128xf32, #tpu.memory_space<vmem>>)
    %dma_wait3A_275 = arith.constant 5 : i32
    %dma_wait3A_276 = arith.constant 5 : i32
    %dma_wait3A_277 = arith.constant 0 : i32
    %dma_wait3A_278 = arith.constant 0 : i32
    %dma_wait3A_279 = arith.constant 0 : i32
    %dma_wait3A_280 = tpu.memref_slice %arg6[%dma_wait3A_276, %dma_wait3A_277, %dma_wait3A_278, %dma_wait3A_279] : memref<8x8x8x144xf32, #tpu.memory_space<vmem>> -> memref<1x8x8x128xf32, #tpu.memory_space<vmem>>
    %dma_wait3A_281 = tpu.memref_squeeze %dma_wait3A_280 : memref<1x8x8x128xf32, #tpu.memory_space<vmem>> -> memref<8x8x128xf32, #tpu.memory_space<vmem>>
    %dma_wait3A_282 = arith.constant 0 : i32
    %dma_wait3A_283 = arith.constant 0 : i32
    %dma_wait3A_284 = tpu.memref_slice %arg2[%dma_wait3A_275, %mul3A_111, %dma_wait3A_282, %dma_wait3A_283] : memref<8x256x8x128xf32, #tpu.memory_space<hbm>> -> memref<1x8x8x128xf32, #tpu.memory_space<hbm>>
    %dma_wait3A_285 = tpu.memref_squeeze %dma_wait3A_284 : memref<1x8x8x128xf32, #tpu.memory_space<hbm>> -> memref<8x8x128xf32, #tpu.memory_space<hbm>>
    %dma_wait3A_286 = arith.constant 0 : i32
    %dma_wait3A_287 = arith.constant 0 : i32
    %dma_wait3A_288 = arith.constant 0 : i32
    %dma_wait3A_289 = tpu.memref_slice %arg6[%dma_wait3A_276, %dma_wait3A_286, %dma_wait3A_287, %dma_wait3A_288] : memref<8x8x8x144xf32, #tpu.memory_space<vmem>> -> memref<1x8x8x128xf32, #tpu.memory_space<vmem>>
    %dma_wait3A_290 = tpu.memref_squeeze %dma_wait3A_289 : memref<1x8x8x128xf32, #tpu.memory_space<vmem>> -> memref<8x8x128xf32, #tpu.memory_space<vmem>>
    %dma_wait3A_291 = arith.constant 0 : i32
    %dma_wait3A_292 = arith.constant 0 : i32
    %dma_wait3A_293 = tpu.memref_slice %arg2[%dma_wait3A_275, %mul3A_111, %dma_wait3A_291, %dma_wait3A_292] : memref<8x256x8x128xf32, #tpu.memory_space<hbm>> -> memref<1x8x8x128xf32, #tpu.memory_space<hbm>>
    %dma_wait3A_294 = tpu.memref_squeeze %dma_wait3A_293 : memref<1x8x8x128xf32, #tpu.memory_space<hbm>> -> memref<8x8x128xf32, #tpu.memory_space<hbm>>
    tpu.wait_dma2 semaphore(%arg9 : memref<!tpu.dma_semaphore, #tpu.memory_space<semaphore_mem>>) src(%dma_wait3A_294 : memref<8x8x128xf32, #tpu.memory_space<hbm>>) dst(%dma_wait3A_290 : memref<8x8x128xf32, #tpu.memory_space<vmem>>)
    %dma_wait3A_295 = arith.constant 6 : i32
    %dma_wait3A_296 = arith.constant 6 : i32
    %dma_wait3A_297 = arith.constant 0 : i32
    %dma_wait3A_298 = arith.constant 0 : i32
    %dma_wait3A_299 = arith.constant 0 : i32
    %dma_wait3A_300 = tpu.memref_slice %arg6[%dma_wait3A_296, %dma_wait3A_297, %dma_wait3A_298, %dma_wait3A_299] : memref<8x8x8x144xf32, #tpu.memory_space<vmem>> -> memref<1x8x8x128xf32, #tpu.memory_space<vmem>>
    %dma_wait3A_301 = tpu.memref_squeeze %dma_wait3A_300 : memref<1x8x8x128xf32, #tpu.memory_space<vmem>> -> memref<8x8x128xf32, #tpu.memory_space<vmem>>
    %dma_wait3A_302 = arith.constant 0 : i32
    %dma_wait3A_303 = arith.constant 0 : i32
    %dma_wait3A_304 = tpu.memref_slice %arg2[%dma_wait3A_295, %mul3A_133, %dma_wait3A_302, %dma_wait3A_303] : memref<8x256x8x128xf32, #tpu.memory_space<hbm>> -> memref<1x8x8x128xf32, #tpu.memory_space<hbm>>
    %dma_wait3A_305 = tpu.memref_squeeze %dma_wait3A_304 : memref<1x8x8x128xf32, #tpu.memory_space<hbm>> -> memref<8x8x128xf32, #tpu.memory_space<hbm>>
    %dma_wait3A_306 = arith.constant 0 : i32
    %dma_wait3A_307 = arith.constant 0 : i32
    %dma_wait3A_308 = arith.constant 0 : i32
    %dma_wait3A_309 = tpu.memref_slice %arg6[%dma_wait3A_296, %dma_wait3A_306, %dma_wait3A_307, %dma_wait3A_308] : memref<8x8x8x144xf32, #tpu.memory_space<vmem>> -> memref<1x8x8x128xf32, #tpu.memory_space<vmem>>
    %dma_wait3A_310 = tpu.memref_squeeze %dma_wait3A_309 : memref<1x8x8x128xf32, #tpu.memory_space<vmem>> -> memref<8x8x128xf32, #tpu.memory_space<vmem>>
    %dma_wait3A_311 = arith.constant 0 : i32
    %dma_wait3A_312 = arith.constant 0 : i32
    %dma_wait3A_313 = tpu.memref_slice %arg2[%dma_wait3A_295, %mul3A_133, %dma_wait3A_311, %dma_wait3A_312] : memref<8x256x8x128xf32, #tpu.memory_space<hbm>> -> memref<1x8x8x128xf32, #tpu.memory_space<hbm>>
    %dma_wait3A_314 = tpu.memref_squeeze %dma_wait3A_313 : memref<1x8x8x128xf32, #tpu.memory_space<hbm>> -> memref<8x8x128xf32, #tpu.memory_space<hbm>>
    tpu.wait_dma2 semaphore(%arg9 : memref<!tpu.dma_semaphore, #tpu.memory_space<semaphore_mem>>) src(%dma_wait3A_314 : memref<8x8x128xf32, #tpu.memory_space<hbm>>) dst(%dma_wait3A_310 : memref<8x8x128xf32, #tpu.memory_space<vmem>>)
    %dma_wait3A_315 = arith.constant 7 : i32
    %dma_wait3A_316 = arith.constant 7 : i32
    %dma_wait3A_317 = arith.constant 0 : i32
    %dma_wait3A_318 = arith.constant 0 : i32
    %dma_wait3A_319 = arith.constant 0 : i32
    %dma_wait3A_320 = tpu.memref_slice %arg6[%dma_wait3A_316, %dma_wait3A_317, %dma_wait3A_318, %dma_wait3A_319] : memref<8x8x8x144xf32, #tpu.memory_space<vmem>> -> memref<1x8x8x128xf32, #tpu.memory_space<vmem>>
    %dma_wait3A_321 = tpu.memref_squeeze %dma_wait3A_320 : memref<1x8x8x128xf32, #tpu.memory_space<vmem>> -> memref<8x8x128xf32, #tpu.memory_space<vmem>>
    %dma_wait3A_322 = arith.constant 0 : i32
    %dma_wait3A_323 = arith.constant 0 : i32
    %dma_wait3A_324 = tpu.memref_slice %arg2[%dma_wait3A_315, %mul3A_155, %dma_wait3A_322, %dma_wait3A_323] : memref<8x256x8x128xf32, #tpu.memory_space<hbm>> -> memref<1x8x8x128xf32, #tpu.memory_space<hbm>>
    %dma_wait3A_325 = tpu.memref_squeeze %dma_wait3A_324 : memref<1x8x8x128xf32, #tpu.memory_space<hbm>> -> memref<8x8x128xf32, #tpu.memory_space<hbm>>
    %dma_wait3A_326 = arith.constant 0 : i32
    %dma_wait3A_327 = arith.constant 0 : i32
    %dma_wait3A_328 = arith.constant 0 : i32
    %dma_wait3A_329 = tpu.memref_slice %arg6[%dma_wait3A_316, %dma_wait3A_326, %dma_wait3A_327, %dma_wait3A_328] : memref<8x8x8x144xf32, #tpu.memory_space<vmem>> -> memref<1x8x8x128xf32, #tpu.memory_space<vmem>>
    %dma_wait3A_330 = tpu.memref_squeeze %dma_wait3A_329 : memref<1x8x8x128xf32, #tpu.memory_space<vmem>> -> memref<8x8x128xf32, #tpu.memory_space<vmem>>
    %dma_wait3A_331 = arith.constant 0 : i32
    %dma_wait3A_332 = arith.constant 0 : i32
    %dma_wait3A_333 = tpu.memref_slice %arg2[%dma_wait3A_315, %mul3A_155, %dma_wait3A_331, %dma_wait3A_332] : memref<8x256x8x128xf32, #tpu.memory_space<hbm>> -> memref<1x8x8x128xf32, #tpu.memory_space<hbm>>
    %dma_wait3A_334 = tpu.memref_squeeze %dma_wait3A_333 : memref<1x8x8x128xf32, #tpu.memory_space<hbm>> -> memref<8x8x128xf32, #tpu.memory_space<hbm>>
    tpu.wait_dma2 semaphore(%arg9 : memref<!tpu.dma_semaphore, #tpu.memory_space<semaphore_mem>>) src(%dma_wait3A_334 : memref<8x8x128xf32, #tpu.memory_space<hbm>>) dst(%dma_wait3A_330 : memref<8x8x128xf32, #tpu.memory_space<vmem>>)
    %iota3A = tpu.iota {dimensions = array<i32: 0>} : vector<16xi32>
    %lt3A = arith.constant 8 : i32
    %lt3A_335 = vector.broadcast %lt3A : i32 to vector<16xi32>
    %lt3A_336 = arith.cmpi slt, %iota3A, %lt3A_335 : vector<16xi32>
    %shift_right_arithmetic3A = arith.constant 3 : i32
    %shift_right_arithmetic3A_337 = vector.broadcast %shift_right_arithmetic3A : i32 to vector<16xi32>
    %shift_right_arithmetic3A_338 = arith.shrsi %iota3A, %shift_right_arithmetic3A_337 : vector<16xi32>
    %and3A = arith.constant 7 : i32
    %and3A_339 = vector.broadcast %and3A : i32 to vector<16xi32>
    %and3A_340 = arith.andi %iota3A, %and3A_339 : vector<16xi32>
    %parallel_loop3A = arith.constant 0 : i32
    %parallel_loop3A_341 = arith.constant 1024 : i32
    %parallel_loop3A_342 = arith.constant 1 : i32
    scf.for %parallel_loop3A_436 = %parallel_loop3A to %parallel_loop3A_341 step %parallel_loop3A_342  : i32 {
      %parallel_loop3A_437 = arith.constant 128 : i32
      %parallel_loop3A_438 = arith.divsi %parallel_loop3A_436, %parallel_loop3A_437 : i32
      %parallel_loop3A_439 = arith.constant 0 : i32
      %parallel_loop3A_440 = arith.cmpi sgt, %parallel_loop3A_436, %parallel_loop3A_439 : i32
      %parallel_loop3A_441 = arith.extui %parallel_loop3A_440 : i1 to i32
      %parallel_loop3A_442 = arith.constant 0 : i32
      %parallel_loop3A_443 = arith.cmpi slt, %parallel_loop3A_436, %parallel_loop3A_442 : i32
      %parallel_loop3A_444 = arith.extui %parallel_loop3A_443 : i1 to i32
      %parallel_loop3A_445 = arith.subi %parallel_loop3A_441, %parallel_loop3A_444 : i32
      %parallel_loop3A_446 = arith.constant 0 : i32
      %parallel_loop3A_447 = arith.cmpi sgt, %parallel_loop3A_437, %parallel_loop3A_446 : i32
      %parallel_loop3A_448 = arith.extui %parallel_loop3A_447 : i1 to i32
      %parallel_loop3A_449 = arith.constant 0 : i32
      %parallel_loop3A_450 = arith.cmpi slt, %parallel_loop3A_437, %parallel_loop3A_449 : i32
      %parallel_loop3A_451 = arith.extui %parallel_loop3A_450 : i1 to i32
      %parallel_loop3A_452 = arith.subi %parallel_loop3A_448, %parallel_loop3A_451 : i32
      %parallel_loop3A_453 = arith.cmpi ne, %parallel_loop3A_445, %parallel_loop3A_452 : i32
      %parallel_loop3A_454 = arith.remsi %parallel_loop3A_436, %parallel_loop3A_437 : i32
      %parallel_loop3A_455 = arith.constant 0 : i32
      %parallel_loop3A_456 = arith.cmpi ne, %parallel_loop3A_454, %parallel_loop3A_455 : i32
      %parallel_loop3A_457 = arith.andi %parallel_loop3A_453, %parallel_loop3A_456 : i1
      %parallel_loop3A_458 = arith.constant 1 : i32
      %parallel_loop3A_459 = arith.subi %parallel_loop3A_438, %parallel_loop3A_458 : i32
      %parallel_loop3A_460 = arith.select %parallel_loop3A_457, %parallel_loop3A_459, %parallel_loop3A_438 : i32
      %parallel_loop3A_461 = arith.constant 128 : i32
      %parallel_loop3A_462 = arith.constant 0 : i32
      %parallel_loop3A_463 = arith.cmpi eq, %parallel_loop3A_461, %parallel_loop3A_462 : i32
      %parallel_loop3A_464 = arith.constant 1 : i32
      %parallel_loop3A_465 = arith.select %parallel_loop3A_463, %parallel_loop3A_464, %parallel_loop3A_461 : i32
      %parallel_loop3A_466 = arith.remsi %parallel_loop3A_436, %parallel_loop3A_465 : i32
      %parallel_loop3A_467 = arith.constant 0 : i32
      %parallel_loop3A_468 = arith.cmpi ne, %parallel_loop3A_466, %parallel_loop3A_467 : i32
      %parallel_loop3A_469 = arith.constant 0 : i32
      %parallel_loop3A_470 = arith.cmpi slt, %parallel_loop3A_466, %parallel_loop3A_469 : i32
      %parallel_loop3A_471 = arith.constant 0 : i32
      %parallel_loop3A_472 = arith.cmpi slt, %parallel_loop3A_465, %parallel_loop3A_471 : i32
      %parallel_loop3A_473 = arith.xori %parallel_loop3A_470, %parallel_loop3A_472 : i1
      %parallel_loop3A_474 = arith.andi %parallel_loop3A_473, %parallel_loop3A_468 : i1
      %parallel_loop3A_475 = arith.addi %parallel_loop3A_466, %parallel_loop3A_465 : i32
      %parallel_loop3A_476 = arith.select %parallel_loop3A_474, %parallel_loop3A_475, %parallel_loop3A_466 : i32
      %parallel_loop3A_477 = arith.constant 0 : i32
      %parallel_loop3A_478 = vector.broadcast %parallel_loop3A_477 : i32 to vector<16xi32>
      %parallel_loop3A_479 = vector.broadcast %parallel_loop3A_460 : i32 to vector<16xi32>
      %parallel_loop3A_480 = arith.addi %parallel_loop3A_478, %parallel_loop3A_479 : vector<16xi32>
      %parallel_loop3A_481 = arith.constant 0 : i32
      %parallel_loop3A_482 = vector.broadcast %parallel_loop3A_481 : i32 to vector<16xi32>
      %parallel_loop3A_483 = vector.broadcast %parallel_loop3A_476 : i32 to vector<16xi32>
      %parallel_loop3A_484 = arith.addi %parallel_loop3A_482, %parallel_loop3A_483 : vector<16xi32>
      %parallel_loop3A_485 = arith.constant 0 : i32
      %parallel_loop3A_486 = vector.broadcast %parallel_loop3A_485 : i32 to vector<16xi32>
      %parallel_loop3A_487 = arith.addi %shift_right_arithmetic3A_338, %parallel_loop3A_486 : vector<16xi32>
      %parallel_loop3A_488 = tpu.vector_load_idx %arg6[%parallel_loop3A_487, %parallel_loop3A_480, %and3A_340, %parallel_loop3A_484] : memref<8x8x8x144xf32, #tpu.memory_space<vmem>>[vector<16xi32>, vector<16xi32>, vector<16xi32>, vector<16xi32>], vector<16xf32>,
      %parallel_loop3A_489 = arith.constant 0 : i32
      %parallel_loop3A_490 = vector.broadcast %parallel_loop3A_489 : i32 to vector<16xi32>
      %parallel_loop3A_491 = arith.addi %iota3A, %parallel_loop3A_490 : vector<16xi32>
      %parallel_loop3A_492 = arith.constant dense<true> : vector<16xi1>
      %parallel_loop3A_493, %parallel_loop3A_494, %parallel_loop3A_495 = tpu.sort %parallel_loop3A_488, %parallel_loop3A_491 masked %parallel_loop3A_492 {descending = true} : (vector<16xf32>, vector<16xi32>, vector<16xi1>) -> (vector<16xi1>, vector<16xf32>, vector<16xi32>)
      %parallel_loop3A_496 = arith.constant 2 : i32
      %parallel_loop3A_497 = vector.broadcast %parallel_loop3A_496 : i32 to vector<16xi32>
      %parallel_loop3A_498 = arith.addi %shift_right_arithmetic3A_338, %parallel_loop3A_497 : vector<16xi32>
      %parallel_loop3A_499 = tpu.vector_load_idx %arg6[%parallel_loop3A_498, %parallel_loop3A_480, %and3A_340, %parallel_loop3A_484] : memref<8x8x8x144xf32, #tpu.memory_space<vmem>>[vector<16xi32>, vector<16xi32>, vector<16xi32>, vector<16xi32>], vector<16xf32>,
      %parallel_loop3A_500 = arith.constant 16 : i32
      %parallel_loop3A_501 = vector.broadcast %parallel_loop3A_500 : i32 to vector<16xi32>
      %parallel_loop3A_502 = arith.addi %iota3A, %parallel_loop3A_501 : vector<16xi32>
      %parallel_loop3A_503 = arith.constant dense<true> : vector<16xi1>
      %parallel_loop3A_504, %parallel_loop3A_505, %parallel_loop3A_506 = tpu.sort %parallel_loop3A_499, %parallel_loop3A_502 masked %parallel_loop3A_503 {descending = true} : (vector<16xf32>, vector<16xi32>, vector<16xi1>) -> (vector<16xi1>, vector<16xf32>, vector<16xi32>)
      %parallel_loop3A_507 = arith.constant 4 : i32
      %parallel_loop3A_508 = vector.broadcast %parallel_loop3A_507 : i32 to vector<16xi32>
      %parallel_loop3A_509 = arith.addi %shift_right_arithmetic3A_338, %parallel_loop3A_508 : vector<16xi32>
      %parallel_loop3A_510 = tpu.vector_load_idx %arg6[%parallel_loop3A_509, %parallel_loop3A_480, %and3A_340, %parallel_loop3A_484] : memref<8x8x8x144xf32, #tpu.memory_space<vmem>>[vector<16xi32>, vector<16xi32>, vector<16xi32>, vector<16xi32>], vector<16xf32>,
      %parallel_loop3A_511 = arith.constant 32 : i32
      %parallel_loop3A_512 = vector.broadcast %parallel_loop3A_511 : i32 to vector<16xi32>
      %parallel_loop3A_513 = arith.addi %iota3A, %parallel_loop3A_512 : vector<16xi32>
      %parallel_loop3A_514 = arith.constant dense<true> : vector<16xi1>
      %parallel_loop3A_515, %parallel_loop3A_516, %parallel_loop3A_517 = tpu.sort %parallel_loop3A_510, %parallel_loop3A_513 masked %parallel_loop3A_514 {descending = true} : (vector<16xf32>, vector<16xi32>, vector<16xi1>) -> (vector<16xi1>, vector<16xf32>, vector<16xi32>)
      %parallel_loop3A_518 = arith.constant 6 : i32
      %parallel_loop3A_519 = vector.broadcast %parallel_loop3A_518 : i32 to vector<16xi32>
      %parallel_loop3A_520 = arith.addi %shift_right_arithmetic3A_338, %parallel_loop3A_519 : vector<16xi32>
      %parallel_loop3A_521 = tpu.vector_load_idx %arg6[%parallel_loop3A_520, %parallel_loop3A_480, %and3A_340, %parallel_loop3A_484] : memref<8x8x8x144xf32, #tpu.memory_space<vmem>>[vector<16xi32>, vector<16xi32>, vector<16xi32>, vector<16xi32>], vector<16xf32>,
      %parallel_loop3A_522 = arith.constant 48 : i32
      %parallel_loop3A_523 = vector.broadcast %parallel_loop3A_522 : i32 to vector<16xi32>
      %parallel_loop3A_524 = arith.addi %iota3A, %parallel_loop3A_523 : vector<16xi32>
      %parallel_loop3A_525 = arith.constant dense<true> : vector<16xi1>
      %parallel_loop3A_526, %parallel_loop3A_527, %parallel_loop3A_528 = tpu.sort %parallel_loop3A_521, %parallel_loop3A_524 masked %parallel_loop3A_525 {descending = true} : (vector<16xf32>, vector<16xi32>, vector<16xi1>) -> (vector<16xi1>, vector<16xf32>, vector<16xi32>)
      %parallel_loop3A_529 = arith.constant 15 : i32
      %parallel_loop3A_530 = vector.broadcast %parallel_loop3A_529 : i32 to vector<16xi32>
      %parallel_loop3A_531 = tpu.iota {dimensions = array<i32: 0>} : vector<16xi32>
      %parallel_loop3A_532 = arith.subi %parallel_loop3A_530, %parallel_loop3A_531 : vector<16xi32>
      %parallel_loop3A_533 = tpu.dynamic_gather %parallel_loop3A_505[%parallel_loop3A_532] in [0] : vector<16xf32>, vector<16xi32> -> vector<16xf32>
      %parallel_loop3A_534 = arith.constant 15 : i32
      %parallel_loop3A_535 = vector.broadcast %parallel_loop3A_534 : i32 to vector<16xi32>
      %parallel_loop3A_536 = tpu.iota {dimensions = array<i32: 0>} : vector<16xi32>
      %parallel_loop3A_537 = arith.subi %parallel_loop3A_535, %parallel_loop3A_536 : vector<16xi32>
      %parallel_loop3A_538 = tpu.dynamic_gather %parallel_loop3A_506[%parallel_loop3A_537] in [0] : vector<16xi32>, vector<16xi32> -> vector<16xi32>
      %parallel_loop3A_539 = arith.select %lt3A_336, %parallel_loop3A_494, %parallel_loop3A_533 : vector<16xi1>, vector<16xf32>
      %parallel_loop3A_540 = arith.select %lt3A_336, %parallel_loop3A_495, %parallel_loop3A_538 : vector<16xi1>, vector<16xi32>
      %parallel_loop3A_541 = arith.constant dense<true> : vector<16xi1>
      %parallel_loop3A_542, %parallel_loop3A_543, %parallel_loop3A_544 = tpu.sort %parallel_loop3A_539, %parallel_loop3A_540 masked %parallel_loop3A_541 {descending = true} : (vector<16xf32>, vector<16xi32>, vector<16xi1>) -> (vector<16xi1>, vector<16xf32>, vector<16xi32>)
      %parallel_loop3A_545 = arith.constant 15 : i32
      %parallel_loop3A_546 = vector.broadcast %parallel_loop3A_545 : i32 to vector<16xi32>
      %parallel_loop3A_547 = tpu.iota {dimensions = array<i32: 0>} : vector<16xi32>
      %parallel_loop3A_548 = arith.subi %parallel_loop3A_546, %parallel_loop3A_547 : vector<16xi32>
      %parallel_loop3A_549 = tpu.dynamic_gather %parallel_loop3A_527[%parallel_loop3A_548] in [0] : vector<16xf32>, vector<16xi32> -> vector<16xf32>
      %parallel_loop3A_550 = arith.constant 15 : i32
      %parallel_loop3A_551 = vector.broadcast %parallel_loop3A_550 : i32 to vector<16xi32>
      %parallel_loop3A_552 = tpu.iota {dimensions = array<i32: 0>} : vector<16xi32>
      %parallel_loop3A_553 = arith.subi %parallel_loop3A_551, %parallel_loop3A_552 : vector<16xi32>
      %parallel_loop3A_554 = tpu.dynamic_gather %parallel_loop3A_528[%parallel_loop3A_553] in [0] : vector<16xi32>, vector<16xi32> -> vector<16xi32>
      %parallel_loop3A_555 = arith.select %lt3A_336, %parallel_loop3A_516, %parallel_loop3A_549 : vector<16xi1>, vector<16xf32>
      %parallel_loop3A_556 = arith.select %lt3A_336, %parallel_loop3A_517, %parallel_loop3A_554 : vector<16xi1>, vector<16xi32>
      %parallel_loop3A_557 = arith.constant dense<true> : vector<16xi1>
      %parallel_loop3A_558, %parallel_loop3A_559, %parallel_loop3A_560 = tpu.sort %parallel_loop3A_555, %parallel_loop3A_556 masked %parallel_loop3A_557 {descending = true} : (vector<16xf32>, vector<16xi32>, vector<16xi1>) -> (vector<16xi1>, vector<16xf32>, vector<16xi32>)
      %parallel_loop3A_561 = arith.constant 15 : i32
      %parallel_loop3A_562 = vector.broadcast %parallel_loop3A_561 : i32 to vector<16xi32>
      %parallel_loop3A_563 = tpu.iota {dimensions = array<i32: 0>} : vector<16xi32>
      %parallel_loop3A_564 = arith.subi %parallel_loop3A_562, %parallel_loop3A_563 : vector<16xi32>
      %parallel_loop3A_565 = tpu.dynamic_gather %parallel_loop3A_559[%parallel_loop3A_564] in [0] : vector<16xf32>, vector<16xi32> -> vector<16xf32>
      %parallel_loop3A_566 = arith.constant 15 : i32
      %parallel_loop3A_567 = vector.broadcast %parallel_loop3A_566 : i32 to vector<16xi32>
      %parallel_loop3A_568 = tpu.iota {dimensions = array<i32: 0>} : vector<16xi32>
      %parallel_loop3A_569 = arith.subi %parallel_loop3A_567, %parallel_loop3A_568 : vector<16xi32>
      %parallel_loop3A_570 = tpu.dynamic_gather %parallel_loop3A_560[%parallel_loop3A_569] in [0] : vector<16xi32>, vector<16xi32> -> vector<16xi32>
      %parallel_loop3A_571 = arith.select %lt3A_336, %parallel_loop3A_543, %parallel_loop3A_565 : vector<16xi1>, vector<16xf32>
      %parallel_loop3A_572 = arith.select %lt3A_336, %parallel_loop3A_544, %parallel_loop3A_570 : vector<16xi1>, vector<16xi32>
      %parallel_loop3A_573 = arith.constant dense<true> : vector<16xi1>
      %parallel_loop3A_574, %parallel_loop3A_575, %parallel_loop3A_576 = tpu.sort %parallel_loop3A_571, %parallel_loop3A_572 masked %parallel_loop3A_573 {descending = true} : (vector<16xf32>, vector<16xi32>, vector<16xi1>) -> (vector<16xi1>, vector<16xf32>, vector<16xi32>)
      tpu.vector_store_idx %arg7[%parallel_loop3A_480, %iota3A, %parallel_loop3A_484], %parallel_loop3A_575 masked %lt3A_336 : memref<8x8x144xf32, #tpu.memory_space<vmem>>[vector<16xi32>, vector<16xi32>, vector<16xi32>], vector<16xf32>, vector<16xi1>
      tpu.vector_store_idx %arg8[%parallel_loop3A_480, %iota3A, %parallel_loop3A_484], %parallel_loop3A_576 masked %lt3A_336 : memref<8x8x144xi32, #tpu.memory_space<vmem>>[vector<16xi32>, vector<16xi32>, vector<16xi32>], vector<16xi32>, vector<16xi1>
    } {sc.loop_unroll_factor = 8 : i64, sc.parallel_access}
    %parallel_loop3A_343 = arith.constant 0 : i32
    %parallel_loop3A_344 = arith.constant 64 : i32
    %parallel_loop3A_345 = arith.constant 1 : i32
    scf.for %parallel_loop3A_436 = %parallel_loop3A_343 to %parallel_loop3A_344 step %parallel_loop3A_345  : i32 {
      %parallel_loop3A_437 = arith.constant 8 : i32
      %parallel_loop3A_438 = arith.divsi %parallel_loop3A_436, %parallel_loop3A_437 : i32
      %parallel_loop3A_439 = arith.constant 0 : i32
      %parallel_loop3A_440 = arith.cmpi sgt, %parallel_loop3A_436, %parallel_loop3A_439 : i32
      %parallel_loop3A_441 = arith.extui %parallel_loop3A_440 : i1 to i32
      %parallel_loop3A_442 = arith.constant 0 : i32
      %parallel_loop3A_443 = arith.cmpi slt, %parallel_loop3A_436, %parallel_loop3A_442 : i32
      %parallel_loop3A_444 = arith.extui %parallel_loop3A_443 : i1 to i32
      %parallel_loop3A_445 = arith.subi %parallel_loop3A_441, %parallel_loop3A_444 : i32
      %parallel_loop3A_446 = arith.constant 0 : i32
      %parallel_loop3A_447 = arith.cmpi sgt, %parallel_loop3A_437, %parallel_loop3A_446 : i32
      %parallel_loop3A_448 = arith.extui %parallel_loop3A_447 : i1 to i32
      %parallel_loop3A_449 = arith.constant 0 : i32
      %parallel_loop3A_450 = arith.cmpi slt, %parallel_loop3A_437, %parallel_loop3A_449 : i32
      %parallel_loop3A_451 = arith.extui %parallel_loop3A_450 : i1 to i32
      %parallel_loop3A_452 = arith.subi %parallel_loop3A_448, %parallel_loop3A_451 : i32
      %parallel_loop3A_453 = arith.cmpi ne, %parallel_loop3A_445, %parallel_loop3A_452 : i32
      %parallel_loop3A_454 = arith.remsi %parallel_loop3A_436, %parallel_loop3A_437 : i32
      %parallel_loop3A_455 = arith.constant 0 : i32
      %parallel_loop3A_456 = arith.cmpi ne, %parallel_loop3A_454, %parallel_loop3A_455 : i32
      %parallel_loop3A_457 = arith.andi %parallel_loop3A_453, %parallel_loop3A_456 : i1
      %parallel_loop3A_458 = arith.constant 1 : i32
      %parallel_loop3A_459 = arith.subi %parallel_loop3A_438, %parallel_loop3A_458 : i32
      %parallel_loop3A_460 = arith.select %parallel_loop3A_457, %parallel_loop3A_459, %parallel_loop3A_438 : i32
      %parallel_loop3A_461 = arith.constant 8 : i32
      %parallel_loop3A_462 = arith.constant 0 : i32
      %parallel_loop3A_463 = arith.cmpi eq, %parallel_loop3A_461, %parallel_loop3A_462 : i32
      %parallel_loop3A_464 = arith.constant 1 : i32
      %parallel_loop3A_465 = arith.select %parallel_loop3A_463, %parallel_loop3A_464, %parallel_loop3A_461 : i32
      %parallel_loop3A_466 = arith.remsi %parallel_loop3A_436, %parallel_loop3A_465 : i32
      %parallel_loop3A_467 = arith.constant 0 : i32
      %parallel_loop3A_468 = arith.cmpi ne, %parallel_loop3A_466, %parallel_loop3A_467 : i32
      %parallel_loop3A_469 = arith.constant 0 : i32
      %parallel_loop3A_470 = arith.cmpi slt, %parallel_loop3A_466, %parallel_loop3A_469 : i32
      %parallel_loop3A_471 = arith.constant 0 : i32
      %parallel_loop3A_472 = arith.cmpi slt, %parallel_loop3A_465, %parallel_loop3A_471 : i32
      %parallel_loop3A_473 = arith.xori %parallel_loop3A_470, %parallel_loop3A_472 : i1
      %parallel_loop3A_474 = arith.andi %parallel_loop3A_473, %parallel_loop3A_468 : i1
      %parallel_loop3A_475 = arith.addi %parallel_loop3A_466, %parallel_loop3A_465 : i32
      %parallel_loop3A_476 = arith.select %parallel_loop3A_474, %parallel_loop3A_475, %parallel_loop3A_466 : i32
      %parallel_loop3A_477 = arith.constant 16 : i32
      %parallel_loop3A_478 = arith.muli %parallel_loop3A_476, %parallel_loop3A_477 : i32
      %parallel_loop3A_479 = arith.constant 0 : i32
      %parallel_loop3A_480 = vector.broadcast %parallel_loop3A_479 : i32 to vector<16xi32>
      %parallel_loop3A_481 = vector.broadcast %parallel_loop3A_460 : i32 to vector<16xi32>
      %parallel_loop3A_482 = arith.addi %parallel_loop3A_480, %parallel_loop3A_481 : vector<16xi32>
      %parallel_loop3A_483 = vector.broadcast %parallel_loop3A_478 : i32 to vector<16xi32>
      %parallel_loop3A_484 = arith.addi %parallel_loop3A_483, %iota3A : vector<16xi32>
      %parallel_loop3A_485 = arith.constant 0 : i32
      %parallel_loop3A_486 = vector.broadcast %parallel_loop3A_485 : i32 to vector<16xi32>
      %parallel_loop3A_487 = arith.constant 1 : i32
      %parallel_loop3A_488 = vector.broadcast %parallel_loop3A_487 : i32 to vector<16xi32>
      %parallel_loop3A_489 = arith.constant 2 : i32
      %parallel_loop3A_490 = vector.broadcast %parallel_loop3A_489 : i32 to vector<16xi32>
      %parallel_loop3A_491 = arith.constant 3 : i32
      %parallel_loop3A_492 = vector.broadcast %parallel_loop3A_491 : i32 to vector<16xi32>
      %parallel_loop3A_493 = arith.constant 4 : i32
      %parallel_loop3A_494 = vector.broadcast %parallel_loop3A_493 : i32 to vector<16xi32>
      %parallel_loop3A_495 = arith.constant 5 : i32
      %parallel_loop3A_496 = vector.broadcast %parallel_loop3A_495 : i32 to vector<16xi32>
      %parallel_loop3A_497 = arith.constant 6 : i32
      %parallel_loop3A_498 = vector.broadcast %parallel_loop3A_497 : i32 to vector<16xi32>
      %parallel_loop3A_499 = arith.constant 7 : i32
      %parallel_loop3A_500 = vector.broadcast %parallel_loop3A_499 : i32 to vector<16xi32>
      %parallel_loop3A_501 = tpu.vector_load_idx %arg7[%parallel_loop3A_482, %parallel_loop3A_486, %parallel_loop3A_484] : memref<8x8x144xf32, #tpu.memory_space<vmem>>[vector<16xi32>, vector<16xi32>, vector<16xi32>], vector<16xf32>,
      %parallel_loop3A_502 = tpu.vector_load_idx %arg7[%parallel_loop3A_482, %parallel_loop3A_488, %parallel_loop3A_484] : memref<8x8x144xf32, #tpu.memory_space<vmem>>[vector<16xi32>, vector<16xi32>, vector<16xi32>], vector<16xf32>,
      %parallel_loop3A_503 = tpu.vector_load_idx %arg7[%parallel_loop3A_482, %parallel_loop3A_490, %parallel_loop3A_484] : memref<8x8x144xf32, #tpu.memory_space<vmem>>[vector<16xi32>, vector<16xi32>, vector<16xi32>], vector<16xf32>,
      %parallel_loop3A_504 = tpu.vector_load_idx %arg7[%parallel_loop3A_482, %parallel_loop3A_492, %parallel_loop3A_484] : memref<8x8x144xf32, #tpu.memory_space<vmem>>[vector<16xi32>, vector<16xi32>, vector<16xi32>], vector<16xf32>,
      %parallel_loop3A_505 = tpu.vector_load_idx %arg7[%parallel_loop3A_482, %parallel_loop3A_494, %parallel_loop3A_484] : memref<8x8x144xf32, #tpu.memory_space<vmem>>[vector<16xi32>, vector<16xi32>, vector<16xi32>], vector<16xf32>,
      %parallel_loop3A_506 = tpu.vector_load_idx %arg7[%parallel_loop3A_482, %parallel_loop3A_496, %parallel_loop3A_484] : memref<8x8x144xf32, #tpu.memory_space<vmem>>[vector<16xi32>, vector<16xi32>, vector<16xi32>], vector<16xf32>,
      %parallel_loop3A_507 = tpu.vector_load_idx %arg7[%parallel_loop3A_482, %parallel_loop3A_498, %parallel_loop3A_484] : memref<8x8x144xf32, #tpu.memory_space<vmem>>[vector<16xi32>, vector<16xi32>, vector<16xi32>], vector<16xf32>,
      %parallel_loop3A_508 = tpu.vector_load_idx %arg7[%parallel_loop3A_482, %parallel_loop3A_500, %parallel_loop3A_484] : memref<8x8x144xf32, #tpu.memory_space<vmem>>[vector<16xi32>, vector<16xi32>, vector<16xi32>], vector<16xf32>,
      %parallel_loop3A_509 = arith.subf %parallel_loop3A_501, %parallel_loop3A_501 : vector<16xf32>
      %parallel_loop3A_510 = math.exp %parallel_loop3A_509 : vector<16xf32>
      %parallel_loop3A_511 = arith.subf %parallel_loop3A_502, %parallel_loop3A_501 : vector<16xf32>
      %parallel_loop3A_512 = math.exp %parallel_loop3A_511 : vector<16xf32>
      %parallel_loop3A_513 = arith.subf %parallel_loop3A_503, %parallel_loop3A_501 : vector<16xf32>
      %parallel_loop3A_514 = math.exp %parallel_loop3A_513 : vector<16xf32>
      %parallel_loop3A_515 = arith.subf %parallel_loop3A_504, %parallel_loop3A_501 : vector<16xf32>
      %parallel_loop3A_516 = math.exp %parallel_loop3A_515 : vector<16xf32>
      %parallel_loop3A_517 = arith.subf %parallel_loop3A_505, %parallel_loop3A_501 : vector<16xf32>
      %parallel_loop3A_518 = math.exp %parallel_loop3A_517 : vector<16xf32>
      %parallel_loop3A_519 = arith.subf %parallel_loop3A_506, %parallel_loop3A_501 : vector<16xf32>
      %parallel_loop3A_520 = math.exp %parallel_loop3A_519 : vector<16xf32>
      %parallel_loop3A_521 = arith.subf %parallel_loop3A_507, %parallel_loop3A_501 : vector<16xf32>
      %parallel_loop3A_522 = math.exp %parallel_loop3A_521 : vector<16xf32>
      %parallel_loop3A_523 = arith.subf %parallel_loop3A_508, %parallel_loop3A_501 : vector<16xf32>
      %parallel_loop3A_524 = math.exp %parallel_loop3A_523 : vector<16xf32>
      %parallel_loop3A_525 = arith.addf %parallel_loop3A_510, %parallel_loop3A_512 : vector<16xf32>
      %parallel_loop3A_526 = arith.addf %parallel_loop3A_525, %parallel_loop3A_514 : vector<16xf32>
      %parallel_loop3A_527 = arith.addf %parallel_loop3A_526, %parallel_loop3A_516 : vector<16xf32>
      %parallel_loop3A_528 = arith.addf %parallel_loop3A_527, %parallel_loop3A_518 : vector<16xf32>
      %parallel_loop3A_529 = arith.addf %parallel_loop3A_528, %parallel_loop3A_520 : vector<16xf32>
      %parallel_loop3A_530 = arith.addf %parallel_loop3A_529, %parallel_loop3A_522 : vector<16xf32>
      %parallel_loop3A_531 = arith.addf %parallel_loop3A_530, %parallel_loop3A_524 : vector<16xf32>
      %parallel_loop3A_532 = arith.divf %parallel_loop3A_510, %parallel_loop3A_531 : vector<16xf32>
      tpu.vector_store_idx %arg7[%parallel_loop3A_482, %parallel_loop3A_486, %parallel_loop3A_484], %parallel_loop3A_532 : memref<8x8x144xf32, #tpu.memory_space<vmem>>[vector<16xi32>, vector<16xi32>, vector<16xi32>], vector<16xf32>,
      %parallel_loop3A_533 = arith.divf %parallel_loop3A_512, %parallel_loop3A_531 : vector<16xf32>
      tpu.vector_store_idx %arg7[%parallel_loop3A_482, %parallel_loop3A_488, %parallel_loop3A_484], %parallel_loop3A_533 : memref<8x8x144xf32, #tpu.memory_space<vmem>>[vector<16xi32>, vector<16xi32>, vector<16xi32>], vector<16xf32>,
      %parallel_loop3A_534 = arith.divf %parallel_loop3A_514, %parallel_loop3A_531 : vector<16xf32>
      tpu.vector_store_idx %arg7[%parallel_loop3A_482, %parallel_loop3A_490, %parallel_loop3A_484], %parallel_loop3A_534 : memref<8x8x144xf32, #tpu.memory_space<vmem>>[vector<16xi32>, vector<16xi32>, vector<16xi32>], vector<16xf32>,
      %parallel_loop3A_535 = arith.divf %parallel_loop3A_516, %parallel_loop3A_531 : vector<16xf32>
      tpu.vector_store_idx %arg7[%parallel_loop3A_482, %parallel_loop3A_492, %parallel_loop3A_484], %parallel_loop3A_535 : memref<8x8x144xf32, #tpu.memory_space<vmem>>[vector<16xi32>, vector<16xi32>, vector<16xi32>], vector<16xf32>,
      %parallel_loop3A_536 = arith.divf %parallel_loop3A_518, %parallel_loop3A_531 : vector<16xf32>
      tpu.vector_store_idx %arg7[%parallel_loop3A_482, %parallel_loop3A_494, %parallel_loop3A_484], %parallel_loop3A_536 : memref<8x8x144xf32, #tpu.memory_space<vmem>>[vector<16xi32>, vector<16xi32>, vector<16xi32>], vector<16xf32>,
      %parallel_loop3A_537 = arith.divf %parallel_loop3A_520, %parallel_loop3A_531 : vector<16xf32>
      tpu.vector_store_idx %arg7[%parallel_loop3A_482, %parallel_loop3A_496, %parallel_loop3A_484], %parallel_loop3A_537 : memref<8x8x144xf32, #tpu.memory_space<vmem>>[vector<16xi32>, vector<16xi32>, vector<16xi32>], vector<16xf32>,
      %parallel_loop3A_538 = arith.divf %parallel_loop3A_522, %parallel_loop3A_531 : vector<16xf32>
      tpu.vector_store_idx %arg7[%parallel_loop3A_482, %parallel_loop3A_498, %parallel_loop3A_484], %parallel_loop3A_538 : memref<8x8x144xf32, #tpu.memory_space<vmem>>[vector<16xi32>, vector<16xi32>, vector<16xi32>], vector<16xf32>,
      %parallel_loop3A_539 = arith.divf %parallel_loop3A_524, %parallel_loop3A_531 : vector<16xf32>
      tpu.vector_store_idx %arg7[%parallel_loop3A_482, %parallel_loop3A_500, %parallel_loop3A_484], %parallel_loop3A_539 : memref<8x8x144xf32, #tpu.memory_space<vmem>>[vector<16xi32>, vector<16xi32>, vector<16xi32>], vector<16xf32>,
    } {sc.loop_unroll_factor = 4 : i64, sc.parallel_access}
    %mul3A_346 = arith.constant 8 : i32
    %mul3A_347 = arith.muli %add3A, %mul3A_346 : i32
    %dma_start3A_348 = arith.constant 0 : i32
    %dma_start3A_349 = arith.constant 0 : i32
    %dma_start3A_350 = arith.constant 0 : i32
    %dma_start3A_351 = tpu.memref_slice %arg7[%dma_start3A_348, %dma_start3A_349, %dma_start3A_350] : memref<8x8x144xf32, #tpu.memory_space<vmem>> -> memref<8x8x128xf32, #tpu.memory_space<vmem>>
    %dma_start3A_352 = arith.constant 0 : i32
    %dma_start3A_353 = arith.constant 0 : i32
    %dma_start3A_354 = tpu.memref_slice %arg3[%mul3A_347, %dma_start3A_352, %dma_start3A_353] : memref<256x8x128xf32, #tpu.memory_space<hbm>> -> memref<8x8x128xf32, #tpu.memory_space<hbm>>
    %dma_start3A_355 = arith.constant 0 : i32
    %dma_start3A_356 = arith.constant 0 : i32
    %dma_start3A_357 = tpu.memref_slice %arg3[%mul3A_347, %dma_start3A_355, %dma_start3A_356] : memref<256x8x128xf32, #tpu.memory_space<hbm>> -> memref<8x8x128xf32, #tpu.memory_space<hbm>>
    %dma_start3A_358 = arith.constant 0 : i32
    %dma_start3A_359 = arith.constant 0 : i32
    %dma_start3A_360 = arith.constant 0 : i32
    %dma_start3A_361 = tpu.memref_slice %arg7[%dma_start3A_358, %dma_start3A_359, %dma_start3A_360] : memref<8x8x144xf32, #tpu.memory_space<vmem>> -> memref<8x8x128xf32, #tpu.memory_space<vmem>>
    tpu.enqueue_dma source(%dma_start3A_361 : memref<8x8x128xf32, #tpu.memory_space<vmem>>) target(%dma_start3A_357 : memref<8x8x128xf32, #tpu.memory_space<hbm>>) target_semaphore(%arg9 : memref<!tpu.dma_semaphore, #tpu.memory_space<semaphore_mem>>)
    %mul3A_362 = arith.constant 8 : i32
    %mul3A_363 = arith.muli %add3A, %mul3A_362 : i32
    %dma_start3A_364 = arith.constant 0 : i32
    %dma_start3A_365 = arith.constant 0 : i32
    %dma_start3A_366 = arith.constant 0 : i32
    %dma_start3A_367 = tpu.memref_slice %arg8[%dma_start3A_364, %dma_start3A_365, %dma_start3A_366] : memref<8x8x144xi32, #tpu.memory_space<vmem>> -> memref<8x8x128xi32, #tpu.memory_space<vmem>>
    %dma_start3A_368 = arith.constant 0 : i32
    %dma_start3A_369 = arith.constant 0 : i32
    %dma_start3A_370 = tpu.memref_slice %arg4[%mul3A_363, %dma_start3A_368, %dma_start3A_369] : memref<256x8x128xi32, #tpu.memory_space<hbm>> -> memref<8x8x128xi32, #tpu.memory_space<hbm>>
    %dma_start3A_371 = arith.constant 0 : i32
    %dma_start3A_372 = arith.constant 0 : i32
    %dma_start3A_373 = tpu.memref_slice %arg4[%mul3A_363, %dma_start3A_371, %dma_start3A_372] : memref<256x8x128xi32, #tpu.memory_space<hbm>> -> memref<8x8x128xi32, #tpu.memory_space<hbm>>
    %dma_start3A_374 = arith.constant 0 : i32
    %dma_start3A_375 = arith.constant 0 : i32
    %dma_start3A_376 = arith.constant 0 : i32
    %dma_start3A_377 = tpu.memref_slice %arg8[%dma_start3A_374, %dma_start3A_375, %dma_start3A_376] : memref<8x8x144xi32, #tpu.memory_space<vmem>> -> memref<8x8x128xi32, #tpu.memory_space<vmem>>
    tpu.enqueue_dma source(%dma_start3A_377 : memref<8x8x128xi32, #tpu.memory_space<vmem>>) target(%dma_start3A_373 : memref<8x8x128xi32, #tpu.memory_space<hbm>>) target_semaphore(%arg9 : memref<!tpu.dma_semaphore, #tpu.memory_space<semaphore_mem>>)
    %mul3A_378 = arith.constant 8 : i32
    %mul3A_379 = arith.muli %add3A, %mul3A_378 : i32
    %dma_start3A_380 = arith.constant 0 : i32
    %dma_start3A_381 = arith.constant 0 : i32
    %dma_start3A_382 = arith.constant 0 : i32
    %dma_start3A_383 = tpu.memref_slice %arg8[%dma_start3A_380, %dma_start3A_381, %dma_start3A_382] : memref<8x8x144xi32, #tpu.memory_space<vmem>> -> memref<8x8x128xi32, #tpu.memory_space<vmem>>
    %dma_start3A_384 = arith.constant 0 : i32
    %dma_start3A_385 = arith.constant 0 : i32
    %dma_start3A_386 = tpu.memref_slice %arg5[%mul3A_379, %dma_start3A_384, %dma_start3A_385] : memref<256x8x128xi32, #tpu.memory_space<hbm>> -> memref<8x8x128xi32, #tpu.memory_space<hbm>>
    %dma_start3A_387 = arith.constant 0 : i32
    %dma_start3A_388 = arith.constant 0 : i32
    %dma_start3A_389 = tpu.memref_slice %arg5[%mul3A_379, %dma_start3A_387, %dma_start3A_388] : memref<256x8x128xi32, #tpu.memory_space<hbm>> -> memref<8x8x128xi32, #tpu.memory_space<hbm>>
    %dma_start3A_390 = arith.constant 0 : i32
    %dma_start3A_391 = arith.constant 0 : i32
    %dma_start3A_392 = arith.constant 0 : i32
    %dma_start3A_393 = tpu.memref_slice %arg8[%dma_start3A_390, %dma_start3A_391, %dma_start3A_392] : memref<8x8x144xi32, #tpu.memory_space<vmem>> -> memref<8x8x128xi32, #tpu.memory_space<vmem>>
    tpu.enqueue_dma source(%dma_start3A_393 : memref<8x8x128xi32, #tpu.memory_space<vmem>>) target(%dma_start3A_389 : memref<8x8x128xi32, #tpu.memory_space<hbm>>) target_semaphore(%arg9 : memref<!tpu.dma_semaphore, #tpu.memory_space<semaphore_mem>>)
    %dma_wait3A_394 = arith.constant 0 : i32
    %dma_wait3A_395 = arith.constant 0 : i32
    %dma_wait3A_396 = arith.constant 0 : i32
    %dma_wait3A_397 = tpu.memref_slice %arg7[%dma_wait3A_394, %dma_wait3A_395, %dma_wait3A_396] : memref<8x8x144xf32, #tpu.memory_space<vmem>> -> memref<8x8x128xf32, #tpu.memory_space<vmem>>
    %dma_wait3A_398 = arith.constant 0 : i32
    %dma_wait3A_399 = arith.constant 0 : i32
    %dma_wait3A_400 = tpu.memref_slice %arg3[%mul3A_347, %dma_wait3A_398, %dma_wait3A_399] : memref<256x8x128xf32, #tpu.memory_space<hbm>> -> memref<8x8x128xf32, #tpu.memory_space<hbm>>
    %dma_wait3A_401 = arith.constant 0 : i32
    %dma_wait3A_402 = arith.constant 0 : i32
    %dma_wait3A_403 = tpu.memref_slice %arg3[%mul3A_347, %dma_wait3A_401, %dma_wait3A_402] : memref<256x8x128xf32, #tpu.memory_space<hbm>> -> memref<8x8x128xf32, #tpu.memory_space<hbm>>
    %dma_wait3A_404 = arith.constant 0 : i32
    %dma_wait3A_405 = arith.constant 0 : i32
    %dma_wait3A_406 = arith.constant 0 : i32
    %dma_wait3A_407 = tpu.memref_slice %arg7[%dma_wait3A_404, %dma_wait3A_405, %dma_wait3A_406] : memref<8x8x144xf32, #tpu.memory_space<vmem>> -> memref<8x8x128xf32, #tpu.memory_space<vmem>>
    tpu.wait_dma2 semaphore(%arg9 : memref<!tpu.dma_semaphore, #tpu.memory_space<semaphore_mem>>) src(%dma_wait3A_407 : memref<8x8x128xf32, #tpu.memory_space<vmem>>) dst(%dma_wait3A_403 : memref<8x8x128xf32, #tpu.memory_space<hbm>>)
    %dma_wait3A_408 = arith.constant 0 : i32
    %dma_wait3A_409 = arith.constant 0 : i32
    %dma_wait3A_410 = arith.constant 0 : i32
    %dma_wait3A_411 = tpu.memref_slice %arg8[%dma_wait3A_408, %dma_wait3A_409, %dma_wait3A_410] : memref<8x8x144xi32, #tpu.memory_space<vmem>> -> memref<8x8x128xi32, #tpu.memory_space<vmem>>
    %dma_wait3A_412 = arith.constant 0 : i32
    %dma_wait3A_413 = arith.constant 0 : i32
    %dma_wait3A_414 = tpu.memref_slice %arg4[%mul3A_363, %dma_wait3A_412, %dma_wait3A_413] : memref<256x8x128xi32, #tpu.memory_space<hbm>> -> memref<8x8x128xi32, #tpu.memory_space<hbm>>
    %dma_wait3A_415 = arith.constant 0 : i32
    %dma_wait3A_416 = arith.constant 0 : i32
    %dma_wait3A_417 = tpu.memref_slice %arg4[%mul3A_363, %dma_wait3A_415, %dma_wait3A_416] : memref<256x8x128xi32, #tpu.memory_space<hbm>> -> memref<8x8x128xi32, #tpu.memory_space<hbm>>
    %dma_wait3A_418 = arith.constant 0 : i32
    %dma_wait3A_419 = arith.constant 0 : i32
    %dma_wait3A_420 = arith.constant 0 : i32
    %dma_wait3A_421 = tpu.memref_slice %arg8[%dma_wait3A_418, %dma_wait3A_419, %dma_wait3A_420] : memref<8x8x144xi32, #tpu.memory_space<vmem>> -> memref<8x8x128xi32, #tpu.memory_space<vmem>>
    tpu.wait_dma2 semaphore(%arg9 : memref<!tpu.dma_semaphore, #tpu.memory_space<semaphore_mem>>) src(%dma_wait3A_421 : memref<8x8x128xi32, #tpu.memory_space<vmem>>) dst(%dma_wait3A_417 : memref<8x8x128xi32, #tpu.memory_space<hbm>>)
    %dma_wait3A_422 = arith.constant 0 : i32
    %dma_wait3A_423 = arith.constant 0 : i32
    %dma_wait3A_424 = arith.constant 0 : i32
    %dma_wait3A_425 = tpu.memref_slice %arg8[%dma_wait3A_422, %dma_wait3A_423, %dma_wait3A_424] : memref<8x8x144xi32, #tpu.memory_space<vmem>> -> memref<8x8x128xi32, #tpu.memory_space<vmem>>
    %dma_wait3A_426 = arith.constant 0 : i32
    %dma_wait3A_427 = arith.constant 0 : i32
    %dma_wait3A_428 = tpu.memref_slice %arg5[%mul3A_379, %dma_wait3A_426, %dma_wait3A_427] : memref<256x8x128xi32, #tpu.memory_space<hbm>> -> memref<8x8x128xi32, #tpu.memory_space<hbm>>
    %dma_wait3A_429 = arith.constant 0 : i32
    %dma_wait3A_430 = arith.constant 0 : i32
    %dma_wait3A_431 = tpu.memref_slice %arg5[%mul3A_379, %dma_wait3A_429, %dma_wait3A_430] : memref<256x8x128xi32, #tpu.memory_space<hbm>> -> memref<8x8x128xi32, #tpu.memory_space<hbm>>
    %dma_wait3A_432 = arith.constant 0 : i32
    %dma_wait3A_433 = arith.constant 0 : i32
    %dma_wait3A_434 = arith.constant 0 : i32
    %dma_wait3A_435 = tpu.memref_slice %arg8[%dma_wait3A_432, %dma_wait3A_433, %dma_wait3A_434] : memref<8x8x144xi32, #tpu.memory_space<vmem>> -> memref<8x8x128xi32, #tpu.memory_space<vmem>>
    tpu.wait_dma2 semaphore(%arg9 : memref<!tpu.dma_semaphore, #tpu.memory_space<semaphore_mem>>) src(%dma_wait3A_435 : memref<8x8x128xi32, #tpu.memory_space<vmem>>) dst(%dma_wait3A_431 : memref<8x8x128xi32, #tpu.memory_space<hbm>>)
    return
  }
}

</mosaic_0001>

<sc_bundles>
// kernel: _select_topk.3.cloned.1.call-start
scs
__scs_entry_jumppad:
0x0: {  	(pc) =	sbr.rel $0x88, $3  }
0x1: {  	(tag) =	ssettag $0x0;
	lr =	simm.s32 $0x1  }
0x2: {  	[smem:$0x3FA0] =	sst lr;
	_ =	strace $0xD0000000  }
0x3: {  	_ = 	snop  }
0x4: {  	_ = 	snop  }
0x5: {  	_ = 	snop  }
0x6: {  	_ = 	snop  }
0x7: {  	_ = 	snop  }
__scs_overlays_trampoline_lowered:
0x8: {  	[smem:$0x3FAF] =	sst s0  }
0x9: {  	[smem:$0x3FB0] =	sst s1  }
0xa: {  	[smem:$0x3FB1] =	sst s2  }
0xb: {  	[smem:$0x3FB2] =	sst s3  }
0xc: {  	[smem:$0x3FB3] =	sst s4  }
0xd: {  	[smem:$0x3FB4] =	sst s5  }
0xe: {  	[smem:$0x3FB5] =	sst s6  }
0xf: {  	[smem:$0x3FB6] =	sst s7  }
0x10: {  	[smem:$0x3FB7] =	sst s8  }
0x11: {  	[smem:$0x3FB8] =	sst s9;
	s0 =	simm.s32 @!p0 $0x0  }
0x12: {  	s1 =	sld [smem:$0x3F9E];
	s0 =	simm.s32 @p0 $0x1  }
0x13: {  	[smem:$0x3FB9] =	sst s0;
	s0 =	simm.s32 @!p1 $0x0  }
0x14: {  	s2 =	sld [smem:$0x3F9D];
	s0 =	simm.s32 @p1 $0x1  }
0x15: {  	[smem:$0x3FBA] =	sst s0;
	s0 =	simm.s32 @!p2 $0x0  }
0x16: {  	s3 =	sld [smem:$0x3FDB];
	s0 =	simm.s32 @p2 $0x1  }
0x17: {  	s4 =	simm.s32 $0x1BF5;
	[smem:$0x3FBC] =	sst s0  }
0x18: {  	s0 =	sld [smem:$0x3F9F];
	_ =	swait.ge [sflag:s4], $0x0  }
0x19: {  	s7 =	sld [smem:$0x3FA0]  }
0x1a: {  	s8 =	sadd.s32 $0xFFFFE003, lr  }
0x1b: {  	s9 =	sadd.s32 $0xFFFFFEF7, lr;
	s5 =	simm.s32 $0xFFFFFFFF;
	p2 =	slt.u32 s8, $0xFFFFF086  }
0x1c: {  	p1 =	slt.u32 s9, $0xF7A;
	s5 =	simm.s32 @!p2 $0x0  }
0x1d: {  	s5 =	simm.s32 @p1 $0x1;
	p0 =	seq.s32 s7, s2  }
0x1e: {  	s7 =	smul.u32 @!p0 $0xF7A, s2;
	p2 =	seq.s32 @!p0 s5, $0x0  }
0x1f: {  	s9 =	smul.u32 $0xF7A, s1;
	s8 =	simm.s32 @!p0 $0x1BF5;
	p2 =	por !p2, p0  }
0x20: {  	[sflag:s8] =	ssyncset.s32 @!p0 $0xFFFFF086;
	s6 =	sadd.s32 @!p0 s3, s7;
	s7 =	simm.s32 @!p0 $0x108  }
0x21: {  	s3 =	sadd.s32 s3, s9;
	s6 =	sadd.s32 @!p0 $0x88, s6;
	s7 =	simm.s32 @p2 $0x1082  }
0x22: {  	[simem:s7], [sflag:s8] =	dma.local @!p0 [hbm:s6], $0xF7A  }
0x23: {  	s9 =	sor.u32 $0xD0000000, s2;
	s6 =	simm.s32 $0x108;
	_ =	swait.ge @!p0 [sflag:s8], $0x0  }
0x24: {  	s3 =	sadd.s32 $0x88, s3;
	s6 =	simm.s32 @!p1 $0x1082;
	[sflag:s4] =	ssyncset.s32 $0xFFFFF086  }
0x25: {  	[simem:s6], [sflag:s4] =	dma.local [hbm:s3], $0xF7A  }
0x26: {  	[smem:$0x3FA0] =	sst s1;
	(tag) =	ssettag s2;
	_ =	strace s9  }
0x27: {  	s1 =	sld [smem:$0x3FB0]  }
0x28: {  	s2 =	sld [smem:$0x3FB1]  }
0x29: {  	s4 =	sld [smem:$0x3FB3]  }
0x2a: {  	p0 =	seq.s32 s5, $0x0;
	s5 =	sld [smem:$0x3FB4]  }
0x2b: {  	s6 =	sld [smem:$0x3FB5]  }
0x2c: {  	s7 =	sld [smem:$0x3FB6]  }
0x2d: {  	s3 =	simm.s32 $0x108;
	s8 =	sld [smem:$0x3FB7]  }
0x2e: {  	s3 =	simm.s32 @!p0 $0x1082;
	s9 =	sld [smem:$0x3FB8]  }
0x2f: {  	lr =	sadd.s32 s0, s3;
	s0 =	sld [smem:$0x3FAF]  }
0x30: {  	s3 =	sld [smem:$0x3FB2]  }
0x31: {  	[smem:$0x3FBB] =	sst s10  }
0x32: {  	s10 =	sld [smem:$0x3FB9];
	_ =	sdelay $0x3  }
0x33: {  	p0 =	seq.s32 s10, $0x1;
	s10 =	sld [smem:$0x3FBB];
	_ =	sdelay $0x3  }
0x34: {  	[smem:$0x3FBB] =	sst s10  }
0x35: {  	s10 =	sld [smem:$0x3FBA];
	_ =	sdelay $0x3  }
0x36: {  	p1 =	seq.s32 s10, $0x1;
	s10 =	sld [smem:$0x3FBB];
	_ =	sdelay $0x3  }
0x37: {  	[smem:$0x3FBB] =	sst s10  }
0x38: {  	s10 =	sld [smem:$0x3FBC]  }
0x39: {  	_ = 	snop;
	(pc) =	sbr.ind lr, $3  }
0x3a: {  	_ = 	snop  }
0x3b: {  	_ = 	snop  }
0x3c: {  	p2 =	seq.s32 s10, $0x1;
	s10 =	sld [smem:$0x3FBB]  }
0x3d: {  	_ =	shalt  }
0x3e: {  	_ =	shalt  }
0x3f: {  	_ =	shalt  }
0x40: {  	_ =	shalt  }
0x41: {  	_ =	shalt  }
0x42: {  	_ =	shalt  }
0x43: {  	_ =	shalt  }
0x44: {  	_ =	shalt  }
0x45: {  	_ =	shalt  }
0x46: {  	_ =	shalt  }
0x47: {  	_ =	shalt  }
0x48: {  	_ =	shalt  }
0x49: {  	_ =	shalt  }
0x4a: {  	_ =	shalt  }
0x4b: {  	_ =	shalt  }
0x4c: {  	_ =	shalt  }
0x4d: {  	_ =	shalt  }
0x4e: {  	_ =	shalt  }
0x4f: {  	_ =	shalt  }
0x50: {  	_ =	shalt  }
0x51: {  	_ =	shalt  }
0x52: {  	_ =	shalt  }
0x53: {  	_ =	shalt  }
0x54: {  	_ =	shalt  }
0x55: {  	_ =	shalt  }
0x56: {  	_ =	shalt  }
0x57: {  	_ =	shalt  }
0x58: {  	_ =	shalt  }
0x59: {  	_ =	shalt  }
0x5a: {  	_ =	shalt  }
0x5b: {  	_ =	shalt  }
0x5c: {  	_ =	shalt  }
0x5d: {  	_ =	shalt  }
0x5e: {  	_ =	shalt  }
0x5f: {  	_ =	shalt  }
0x60: {  	_ =	shalt  }
0x61: {  	_ =	shalt  }
0x62: {  	_ =	shalt  }
0x63: {  	_ =	shalt  }
0x64: {  	_ =	shalt  }
0x65: {  	_ =	shalt  }
0x66: {  	_ =	shalt  }
0x67: {  	_ =	shalt  }
0x68: {  	_ =	shalt  }
0x69: {  	_ =	shalt  }
0x6a: {  	_ =	shalt  }
0x6b: {  	_ =	shalt  }
0x6c: {  	_ =	shalt  }
0x6d: {  	_ =	shalt  }
0x6e: {  	_ =	shalt  }
0x6f: {  	_ =	shalt  }
0x70: {  	_ =	shalt  }
0x71: {  	_ =	shalt  }
0x72: {  	_ =	shalt  }
0x73: {  	_ =	shalt  }
0x74: {  	_ =	shalt  }
0x75: {  	_ =	shalt  }
0x76: {  	_ =	shalt  }
0x77: {  	_ =	shalt  }
0x78: {  	_ =	shalt  }
0x79: {  	_ =	shalt  }
0x7a: {  	_ =	shalt  }
0x7b: {  	_ =	shalt  }
0x7c: {  	_ =	shalt  }
0x7d: {  	_ =	shalt  }
0x7e: {  	_ =	shalt  }
0x7f: {  	_ =	shalt  }
0x80: {  	_ =	shalt  }
0x81: {  	_ =	shalt  }
0x82: {  	_ =	shalt  }
0x83: {  	_ =	shalt  }
0x84: {  	_ =	shalt  }
0x85: {  	_ =	shalt  }
0x86: {  	_ =	shalt  }
0x87: {  	_ =	shalt  }
.Lfunc_end0:
.L_simem_size_0:
called_computation_lowered:
.L_overlay_start_0:
0x88: {  	s2 =	sld [smem:$0x3FD9]  }
0x89: {  	s3 =	sld [smem:$0x3FFE];
	_ =	sdelay $0x1  }
0x8a: {  	s1 =	srdreg.scid  }
0x8b: {  	s0 =	sand.u32 $0x1, s1  }
0x8c: {  	s15 =	sshll.u32 s0, $0xA;
	s2 =	sadd.s32 s3, s2  }
0x8d: {  	s2 =	sadd.s32 s2, s15  }
0x8e: {  	[smem:$0x3FC7] =	sst s2  }
0x8f: {  	_ = 	snop  }
0x90: {  	s2 =	sld [smem:$0x3FD0];
	_ =	sdelay $0x2  }
0x91: {  	s4 =	simm.s32 $0xA;
	s5 =	simm.s32 $0x10;
	s16 =	sld [smem:$0x3FC9]  }
0x92: {  	[smem:s5], [sflag:s4] =	dma.local [hbm:s2], $0x1  }
0x93: {  	_ =	swait.eq [sflag:s4], $0x1  }
0x94: {  	s17 =	sld [smem:$0x10];
	[sflag:s4] =	ssyncset.done $0x0  }
0x95: {  	s18 =	sld [smem:$0x11];
	[sflag:s4] =	ssyncadd.s32 $0xFFFFFFFF  }
0x96: {  	s19 =	sld [smem:$0x12];
	(tm) =	ssettm $0x1  }
0x97: {  	s6 =	sld [smem:$0x3FFB];
	_ =	sdelay $0x3  }
0x98: {  	_ =	strace s6  }
0x99: {  	s6 =	sld [smem:$0x3FFC];
	_ =	sdelay $0x3  }
0x9a: {  	_ =	strace s6  }
0x9b: {  	s6 =	sld [smem:$0x3FFD];
	_ =	sdelay $0x3  }
0x9c: {  	_ =	strace s6  }
0x9d: {  	_ =	strace $0x8FFFFFFF  }
0x9e: {  	s20 =	sld [smem:$0x3FDB];
	_ =	sdelay $0x1  }
0x9f: {  	s7 =	simm.s32 $_scs_section_size  }
0xa0: {  	s8 =	simm.s32 $_size__tile_overlayer_lowered;
	s9 =	simm.s32 $_tile_overlayer_lowered  }
0xa1: {  	s23 =	simm.s32 $0x1BFF;
	s22 =	sshll.u32 s9, $0x1;
	s6 =	sadd.s32 s7, s20  }
0xa2: {  	s10 =	simm.s32 $0x0;
	s21 =	sshll.u32 s8, $0x1;
	s8 =	sadd.s32 s22, s6  }
0xa3: {  	[timem:s10], [sflag:s23] =	dma.local [hbm:s8], s21  }
0xa4: {  	_ =	swait.ge [sflag:s23], s21  }
0xa5: {  	s7 =	ssub.s32 $0x0, s21;
	[sflag:s23] =	ssyncset.done $0x0  }
0xa6: {  	[sflag:s23] =	ssyncadd.s32 s7;
	_ =	sdelay $0x1  }
0xa7: {  	s24 =	simm.s32 $0x1B8B  }
0xa8: {  	_ =	swait.ge [sflag:s24], $0x1  }
0xa9: {  	[sflag:s24] =	ssyncset.done $0x0  }
0xaa: {  	s25 =	simm.s32 $0x1B8E;
	[sflag:s24] =	ssyncadd.s32 $0xFFFFFFFF  }
0xab: {  	s26 =	simm.s32 $execute0_lowered;
	[smem:$0x3FD2] =	sst s25  }
0xac: {  	s7 =	sshll.u32 s26, $0x1;
	_ =	strace $0x80000046;
	[dreg:$0x1] =	wrdreg $0xFFFFFFFF  }
0xad: {  	s28 =	simm.s32 $_size_execute0_lowered;
	s6 =	sadd.s32 s6, s7;
	[dreg:$0x0] =	wrdreg $0x0  }
0xae: {  	s7 =	sshll.u32 s28, $0x1;
	[dreg:$0x2] =	wrdreg s6  }
0xaf: {  	[dreg:$0x3] =	wrdreg s7  }
0xb0: {  	[dreg:$0x4] =	wrdreg $0xC0  }
0xb1: {  	_ =	task [dreg:s10], $0x5FFFF  }
0xb2: {  	[dreg:$0x1] =	wrdreg $0xFFFFFFFF  }
0xb3: {  	[dreg:$0x0] =	wrdreg $0x60  }
0xb4: {  	[dreg:$0x2] =	wrdreg s16  }
0xb5: {  	[dreg:$0x3] =	wrdreg s17  }
0xb6: {  	[dreg:$0x4] =	wrdreg s18  }
0xb7: {  	[dreg:$0x5] =	wrdreg s19  }
0xb8: {  	[dreg:$0x6] =	wrdreg $0x9  }
0xb9: {  	_ =	task.clear_ibuf [dreg:s10], $0x7FFFF;
	_ =	strace $0x90000046  }
0xba: {  	s29 =	simm.s32 $0x9;
	_ =	strace $0x80000048  }
0xbb: {  	_ =	swait.ge [sflag:s29], $0x1  }
0xbc: {  	[sflag:s29] =	ssyncadd.s32 $0xFFFFFFFF  }
0xbd: {  	_ =	strace $0x90000048  }
0xbe: {  	_ =	sfence  }
0xbf: {  	s30 =	sld [smem:$0x0];
	_ =	sdelay $0x2  }
0xc0: {  	s31 =	sshll.u32 s1, $0xD;
	s1 =	sshrl.u32 s1, $0x2  }
0xc1: {  	s3 =	sand.u32 $0x4000, s31;
	s1 =	sadd.s32 s1, s30  }
0xc2: {  	s0 =	sor.u32 s3, s0;
	s1 =	sshll.u32 s1, $0x11  }
0xc3: {  	s0 =	sor.u32 s1, s0  }
0xc4: {  	s0 =	sadd.s32 $0x8F2B, s0  }
0xc5: {  	[sflag:s0] =	ssyncadd.remote.s32 $0x1  }
0xc6: {  	_ =	sfence.sel $0xFFFF  }
0xc7: {  	[dreg:$0x0] =	wrdreg $0xFFFFFFFF;
	(pc) =	sbr.abs _section_cstart, $3  }
0xc8: {  	[dreg:$0x1] =	wrdreg $0xFFFFFFFF  }
0xc9: {  	_ =	task.clear_ibuf [dreg:s10], $0x2FFFF;
	_ =	strace $0x9FFFFFFF  }
0xca: {  	(tm) =	ssettm $0x7FFFFFFF  }
0xcb: {  	_ =	shalt  }
tec
execute0_lowered:
.L_overlay_start_1:
0x0: {  	(tag) =	ssettag $0x1  }
0x1: {  	v0 =	vimm.s32 $0x27F0  }
0x2: {  	vm14 =	vcmask $0x300;
	vm13 =	vcmask $0x704;
	vm12 =	vcmask $0xB08  }
0x3: {  	vm11 =	vcmask $0xF0C;
	vm10 =	vcmask $0x1310;
	v0 =	vsel vm14, $0x0, v0  }
0x4: {  	vm9 =	vcmask $0x1714;
	vm8 =	vcmask $0x1B18;
	v0 =	vsel vm13, $0x90, v0  }
0x5: {  	vm7 =	vcmask $0x1F1C;
	vm6 =	vcmask $0x2320;
	v0 =	vsel vm12, $0x120, v0  }
0x6: {  	vm5 =	vcmask $0x2724;
	vm4 =	vcmask $0x2B28;
	v0 =	vsel vm11, $0x1B0, v0  }
0x7: {  	vm3 =	vcmask $0x2F2C;
	vm2 =	vcmask $0x3330;
	v0 =	vsel vm10, $0x240, v0  }
0x8: {  	vm1 =	vcmask $0x3734;
	vm0 =	vcmask $0x3B38;
	v0 =	vsel vm9, $0x2D0, v0  }
0x9: {  	v1 =	vimm.s32 $0x6FF0;
	v51 =	vlaneseq.u32;
	v0 =	vsel vm8, $0x360, v0  }
0xa: {  	v50 =	vimm.s32 $0xB7F0;
	v2 =	vimm.s32 $0xFFF0;
	v0 =	vsel vm7, $0x3F0, v0  }
0xb: {  	v47 =	vsel vm14, $0x4800, v1;
	v1 =	vsel vm14, $0x9000, v50;
	v0 =	vsel vm6, $0x2400, v0  }
0xc: {  	v2 =	vsel vm14, $0xD800, v2;
	v60 =	vor.u32 $0x10, v51;
	v0 =	vsel vm5, $0x2490, v0  }
0xd: {  	v62 =	vor.u32 $0x20, v51;
	v57 =	vor.u32 $0x30, v51;
	v0 =	vsel vm4, $0x2520, v0  }
0xe: {  	v56 =	vshrl.u32 v51, $0x3;
	v49 =	vmul.u32 $0x90, v51;
	v0 =	vsel vm3, $0x25B0, v0  }
0xf: {  	v1 =	vsel vm13, $0x9090, v1;
	v2 =	vsel vm13, $0xD890, v2;
	v0 =	vsel vm2, $0x2640, v0  }
0x10: {  	v42 =	vmul.u32 $0x8, v56;
	v1 =	vsel vm12, $0x9120, v1;
	v0 =	vsel vm1, $0x26D0, v0  }
0x11: {  	v2 =	vsel vm12, $0xD920, v2;
	v59 =	vsel vm0, $0x2760, v0;
	v0 =	vsel vm13, $0x4890, v47  }
0x12: {  	v1 =	vsel vm11, $0x91B0, v1;
	v2 =	vsel vm11, $0xD9B0, v2;
	v0 =	vsel vm12, $0x4920, v0  }
0x13: {  	s3 =	rddreg [dreg:$0x0];
	v1 =	vsel vm10, $0x9240, v1;
	v2 =	vsel vm10, $0xDA40, v2;
	v0 =	vsel vm11, $0x49B0, v0  }
0x14: {  	s11 =	rddreg [dreg:$0x1];
	v1 =	vsel vm9, $0x92D0, v1;
	v2 =	vsel vm9, $0xDAD0, v2;
	v0 =	vsel vm10, $0x4A40, v0  }
0x15: {  	s12 =	rddreg [dreg:$0x2];
	v1 =	vsel vm8, $0x9360, v1;
	v2 =	vsel vm8, $0xDB60, v2;
	v0 =	vsel vm9, $0x4AD0, v0  }
0x16: {  	s13 =	rddreg [dreg:$0x3];
	s2 =	simm.s32 $0x0;
	v1 =	vsel vm7, $0x93F0, v1;
	v2 =	vsel vm7, $0xDBF0, v2;
	v0 =	vsel vm8, $0x4B60, v0  }
0x17: {  	[smem:$0x7FF] =	sst s2;
	v1 =	vsel vm6, $0xB400, v1;
	v2 =	vsel vm6, $0xFC00, v2;
	v0 =	vsel vm7, $0x4BF0, v0  }
0x18: {  	s0 =	rddreg [dreg:$0x4];
	s4 =	srdreg.scid;
	_ =	strace $0x80000047;
	[tilespmem:$0x1FF90] =	vst v60;
	v1 =	vsel vm5, $0xB490, v1;
	v2 =	vsel vm5, $0xFC90, v2;
	v0 =	vsel vm6, $0x6C00, v0  }
0x19: {  	s1 =	stileid.u32;
	s16 =	simm.s32 $0x12000;
	s4 =	sand.u32 $0x1, s4;
	[tilespmem:$0x1FFB0] =	vst v62;
	v1 =	vsel vm4, $0xB520, v1;
	v2 =	vsel vm4, $0xFD20, v2;
	v0 =	vsel vm5, $0x6C90, v0  }
0x1a: {  	s6 =	sshll.u32 s1, $0xB;
	s5 =	ssub.s32 $0x2, s4;
	s4 =	sshll.u32 s4, $0xA;
	[tilespmem:$0x1FFD0] =	vst v57;
	v1 =	vsel vm3, $0xB5B0, v1;
	v53 =	vsel vm3, $0xFDB0, v2;
	v0 =	vsel vm4, $0x6D20, v0  }
0x1b: {  	s17 =	simm.s32 $0x14400;
	s7 =	sshrl.u32 s5, $0x1;
	s14 =	sor.u32 s4, s6;
	[tilespmem:$0x1FFE0] =	vst v49;
	v52 =	vsel vm2, $0xB640, v1;
	v1 =	vsel vm2, $0xFE40, v53;
	v0 =	vsel vm3, $0x6DB0, v0  }
0x1c: {  	s18 =	simm.s32 $0x0;
	s15 =	ssub.s32 s5, s7;
	s3 =	sadd.s32 s3, s14;
	[tilespmem:$0x1FFF0] =	vst v42;
	v54 =	vsel vm1, $0xFED0, v1;
	v0 =	vsel vm2, $0x6E40, v0  }
0x1d: {  	s11 =	sadd.s32 s11, s14;
	s12 =	sadd.s32 s12, s14;
	s13 =	sadd.s32 s13, s14;
	v58 =	vsel vm0, $0xFF60, v54;
	[tilespmem:$0x1FF70] =	vst v59;
	v0 =	vsel vm1, $0x6ED0, v0  }
0x1e: {  	v55 =	vmul.u32 $0xFFFFFFFF, v51;
	s4 =	sadd.s32 $0x8000, s3;
	s5 =	sadd.s32 $0x10000, s3;
	s6 =	sadd.s32 $0x18000, s3;
	[tilespmem:$0x1FFC0] =	vst v58;
	v61 =	vsel vm0, $0x6F60, v0;
	v0 =	vsel vm1, $0xB6D0, v52  }
0x1f: {  	s7 =	sadd.s32 $0x20000, s3;
	s8 =	sadd.s32 $0x28000, s3;
	s9 =	sadd.s32 $0x30000, s3;
	v63 =	vsel vm0, $0xB760, v0;
	[tilespmem:$0x1FF80] =	vst v61  }
0x20: {  	v11 =	vand.u32 $0x7, v51;
	v8 =	vadd.s32 $0xF, v55;
	s10 =	sadd.s32 $0x38000, s3;
	s14 =	smax.u32 s15, $0x1;
	s15 =	simm.s32 $0x1;
	vm0 =	vmmov $0xff;
	[tilespmem:$0x1FFA0] =	vst v63  }
.LBB2_1:
0x21: {  	s19 =	simm.s32 $0x10  }
0x22: {  	s22 =	sadd.s32 $0x0, s3;
	s20 =	simm.s32 $0x90;
	s21 =	simm.s32 $0x0  }
.LBB2_2:
0x23: {  	[tilespmem:s21], [sflag:$0x1] =	stream.linear.gather [hbm4b:s22+s2], $0x80, $0x38;
	[tilespmem:$0x16800] =	vst v63  }
0x24: {  	s22 =	smov.u32 s19;
	s21 =	smov.u32 s20;
	p0 =	sne.s32 s19, $0x3F0  }
.Ltmp0:
0x25: {  	s19 =	sadd.s32 $0x10, s19;
	(pc) =	sbr.rel @p0 .LBB2_2-.Ltmp0, $2  }
0x26: {  	_ =	sdelay $0x2  }
0x27: {  	s20 =	sadd.s32 $0x90, s20;
	s22 =	sadd.s32 s22, s3  }
0x28: {  	[tilespmem:s21], [sflag:$0x1] =	stream.linear.gather [hbm4b:s22+s2], $0x80, $0x38;
	[tilespmem:$0x16800] =	vst v63  }
0x29: {  	s19 =	simm.s32 $0x2400  }
0x2a: {  	s20 =	simm.s32 $0x10;
	s22 =	sadd.s32 $0x0, s4;
	s21 =	simm.s32 $0x2490  }
.LBB2_4:
0x2b: {  	[tilespmem:s19], [sflag:$0x1] =	stream.linear.gather [hbm4b:s22+s2], $0x80, $0x38;
	[tilespmem:$0x16800] =	vst v63  }
0x2c: {  	s22 =	smov.u32 s20;
	s19 =	smov.u32 s21;
	p0 =	sne.s32 s20, $0x3F0  }
.Ltmp1:
0x2d: {  	s20 =	sadd.s32 $0x10, s20;
	(pc) =	sbr.rel @p0 .LBB2_4-.Ltmp1, $2  }
0x2e: {  	_ =	sdelay $0x2  }
0x2f: {  	s21 =	sadd.s32 $0x90, s21;
	s22 =	sadd.s32 s22, s4  }
0x30: {  	[tilespmem:s19], [sflag:$0x1] =	stream.linear.gather [hbm4b:s22+s2], $0x80, $0x38;
	[tilespmem:$0x16800] =	vst v63  }
0x31: {  	s19 =	simm.s32 $0x4800  }
0x32: {  	s20 =	simm.s32 $0x10;
	s22 =	sadd.s32 $0x0, s5;
	s21 =	simm.s32 $0x4890  }
.LBB2_6:
0x33: {  	[tilespmem:s19], [sflag:$0x1] =	stream.linear.gather [hbm4b:s22+s2], $0x80, $0x38;
	[tilespmem:$0x16800] =	vst v63  }
0x34: {  	s22 =	smov.u32 s20;
	s19 =	smov.u32 s21;
	p0 =	sne.s32 s20, $0x3F0  }
.Ltmp2:
0x35: {  	s20 =	sadd.s32 $0x10, s20;
	(pc) =	sbr.rel @p0 .LBB2_6-.Ltmp2, $2  }
0x36: {  	_ =	sdelay $0x2  }
0x37: {  	s21 =	sadd.s32 $0x90, s21;
	s22 =	sadd.s32 s22, s5  }
0x38: {  	[tilespmem:s19], [sflag:$0x1] =	stream.linear.gather [hbm4b:s22+s2], $0x80, $0x38;
	[tilespmem:$0x16800] =	vst v63  }
0x39: {  	s19 =	simm.s32 $0x6C00  }
0x3a: {  	s20 =	simm.s32 $0x10;
	s22 =	sadd.s32 $0x0, s6;
	s21 =	simm.s32 $0x6C90  }
.LBB2_8:
0x3b: {  	[tilespmem:s19], [sflag:$0x1] =	stream.linear.gather [hbm4b:s22+s2], $0x80, $0x38;
	[tilespmem:$0x16800] =	vst v63  }
0x3c: {  	s22 =	smov.u32 s20;
	s19 =	smov.u32 s21;
	p0 =	sne.s32 s20, $0x3F0  }
.Ltmp3:
0x3d: {  	s20 =	sadd.s32 $0x10, s20;
	(pc) =	sbr.rel @p0 .LBB2_8-.Ltmp3, $2  }
0x3e: {  	_ =	sdelay $0x2  }
0x3f: {  	s21 =	sadd.s32 $0x90, s21;
	s22 =	sadd.s32 s22, s6  }
0x40: {  	[tilespmem:s19], [sflag:$0x1] =	stream.linear.gather [hbm4b:s22+s2], $0x80, $0x38;
	[tilespmem:$0x16800] =	vst v63  }
0x41: {  	s19 =	simm.s32 $0x9000  }
0x42: {  	s20 =	simm.s32 $0x10;
	s22 =	sadd.s32 $0x0, s7;
	s21 =	simm.s32 $0x9090  }
.LBB2_10:
0x43: {  	[tilespmem:s19], [sflag:$0x1] =	stream.linear.gather [hbm4b:s22+s2], $0x80, $0x38;
	[tilespmem:$0x16800] =	vst v63  }
0x44: {  	s22 =	smov.u32 s20;
	s19 =	smov.u32 s21;
	p0 =	sne.s32 s20, $0x3F0  }
.Ltmp4:
0x45: {  	s20 =	sadd.s32 $0x10, s20;
	(pc) =	sbr.rel @p0 .LBB2_10-.Ltmp4, $2  }
0x46: {  	_ =	sdelay $0x2  }
0x47: {  	s21 =	sadd.s32 $0x90, s21;
	s22 =	sadd.s32 s22, s7  }
0x48: {  	[tilespmem:s19], [sflag:$0x1] =	stream.linear.gather [hbm4b:s22+s2], $0x80, $0x38;
	[tilespmem:$0x16800] =	vst v63  }
0x49: {  	s19 =	simm.s32 $0xB400  }
0x4a: {  	s20 =	simm.s32 $0x10;
	s22 =	sadd.s32 $0x0, s8;
	s21 =	simm.s32 $0xB490  }
.LBB2_12:
0x4b: {  	[tilespmem:s19], [sflag:$0x1] =	stream.linear.gather [hbm4b:s22+s2], $0x80, $0x38;
	[tilespmem:$0x16800] =	vst v63  }
0x4c: {  	s22 =	smov.u32 s20;
	s19 =	smov.u32 s21;
	p0 =	sne.s32 s20, $0x3F0  }
.Ltmp5:
0x4d: {  	s20 =	sadd.s32 $0x10, s20;
	(pc) =	sbr.rel @p0 .LBB2_12-.Ltmp5, $2  }
0x4e: {  	_ =	sdelay $0x2  }
0x4f: {  	s21 =	sadd.s32 $0x90, s21;
	s22 =	sadd.s32 s22, s8  }
0x50: {  	[tilespmem:s19], [sflag:$0x1] =	stream.linear.gather [hbm4b:s22+s2], $0x80, $0x38;
	[tilespmem:$0x16800] =	vst v63  }
0x51: {  	s19 =	simm.s32 $0xD800  }
0x52: {  	s20 =	simm.s32 $0x10;
	s22 =	sadd.s32 $0x0, s9;
	s21 =	simm.s32 $0xD890  }
.LBB2_14:
0x53: {  	[tilespmem:s19], [sflag:$0x1] =	stream.linear.gather [hbm4b:s22+s2], $0x80, $0x38;
	[tilespmem:$0x16800] =	vst v63  }
0x54: {  	s22 =	smov.u32 s20;
	s19 =	smov.u32 s21;
	p0 =	sne.s32 s20, $0x3F0  }
.Ltmp6:
0x55: {  	s20 =	sadd.s32 $0x10, s20;
	(pc) =	sbr.rel @p0 .LBB2_14-.Ltmp6, $2  }
0x56: {  	_ =	sdelay $0x2  }
0x57: {  	s21 =	sadd.s32 $0x90, s21;
	s22 =	sadd.s32 s22, s9  }
0x58: {  	[tilespmem:s19], [sflag:$0x1] =	stream.linear.gather [hbm4b:s22+s2], $0x80, $0x38;
	[tilespmem:$0x16800] =	vst v63  }
0x59: {  	s19 =	simm.s32 $0xFC00  }
0x5a: {  	s20 =	simm.s32 $0x10;
	s22 =	sadd.s32 $0x0, s10;
	s21 =	simm.s32 $0xFC90  }
.LBB2_16:
0x5b: {  	[tilespmem:s19], [sflag:$0x1] =	stream.linear.gather [hbm4b:s22+s2], $0x80, $0x38;
	[tilespmem:$0x16800] =	vst v63  }
0x5c: {  	s22 =	smov.u32 s20;
	s19 =	smov.u32 s21;
	p0 =	sne.s32 s20, $0x3F0  }
.Ltmp7:
0x5d: {  	s20 =	sadd.s32 $0x10, s20;
	(pc) =	sbr.rel @p0 .LBB2_16-.Ltmp7, $2  }
0x5e: {  	_ =	sdelay $0x2  }
0x5f: {  	s21 =	sadd.s32 $0x90, s21;
	s22 =	sadd.s32 s22, s10  }
0x60: {  	[tilespmem:s19], [sflag:$0x1] =	stream.linear.gather [hbm4b:s22+s2], $0x80, $0x38;
	[tilespmem:$0x16800] =	vst v63  }
0x61: {  	_ =	swait.ge [sflag:s15], $0x2000  }
0x62: {  	[sflag:s15] =	ssyncset.done $0x0  }
0x63: {  	[sflag:s15] =	ssyncadd.s32 $0xFFFFE000  }
0x64: {  	_ =	swait.ge [sflag:s15], $0x2000  }
0x65: {  	[sflag:s15] =	ssyncset.done $0x0  }
0x66: {  	[sflag:s15] =	ssyncadd.s32 $0xFFFFE000  }
0x67: {  	_ =	swait.ge [sflag:s15], $0x2000  }
0x68: {  	[sflag:s15] =	ssyncset.done $0x0  }
0x69: {  	[sflag:s15] =	ssyncadd.s32 $0xFFFFE000  }
0x6a: {  	_ =	swait.ge [sflag:s15], $0x2000  }
0x6b: {  	s30 =	simm.s32 $0x0;
	[sflag:s15] =	ssyncset.done $0x0  }
0x6c: {  	s20 =	simm.s32 $0x0;
	s19 =	sand.u32 $0x78, s30;
	[sflag:s15] =	ssyncadd.s32 $0xFFFFE000  }
0x6d: {  	v0 =	vmov s20;
	v1 =	vmov s19;
	_ =	swait.ge [sflag:s15], $0x2000  }
0x6e: {  	v0 =	vmul.u32 $0x480, v0;
	v1 =	vshrl.u32 v1, $0x3;
	[sflag:s15] =	ssyncset.done $0x0  }
0x6f: {  	v1 =	vshll.u32 v1, $0x3;
	[sflag:s15] =	ssyncadd.s32 $0xFFFFE000  }
0x70: {  	v0 =	vor.u32 v1, v0;
	_ =	swait.ge [sflag:s15], $0x2000  }
0x71: {  	v2 =	vbroadcast v0, $0x0;
	[sflag:s15] =	ssyncset.done $0x0  }
0x72: {  	[sflag:s15] =	ssyncadd.s32 $0xFFFFE000  }
0x73: {  	v3 =	vadd.s32 v58, v2;
	_ =	swait.ge [sflag:s15], $0x2000  }
0x74: {  	v1 =	vor.u32 $0x2, v3;
	[sflag:s15] =	ssyncset.done $0x0  }
0x75: {  	v4 =	vor.u32 $0x7, v3;
	[sflag:s15] =	ssyncadd.s32 $0xFFFFE000  }
0x76: {  	v5 =	vadd.s32 v63, v2;
	v6 =	vor.u32 $0x4, v3;
	_ =	swait.ge [sflag:s15], $0x2000  }
0x77: {  	v0 =	vadd.s32 v61, v2;
	v7 =	vor.u32 $0x5, v5;
	[sflag:s15] =	ssyncset.done $0x0  }
0x78: {  	s19 =	simm.s32 $0x0;
	v9 =	vor.u32 $0x2, v0;
	[sflag:s15] =	ssyncadd.s32 $0xFFFFE000  }
0x79: {  	v10 =	vor.u32 $0x4, v5;
	v12 =	vld.idx.msk [tilespmem:v1+s19+$0x0], $0xffff  }
0x7a: {  	v13 =	vor.u32 $0x5, v0;
	v4 =	vld.idx.msk [tilespmem:v4+s19+$0x0], $0xffff  }
0x7b: {  	v14 =	vor.u32 $0x7, v5;
	v1 =	vadd.s32 v59, v2;
	v6 =	vld.idx.msk [tilespmem:v6+s19+$0x0], $0xffff  }
0x7c: {  	v7 =	vld.idx.msk [tilespmem:v7+s19+$0x0], $0xffff;
	v15 =	vor.u32 $0x2, v1  }
0x7d: {  	v16 =	vor.u32 $0x5, v3;
	v9 =	vld.idx.msk [tilespmem:v9+s19+$0x0], $0xffff  }
0x7e: {  	v17 =	vor.u32 $0x7, v0;
	v10 =	vld.idx.msk [tilespmem:v10+s19+$0x0], $0xffff;
	(xrf1) =	vsort.dscd.msk.f32 $0xffff, v12, v57  }
0x7f: {  	v13 =	vld.idx.msk [tilespmem:v13+s19+$0x0], $0xffff;
	v12 =	vor.u32 $0x6, v3;
	(xrf1) =	vsort.dscd.msk.f32 $0xffff, v4, v57  }
0x80: {  	v4 =	vld.idx.msk [tilespmem:v14+s19+$0x0], $0xffff;
	(xrf1) =	vsort.dscd.msk.f32 $0xffff, v6, v57  }
0x81: {  	v6 =	vld.idx.msk [tilespmem:v15+s19+$0x0], $0xffff;
	(xrf1) =	vsort.dscd.msk.f32 $0xffff, v7, v62  }
0x82: {  	v14 =	vor.u32 $0x6, v5;
	v7 =	vld.idx.msk [tilespmem:v16+s19+$0x0], $0xffff;
	(xrf1) =	vsort.dscd.msk.f32 $0xffff, v9, v60  }
0x83: {  	v15 =	vld.idx.msk [tilespmem:v17+s19+$0x0], $0xffff;
	v9 =	vor.u32 $0x3, v5;
	(xrf1) =	vsort.dscd.msk.f32 $0xffff, v10, v62  }
0x84: {  	v10 =	vor.u32 $0x5, v1;
	v12 =	vld.idx.msk [tilespmem:v12+s19+$0x0], $0xffff;
	(xrf1) =	vsort.dscd.msk.f32 $0xffff, v13, v60  }
0x85: {  	v16 =	vor.u32 $0x7, v1;
	v13 =	vld.idx.msk [tilespmem:v3+s19+$0x0], $0xffff;
	(xrf1) =	vsort.dscd.msk.f32 $0xffff, v4, v62  }
0x86: {  	v17 =	vld.idx.msk [tilespmem:v5+s19+$0x0], $0xffff;
	v4 =	vor.u32 $0x3, v3;
	(xrf1) =	vsort.dscd.msk.f32 $0xffff, v6, v51  }
0x87: {  	v14 =	vld.idx.msk [tilespmem:v14+s19+$0x0], $0xffff;
	v6 =	vor.u32 $0x6, v0;
	(xrf1) =	vsort.dscd.msk.f32 $0xffff, v7, v57  }
0x88: {  	v7 =	vld.idx.msk [tilespmem:v9+s19+$0x0], $0xffff;
	(xrf1) =	vsort.dscd.msk.f32 $0xffff, v15, v60  }
0x89: {  	v9 =	vor.u32 $0x6, v1;
	v10 =	vld.idx.msk [tilespmem:v10+s19+$0x0], $0xffff;
	(xrf1) =	vsort.dscd.msk.f32 $0xffff, v12, v57  }
0x8a: {  	v12 =	vld.idx.msk [tilespmem:v16+s19+$0x0], $0xffff;
	(xrf1) =	vsort.dscd.msk.f32 $0xffff, v13, v57  }
0x8b: {  	v4 =	vld.idx.msk [tilespmem:v4+s19+$0x0], $0xffff;
	(xrf1) =	vsort.dscd.msk.f32 $0xffff, v17, v62  }
0x8c: {  	v6 =	vld.idx.msk [tilespmem:v6+s19+$0x0], $0xffff;
	v13, v15, _ =	vpop (xrf1);
	(xrf1) =	vsort.dscd.msk.f32 $0xffff, v14, v62  }
0x8d: {  	v3 =	vor.u32 $0x1, v3;
	v14, v16, _ =	vpop (xrf1);
	(xrf1) =	vsort.dscd.msk.f32 $0xffff, v7, v62  }
0x8e: {  	v9 =	vld.idx.msk [tilespmem:v9+s19+$0x0], $0xffff;
	v7, v17, _ =	vpop (xrf1);
	(xrf1) =	vsort.dscd.msk.f32 $0xffff, v10, v51  }
0x8f: {  	v10 =	vor.u32 $0x1, v5;
	v18, v19, _ =	vpop (xrf1);
	(xrf1) =	vsort.dscd.msk.f32 $0xffff, v12, v51  }
0x90: {  	v12 =	vor.u32 $0x3, v0;
	v20, v21, _ =	vpop (xrf1);
	(xrf1) =	vsort.dscd.msk.f32 $0xffff, v4, v57  }
0x91: {  	v4 =	vor.u32 $0x2, v5;
	v5, v22, _ =	vpop (xrf1);
	(xrf1) =	vsort.dscd.msk.f32 $0xffff, v6, v60  }
0x92: {  	v3 =	vld.idx.msk [tilespmem:v3+s19+$0x0], $0xffff;
	v16 =	vperm.xlane v16, v8;
	v6, v23, _ =	vpop (xrf1)  }
0x93: {  	v14 =	vperm.xlane v14, v8;
	v24, v25, _ =	vpop (xrf1);
	(xrf1) =	vsort.dscd.msk.f32 $0xffff, v9, v51  }
0x94: {  	v9 =	vld.idx.msk [tilespmem:v10+s19+$0x0], $0xffff;
	v10, v26, _ =	vpop (xrf1);
	v16 =	vsel vm0, v25, v16  }
0x95: {  	v12 =	vld.idx.msk [tilespmem:v12+s19+$0x0], $0xffff;
	v14 =	vsel vm0, v24, v14;
	v27, v28, _ =	vpop (xrf1)  }
0x96: {  	v31 =	vor.u32 $0x1, v0;
	v4 =	vld.idx.msk [tilespmem:v4+s19+$0x0], $0xffff;
	v29, v30, _ =	vpop (xrf1)  }
0x97: {  	(xrf1) =	vsort.dscd.msk.f32 $0xffff, v3, v57;
	v3, v24, _ =	vpop (xrf1)  }
0x98: {  	v7 =	vperm.xlane v7, v8;
	v17 =	vperm.xlane v17, v8;
	(xrf1) =	vsort.dscd.msk.f32 $0xffff, v14, v16;
	v14, v16, _ =	vpop (xrf1)  }
0x99: {  	v28 =	vperm.xlane v28, v8;
	(xrf1) =	vsort.dscd.msk.f32 $0xffff, v9, v62;
	v9 =	vperm.xlane v13, v8;
	v25, v32, _ =	vpop (xrf1)  }
0x9a: {  	v13 =	vperm.xlane v15, v8;
	v24 =	vperm.xlane v24, v8;
	(xrf1) =	vsort.dscd.msk.f32 $0xffff, v12, v60;
	v12, v15, _ =	vpop (xrf1)  }
0x9b: {  	v31 =	vld.idx.msk [tilespmem:v31+s19+$0x0], $0xffff;
	v33 =	vor.u32 $0x3, v1;
	(xrf1) =	vsort.dscd.msk.f32 $0xffff, v4, v62;
	v4, v34, _ =	vpop (xrf1)  }
0x9c: {  	v5 =	vsel vm0, v5, v7;
	v7 =	vsel vm0, v22, v17;
	v17 =	vperm.xlane v27, v8;
	v36, v37, _ =	vpop (xrf1)  }
0x9d: {  	v35 =	vor.u32 $0x1, v1;
	v22, v27, _ =	vpop (xrf1)  }
0x9e: {  	v19 =	vsel vm0, v19, v28;
	v17 =	vsel vm0, v18, v17;
	v15 =	vsel vm0, v15, v24;
	v24, v28, _ =	vpop (xrf1)  }
0x9f: {  	(xrf1) =	vsort.dscd.msk.f32 $0xffff, v17, v19;
	v24 =	vperm.xlane v24, v8;
	v18 =	vperm.xlane v28, v8;
	v28, v38, _ =	vpop (xrf1)  }
0xa0: {  	s20 =	simm.s32 $0x8;
	v3 =	vperm.xlane v3, v8;
	(xrf1) =	vsort.dscd.msk.f32 $0xffff, v31, v60;
	v19 =	vperm.xlane v38, v8  }
0xa1: {  	s31 =	sand.u32 $0x78, s20;
	v33 =	vld.idx.msk [tilespmem:v33+s19+$0x0], $0xffff;
	v17 =	vperm.xlane v28, v8;
	v28, v31, _ =	vpop (xrf1);
	v4 =	vsel vm0, v4, v24;
	v18 =	vsel vm0, v34, v18  }
0xa2: {  	v19 =	vsel vm0, v31, v19;
	(xrf1) =	vsort.dscd.msk.f32 $0xffff, v4, v18;
	v18 =	vmov s31  }
0xa3: {  	s21 =	simm.s32 $0x0;
	v3 =	vsel vm0, v12, v3;
	v17 =	vsel vm0, v28, v17;
	v4 =	vld.idx.msk [tilespmem:v35+s19+$0x0], $0xffff;
	v18 =	vshrl.u32 v18, $0x3  }
0xa4: {  	v12 =	vmov s21;
	(xrf1) =	vsort.dscd.msk.f32 $0xffff, v17, v19;
	v18 =	vshll.u32 v18, $0x3  }
0xa5: {  	v12 =	vmul.u32 $0x480, v12;
	v17 =	vperm.xlane v20, v8;
	(xrf1) =	vsort.dscd.msk.f32 $0xffff, v3, v15;
	v19, v20, _ =	vpop (xrf1)  }
0xa6: {  	v14 =	vperm.xlane v14, v8;
	v24 =	vor.u32 $0x4, v0;
	v15 =	vperm.xlane v6, v8;
	(xrf1) =	vsort.dscd.msk.f32 $0xffff, v33, v51;
	v3, v6, _ =	vpop (xrf1)  }
0xa7: {  	v10 =	vsel vm0, v10, v17;
	v17 =	vperm.xlane v23, v8;
	v12 =	vor.u32 v18, v12;
	v18, v23, _ =	vpop (xrf1)  }
0xa8: {  	v21 =	vperm.xlane v21, v8;
	v14 =	vsel vm0, v25, v14;
	(xrf1) =	vsort.dscd.msk.f32 $0xffff, v4, v51;
	v4, v28, _ =	vpop (xrf1)  }
0xa9: {  	v25 =	vor.u32 $0x4, v1;
	v15 =	vsel vm0, v36, v15;
	v17 =	vsel vm0, v37, v17;
	v31, v54, _ =	vpop (xrf1)  }
0xaa: {  	v12 =	vbroadcast v12, $0x0;
	(xrf1) =	vsort.dscd.msk.f32 $0xffff, v15, v17;
	v9 =	vsel vm0, v31, v9;
	v13 =	vsel vm0, v54, v13  }
0xab: {  	v21 =	vsel vm0, v26, v21;
	v16 =	vperm.xlane v16, v8;
	(xrf1) =	vsort.dscd.msk.f32 $0xffff, v9, v13  }
0xac: {  	v24 =	vld.idx.msk [tilespmem:v24+s19+$0x0], $0xffff;
	v17 =	vadd.s32 v58, v12;
	(xrf1) =	vsort.dscd.msk.f32 $0xffff, v10, v21;
	v10 =	vperm.xlane v30, v8  }
0xad: {  	v1 =	vld.idx.msk [tilespmem:v1+s19+$0x0], $0xffff;
	v15 =	vor.u32 $0x2, v17;
	v9 =	vperm.xlane v29, v8  }
0xae: {  	v16 =	vsel vm0, v32, v16;
	v0 =	vld.idx.msk [tilespmem:v0+s19+$0x0], $0xffff;
	v19 =	vperm.xlane v19, v8  }
0xaf: {  	v13 =	vor.u32 $0x7, v17;
	v21 =	vld.idx.msk [tilespmem:v25+s19+$0x0], $0xffff;
	(xrf1) =	vsort.dscd.msk.f32 $0xffff, v14, v16;
	v16 =	vsel vm0, v22, v9;
	v22, v25, _ =	vpop (xrf1)  }
0xb0: {  	(xrf1) =	vsort.dscd.msk.f32 $0xffff, v5, v7;
	v5 =	vsel vm0, v27, v10;
	v7 =	vsel vm0, v18, v19;
	v10, v18, _ =	vpop (xrf1)  }
0xb1: {  	v9 =	vperm.xlane v20, v8;
	v20 =	vor.u32 $0x4, v17;
	(xrf1) =	vsort.dscd.msk.f32 $0xffff, v24, v60;
	v24, v26, _ =	vpop (xrf1)  }
0xb2: {  	v28 =	vperm.xlane v28, v8;
	v4 =	vperm.xlane v4, v8;
	v19 =	vld.idx.msk [tilespmem:v15+s19+$0x0], $0xffff;
	(xrf1) =	vsort.dscd.msk.f32 $0xffff, v1, v51;
	v29, v30, _ =	vpop (xrf1)  }
0xb3: {  	v9 =	vsel vm0, v23, v9;
	v23 =	vadd.s32 v63, v12;
	(xrf1) =	vsort.dscd.msk.f32 $0xffff, v0, v60;
	v31, v55, _ =	vpop (xrf1)  }
0xb4: {  	v14 =	vadd.s32 v59, v12;
	v27 =	vor.u32 $0x4, v23;
	v13 =	vld.idx.msk [tilespmem:v13+s19+$0x0], $0xffff;
	(xrf1) =	vsort.dscd.msk.f32 $0xffff, v21, v51;
	v40, v41, _ =	vpop (xrf1)  }
0xb5: {  	v15 =	vadd.s32 v61, v12;
	v0 =	vor.u32 $0x5, v23;
	v28 =	vsel vm0, v41, v28  }
0xb6: {  	v22 =	vperm.xlane v22, v8;
	v56 =	vor.u32 $0x2, v15;
	v1 =	vor.u32 $0x5, v17;
	v20 =	vld.idx.msk [tilespmem:v20+s19+$0x0], $0xffff  }
0xb7: {  	(xrf1) =	vsort.dscd.msk.f32 $0xffff, v19, v57;
	v19 =	vperm.xlane v25, v8;
	v25 =	vor.u32 $0x5, v15;
	v4 =	vsel vm0, v40, v4  }
0xb8: {  	v42 =	vor.u32 $0x7, v23;
	(xrf1) =	vsort.dscd.msk.f32 $0xffff, v4, v28;
	v4 =	vperm.xlane v10, v8;
	v10 =	vperm.xlane v31, v8;
	v28, v31, _ =	vpop (xrf1)  }
0xb9: {  	v18 =	vperm.xlane v18, v8;
	v27 =	vld.idx.msk [tilespmem:v27+s19+$0x0], $0xffff;
	(xrf1) =	vsort.dscd.msk.f32 $0xffff, v13, v57;
	v13 =	vperm.xlane v55, v8;
	v44, v43, _ =	vpop (xrf1)  }
0xba: {  	v0 =	vld.idx.msk [tilespmem:v0+s19+$0x0], $0xffff;
	(xrf1) =	vsort.dscd.msk.f32 $0xffff, v7, v9;
	v10 =	vsel vm0, v29, v10;
	v9 =	vsel vm0, v43, v19  }
0xbb: {  	(xrf1) =	vsort.dscd.msk.f32 $0xffff, v20, v57;
	v18 =	vsel vm0, v31, v18;
	v7 =	vsel vm0, v44, v22;
	v22 =	vld.idx.msk [tilespmem:v56+s19+$0x0], $0xffff;
	v20, v45, _ =	vpop (xrf1)  }
0xbc: {  	v4 =	vsel vm0, v28, v4;
	v19 =	vor.u32 $0x2, v14;
	(xrf1) =	vsort.dscd.msk.f32 $0xffff, v7, v9;
	v7 =	vld.idx.msk [tilespmem:v25+s19+$0x0], $0xffff;
	v25, v28, _ =	vpop (xrf1)  }
0xbd: {  	v13 =	vsel vm0, v30, v13;
	v20 =	vperm.xlane v20, v8;
	(xrf1) =	vsort.dscd.msk.f32 $0xffff, v4, v18;
	v4 =	vor.u32 $0x6, v17;
	v9, v30, _ =	vpop (xrf1)  }
0xbe: {  	v21 =	vor.u32 $0x7, v15;
	v46 =	vld.idx.msk [tilespmem:v42+s19+$0x0], $0xffff;
	(xrf1) =	vsort.dscd.msk.f32 $0xffff, v10, v13;
	v13 =	vperm.xlane v45, v8;
	v32, v34, _ =	vpop (xrf1)  }
0xbf: {  	v50 =	vld.idx.msk [tilespmem:v1+s19+$0x0], $0xffff;
	(xrf1) =	vsort.dscd.msk.f32 $0xffff, v0, v62;
	v1, v39, _ =	vpop (xrf1)  }
0xc0: {  	v47 =	vor.u32 $0x3, v23;
	v52 =	vor.u32 $0x6, v23;
	(xrf1) =	vsort.dscd.msk.f32 $0xffff, v22, v60;
	v0 =	vsel vm0, v28, v13;
	v22, v28, _ =	vpop (xrf1)  }
0xc1: {  	v26 =	vperm.xlane v26, v8;
	v19 =	vld.idx.msk [tilespmem:v19+s19+$0x0], $0xffff;
	(xrf1) =	vsort.dscd.msk.f32 $0xffff, v27, v62;
	v39 =	vperm.xlane v39, v8;
	v27, v40, _ =	vpop (xrf1)  }
0xc2: {  	(xrf1) =	vsort.dscd.msk.f32 $0xffff, v7, v60;
	v7 =	vperm.xlane v1, v8;
	v41 =	vld.idx.msk [tilespmem:v4+s19+$0x0], $0xffff;
	v1 =	vsel vm0, v25, v20;
	v4, v20, _ =	vpop (xrf1)  }
0xc3: {  	v29 =	vor.u32 $0x3, v17;
	v21 =	vld.idx.msk [tilespmem:v21+s19+$0x0], $0xffff;
	v18 =	vor.u32 $0x1, v17;
	(xrf1) =	vsort.dscd.msk.f32 $0xffff, v16, v5;
	v5 =	vsel vm0, v20, v39  }
0xc4: {  	v17 =	vld.idx.msk [tilespmem:v17+s19+$0x0], $0xffff;
	v13 =	vadd.s32 v49, v2;
	(xrf1) =	vsort.dscd.msk.f32 $0xffff, v46, v62;
	v4 =	vsel vm0, v4, v7  }
0xc5: {  	v48 =	vor.u32 $0x5, v14;
	v24 =	vperm.xlane v24, v8;
	v2 =	vld.idx.msk [tilespmem:v23+s19+$0x0], $0xffff;
	v54 =	vor.u32 $0x5, v13;
	v16, v20, _ =	vpop (xrf1);
	(xrf1) =	vsort.dscd.msk.f32 $0xffff, v4, v5  }
0xc6: {  	v25 =	vperm.xlane v27, v8;
	v27 =	vor.u32 $0x7, v14;
	v4 =	vperm.xlane v16, v8;
	(xrf1) =	vsort.dscd.msk.f32 $0xffff, v19, v51;
	v5, v53, _ =	vpop (xrf1)  }
0xc7: {  	v7 =	vld.idx.msk [tilespmem:v52+s19+$0x0], $0xffff;
	v19 =	vperm.xlane v40, v8;
	(xrf1) =	vsort.dscd.msk.f32 $0xffff, v50, v57;
	v16, v55, _ =	vpop (xrf1);
	v24 =	vsel vm0, v5, v24  }
0xc8: {  	v35 =	vld.idx.msk [tilespmem:v47+s19+$0x0], $0xffff;
	v5 =	vperm.xlane v20, v8;
	(xrf1) =	vsort.dscd.msk.f32 $0xffff, v21, v60;
	v20 =	vsel vm0, v53, v26;
	v21, v26, _ =	vpop (xrf1)  }
0xc9: {  	v31 =	vor.u32 $0x6, v14;
	v56 =	vor.u32 $0x6, v15;
	v22 =	vsel vm0, v22, v25;
	(xrf1) =	vsort.dscd.msk.f32 $0xffff, v41, v57;
	v44, v45, _ =	vpop (xrf1)  }
0xca: {  	v25 =	vld.idx.msk [tilespmem:v48+s19+$0x0], $0xffff;
	v19 =	vsel vm0, v28, v19;
	(xrf1) =	vsort.dscd.msk.f32 $0xffff, v17, v57;
	v17 =	vperm.xlane v30, v8;
	v30, v46, _ =	vpop (xrf1)  }
0xcb: {  	v27 =	vld.idx.msk [tilespmem:v27+s19+$0x0], $0xffff;
	v28 =	vperm.xlane v44, v8;
	(xrf1) =	vsort.dscd.msk.f32 $0xffff, v2, v62;
	v2 =	vperm.xlane v21, v8;
	v21, v48, _ =	vpop (xrf1)  }
0xcc: {  	v29 =	vld.idx.msk [tilespmem:v29+s19+$0x0], $0xffff;
	(xrf1) =	vsort.dscd.msk.f32 $0xffff, v7, v62;
	[tilespmem:v54+s16+$0x0] =	vst.idx.msk $0xff, v30;
	v30, v41, _ =	vpop (xrf1)  }
0xcd: {  	(xrf1) =	vsort.dscd.msk.f32 $0xffff, v35, v62;
	v42, v35, _ =	vpop (xrf1)  }
0xce: {  	v33 =	vld.idx.msk [tilespmem:v56+s19+$0x0], $0xffff;
	(xrf1) =	vsort.dscd.msk.f32 $0xffff, v24, v20;
	v36, v38, _ =	vpop (xrf1)  }
0xcf: {  	v2 =	vsel vm0, v21, v2;
	v21 =	vperm.xlane v6, v8;
	v6, v7, _ =	vpop (xrf1);
	(xrf1) =	vsort.dscd.msk.f32 $0xffff, v25, v51  }
0xd0: {  	v20 =	vld.idx.msk [tilespmem:v31+s19+$0x0], $0xffff;
	v6 =	vsel vm0, v6, v28;
	v25, v28, _ =	vpop (xrf1);
	(xrf1) =	vsort.dscd.msk.f32 $0xffff, v27, v51;
	v27 =	vperm.xlane v36, v8  }
0xd1: {  	v3 =	vperm.xlane v3, v8;
	(xrf1) =	vsort.dscd.msk.f32 $0xffff, v29, v57;
	v29, v49, _ =	vpop (xrf1)  }
0xd2: {  	v10 =	vor.u32 $0x2, v23;
	v23 =	vor.u32 $0x1, v23;
	v18 =	vld.idx.msk [tilespmem:v18+s19+$0x0], $0xffff;
	v16 =	vperm.xlane v16, v8;
	v52, v43, _ =	vpop (xrf1);
	(xrf1) =	vsort.dscd.msk.f32 $0xffff, v22, v19  }
0xd3: {  	v26 =	vperm.xlane v26, v8;
	[tilespmem:v54+s17+$0x0] =	vst.idx.msk $0xff, v46;
	v24 =	vor.u32 $0x3, v15;
	(xrf1) =	vsort.dscd.msk.f32 $0xffff, v33, v60;
	v33, v53, _ =	vpop (xrf1)  }
0xd4: {  	v54 =	vperm.xlane v25, v8;
	v3 =	vsel vm0, v29, v3;
	v29 =	vsel vm0, v49, v21;
	v21, v22, _ =	vpop (xrf1)  }
0xd5: {  	v50 =	vor.u32 $0x6, v13;
	(xrf1) =	vsort.dscd.msk.f32 $0xffff, v20, v51;
	v20 =	vsel vm0, v48, v26;
	v21 =	vsel vm0, v21, v27;
	v25, v27, _ =	vpop (xrf1)  }
0xd6: {  	v37 =	vperm.xlane v55, v8;
	v47 =	vperm.xlane v45, v8;
	v16 =	vsel vm0, v52, v16  }
0xd7: {  	v23 =	vld.idx.msk [tilespmem:v23+s19+$0x0], $0xffff;
	v26 =	vperm.xlane v28, v8;
	(xrf1) =	vsort.dscd.msk.f32 $0xffff, v2, v20;
	v39 =	vperm.xlane v25, v8;
	v28, v25, _ =	vpop (xrf1)  }
0xd8: {  	v24 =	vld.idx.msk [tilespmem:v24+s19+$0x0], $0xffff;
	v19 =	vsel vm0, v43, v37;
	(xrf1) =	vsort.dscd.msk.f32 $0xffff, v18, v57;
	v55 =	vperm.xlane v27, v8;
	v20, v27, _ =	vpop (xrf1)  }
0xd9: {  	(xrf1) =	vsort.dscd.msk.f32 $0xffff, v16, v19;
	v19 =	vperm.xlane v20, v8;
	v20 =	vperm.xlane v27, v8  }
0xda: {  	v10 =	vld.idx.msk [tilespmem:v10+s19+$0x0], $0xffff;
	v31 =	vperm.xlane v32, v8;
	[tilespmem:v50+s16+$0x0] =	vst.idx.msk $0xff, v30;
	v18 =	vperm.xlane v34, v8  }
0xdb: {  	[tilespmem:v50+s17+$0x0] =	vst.idx.msk $0xff, v41;
	v7 =	vsel vm0, v7, v47;
	v2 =	vor.u32 $0x1, v15;
	v16 =	vor.u32 $0x3, v13;
	v27, v30, _ =	vpop (xrf1)  }
0xdc: {  	v56 =	vsel vm0, v53, v18;
	(xrf1) =	vsort.dscd.msk.f32 $0xffff, v23, v62;
	v27 =	vperm.xlane v27, v8;
	v49, v48, _ =	vpop (xrf1)  }
0xdd: {  	v18 =	vperm.xlane v9, v8;
	v9 =	vor.u32 $0x3, v14;
	(xrf1) =	vsort.dscd.msk.f32 $0xffff, v24, v60;
	v30 =	vperm.xlane v30, v8;
	v45, v24, _ =	vpop (xrf1)  }
0xde: {  	v25 =	vperm.xlane v25, v8;
	v23 =	vsel vm0, v49, v27;
	v27 =	vsel vm0, v24, v20;
	v32, v20, _ =	vpop (xrf1)  }
0xdf: {  	v44 =	vor.u32 $0x1, v14;
	(xrf1) =	vsort.dscd.msk.f32 $0xffff, v10, v62;
	v24 =	vsel vm0, v48, v30;
	v30 =	vsel vm0, v45, v19;
	v10, v19, _ =	vpop (xrf1)  }
0xe0: {  	v52 =	vperm.xlane v28, v8;
	v50 =	vld.idx.msk [tilespmem:v2+s19+$0x0], $0xffff;
	(xrf1) =	vsort.dscd.msk.f32 $0xffff, v3, v29;
	v53, v28, _ =	vpop (xrf1);
	[tilespmem:v16+s16+$0x0] =	vst.idx.msk $0xff, v10  }
0xe1: {  	v2 =	vor.u32 $0x4, v15;
	v10 =	vsel vm0, v33, v31;
	v28 =	vsel vm0, v28, v26;
	v29, v26, _ =	vpop (xrf1);
	[tilespmem:v16+s17+$0x0] =	vst.idx.msk $0xff, v19  }
0xe2: {  	v3 =	vor.u32 $0x4, v14;
	v31 =	vsel vm0, v53, v54;
	v16 =	vsel vm0, v35, v55;
	(xrf1) =	vsort.dscd.msk.f32 $0xffff, v10, v56;
	v19, v54, _ =	vpop (xrf1)  }
0xe3: {  	v10 =	vld.idx.msk [tilespmem:v9+s19+$0x0], $0xffff;
	v9 =	vsel vm0, v29, v52;
	v35 =	vperm.xlane v19, v8;
	v19 =	vsel vm0, v42, v39;
	v34, v33, _ =	vpop (xrf1)  }
0xe4: {  	v29 =	vperm.xlane v38, v8;
	v36 =	vperm.xlane v54, v8;
	(xrf1) =	vsort.dscd.msk.f32 $0xffff, v19, v16;
	v56, v55, _ =	vpop (xrf1);
	v19 =	vor.u32 $0x1, v13  }
0xe5: {  	v16 =	vld.idx.msk [tilespmem:v44+s19+$0x0], $0xffff;
	v37 =	vperm.xlane v56, v8;
	v38 =	vperm.xlane v55, v8;
	(xrf1) =	vsort.dscd.msk.f32 $0xffff, v50, v60;
	v40, v39, _ =	vpop (xrf1)  }
.LBB2_18:
0xe6: {  	_ = 	snop  }
0xe7: {  	s20 =	sadd.s32 $0x8, s20;
	v32 =	vsel vm0, v32, v35;
	v43 =	vsel vm0, v20, v36;
	v50, v36, _ =	vpop (xrf1)  }
0xe8: {  	s21 =	sshrl.u32 s20, $0x7;
	s22 =	sand.u32 $0x78, s20;
	v42 =	vsel vm0, v40, v37;
	v44 =	vsel vm0, v39, v38;
	v38, v39, _ =	vpop (xrf1);
	(xrf1) =	vsort.dscd.msk.f32 $0xffff, v32, v43  }
0xe9: {  	v52 =	vmov s21;
	v41 =	vmov s22;
	(xrf1) =	vsort.dscd.msk.f32 $0xffff, v42, v44  }
0xea: {  	v34 =	vsel vm0, v34, v18;
	v18, v20, _ =	vpop (xrf1);
	v41 =	vshrl.u32 v41, $0x3;
	v40 =	vmul.u32 $0x480, v52;
	(xrf1) =	vsort.dscd.msk.f32 $0xffff, v30, v27  }
0xeb: {  	v27 =	vsel vm0, v33, v17;
	v17 =	vshll.u32 v41, $0x3;
	v54, v53, _ =	vpop (xrf1);
	(xrf1) =	vsort.dscd.msk.f32 $0xffff, v10, v51  }
0xec: {  	v40 =	vor.u32 v17, v40;
	v17 =	vsel vm0, v26, v25;
	(xrf1) =	vsort.dscd.msk.f32 $0xffff, v16, v51;
	v26, v55, _ =	vpop (xrf1)  }
0xed: {  	v10, v16, _ =	vpop (xrf1);
	(xrf1) =	vsort.dscd.msk.f32 $0xffff, v31, v28  }
0xee: {  	v25 =	vbroadcast v40, $0x0;
	(xrf1) =	vsort.dscd.msk.f32 $0xffff, v1, v0  }
0xef: {  	v56 =	vor.u32 $0x4, v13;
	v22 =	vsel vm0, v22, v29;
	v32 =	vor.u32 $0x7, v13;
	(xrf1) =	vsort.dscd.msk.f32 $0xffff, v34, v27  }
0xf0: {  	v49 =	vld.idx.msk [tilespmem:v2+s19+$0x0], $0xffff;
	v38 =	vperm.xlane v38, v8;
	v30 =	vperm.xlane v39, v8;
	v0 =	vadd.s32 v58, v25  }
0xf1: {  	[tilespmem:v19+s16+$0x0] =	vst.idx.msk $0xff, v50;
	v10 =	vsel vm0, v10, v4;
	v47 =	vsel vm0, v16, v5;
	v28 =	vor.u32 $0x1, v0  }
0xf2: {  	v50 =	vld.idx.msk [tilespmem:v14+s19+$0x0], $0xffff;
	v33 =	vsel vm0, v54, v38;
	v30 =	vsel vm0, v53, v30;
	v16, v27, _ =	vpop (xrf1);
	(xrf1) =	vsort.dscd.msk.f32 $0xffff, v10, v47  }
0xf3: {  	v26 =	vperm.xlane v26, v8;
	v4 =	vadd.s32 v63, v25;
	v31 =	vor.u32 $0x2, v0;
	v2, v5, _ =	vpop (xrf1);
	(xrf1) =	vsort.dscd.msk.f32 $0xffff, v21, v22  }
0xf4: {  	v43 =	vld.idx.msk [tilespmem:v15+s19+$0x0], $0xffff;
	v1 =	vor.u32 $0x2, v13;
	v48 =	vor.u32 $0x4, v0;
	[tilespmem:v56+s16+$0x0] =	vst.idx.msk $0xff, v2;
	v22, v53, _ =	vpop (xrf1);
	(xrf1) =	vsort.dscd.msk.f32 $0xffff, v23, v24  }
0xf5: {  	v29 =	vadd.s32 v61, v25;
	v14 =	vadd.s32 v59, v25;
	v10 =	vor.u32 $0x7, v0;
	v3 =	vld.idx.msk [tilespmem:v3+s19+$0x0], $0xffff;
	v24, v35, _ =	vpop (xrf1)  }
0xf6: {  	v42 =	vor.u32 $0x4, v4;
	[tilespmem:v32+s16+$0x0] =	vst.idx.msk $0xff, v16;
	v23 =	vld.idx.msk [tilespmem:v28+s19+$0x0], $0xffff;
	v28 =	vor.u32 $0x3, v14;
	v44, v46, _ =	vpop (xrf1);
	(xrf1) =	vsort.dscd.msk.f32 $0xffff, v6, v7  }
0xf7: {  	v45 =	vor.u32 $0x7, v4;
	[tilespmem:v32+s17+$0x0] =	vst.idx.msk $0xff, v27;
	v32 =	vperm.xlane v55, v8;
	(xrf1) =	vsort.dscd.msk.f32 $0xffff, v49, v60;
	v38, v47, _ =	vpop (xrf1)  }
0xf8: {  	[tilespmem:v56+s17+$0x0] =	vst.idx.msk $0xff, v5;
	v55 =	vperm.xlane v22, v8;
	v5 =	vld.idx.msk [tilespmem:v31+s19+$0x0], $0xffff;
	(xrf1) =	vsort.dscd.msk.f32 $0xffff, v50, v51;
	v22, v54, _ =	vpop (xrf1)  }
0xf9: {  	v37 =	vor.u32 $0x5, v0;
	v15 =	vmov v29;
	v27 =	vor.u32 $0x5, v4;
	v34 =	vld.idx.msk [tilespmem:v48+s19+$0x0], $0xffff;
	(xrf1) =	vsort.dscd.msk.f32 $0xffff, v43, v60;
	v43, v51, _ =	vpop (xrf1)  }
0xfa: {  	[tilespmem:v19+s17+$0x0] =	vst.idx.msk $0xff, v36;
	v36 =	vor.u32 $0x5, v15;
	v49 =	vld.idx.msk [tilespmem:v10+s19+$0x0], $0xffff;
	v50 =	vperm.xlane v22, v8;
	v22 =	vlaneseq.u32;
	v41, v52, _ =	vpop (xrf1)  }
0xfb: {  	v19 =	vor.u32 $0x2, v15;
	v7 =	vor.u32 $0x2, v4;
	v10 =	vld.idx.msk [tilespmem:v28+s19+$0x0], $0xffff;
	v28 =	vperm.xlane v54, v8;
	(xrf1) =	vsort.dscd.msk.f32 $0xffff, v3, v22;
	v3, v54, _ =	vpop (xrf1)  }
0xfc: {  	v42 =	vld.idx.msk [tilespmem:v42+s19+$0x0], $0xffff;
	v26 =	vsel vm0, v43, v26;
	v32 =	vsel vm0, v51, v32;
	v43 =	vsel vm0, v3, v55;
	v3, v48, _ =	vpop (xrf1)  }
0xfd: {  	v39 =	vperm.xlane v53, v8;
	v45 =	vld.idx.msk [tilespmem:v45+s19+$0x0], $0xffff;
	(xrf1) =	vsort.dscd.msk.f32 $0xffff, v5, v57;
	[tilespmem:v1+s16+$0x0] =	vst.idx.msk $0xff, v3;
	v5, v55, _ =	vpop (xrf1)  }
0xfe: {  	v24 =	vperm.xlane v24, v8;
	v27 =	vld.idx.msk [tilespmem:v27+s19+$0x0], $0xffff;
	(xrf1) =	vsort.dscd.msk.f32 $0xffff, v26, v32;
	[tilespmem:v13+s16+$0x0] =	vst.idx.msk $0xff, v5  }
0xff: {  	v31 =	vor.u32 $0x6, v0;
	v51 =	vor.u32 $0x2, v14;
	v5 =	vld.idx.msk [tilespmem:v36+s19+$0x0], $0xffff;
	(xrf1) =	vsort.dscd.msk.f32 $0xffff, v49, v57;
	[tilespmem:v1+s17+$0x0] =	vst.idx.msk $0xff, v48  }
0x100: {  	v35 =	vperm.xlane v35, v8;
	v28 =	vsel vm0, v47, v28;
	v26, v32, _ =	vpop (xrf1);
	v36 =	vld.idx.msk [tilespmem:v19+s19+$0x0], $0xffff;
	(xrf1) =	vsort.dscd.msk.f32 $0xffff, v33, v30  }
0x101: {  	[tilespmem:v13+s17+$0x0] =	vst.idx.msk $0xff, v55;
	v19 =	vld.idx.msk [tilespmem:v7+s19+$0x0], $0xffff;
	v13 =	vsel vm0, v54, v39;
	v30, v33, _ =	vpop (xrf1);
	(xrf1) =	vsort.dscd.msk.f32 $0xffff, v34, v57  }
0x102: {  	v1 =	vsel vm0, v52, v35;
	v7 =	vsel vm0, v41, v24;
	v34 =	vld.idx.msk [tilespmem:v37+s19+$0x0], $0xffff;
	v24, v37, _ =	vpop (xrf1);
	(xrf1) =	vsort.dscd.msk.f32 $0xffff, v43, v13  }
0x103: {  	v40 =	vor.u32 $0x7, v29;
	v38 =	vsel vm0, v38, v50;
	v49 =	vld [tilespmem:$0x1FFE0];
	v52 =	vperm.xlane v26, v8;
	(xrf1) =	vsort.dscd.msk.f32 $0xffff, v7, v1  }
0x104: {  	v53 =	vor.u32 $0x3, v4;
	v55 =	vor.u32 $0x6, v4;
	v47 =	vperm.xlane v32, v8;
	v39 =	vld.idx.msk [tilespmem:v51+s19+$0x0], $0xffff;
	v32, v26, _ =	vpop (xrf1);
	(xrf1) =	vsort.dscd.msk.f32 $0xffff, v38, v28  }
0x105: {  	v22 =	vor.u32 $0x1, v4;
	v1 =	vsel vm0, v30, v52;
	v30 =	vld.idx.msk [tilespmem:v4+s19+$0x0], $0xffff;
	v4 =	vor.u32 $0x6, v15;
	(xrf1) =	vsort.dscd.msk.f32 $0xffff, v27, v62  }
0x106: {  	v21 =	vor.u32 $0x3, v29;
	v7 =	vld.idx.msk [tilespmem:v0+s19+$0x0], $0xffff;
	v13, v27, _ =	vpop (xrf1);
	(xrf1) =	vsort.dscd.msk.f32 $0xffff, v36, v60  }
0x107: {  	v2 =	vor.u32 $0x4, v29;
	v29 =	vor.u32 $0x3, v0;
	v0 =	vsel vm0, v33, v47;
	v28 =	vld.idx.msk [tilespmem:v31+s19+$0x0], $0xffff;
	v31, v33, _ =	vpop (xrf1);
	(xrf1) =	vsort.dscd.msk.f32 $0xffff, v42, v62  }
0x108: {  	v40 =	vld.idx.msk [tilespmem:v40+s19+$0x0], $0xffff;
	v47 =	vperm.xlane v27, v8;
	v36, v38, _ =	vpop (xrf1);
	(xrf1) =	vsort.dscd.msk.f32 $0xffff, v5, v60;
	v5 =	vperm.xlane v13, v8  }
0x109: {  	v56 =	vor.u32 $0x5, v14;
	v35 =	vld.idx.msk [tilespmem:v55+s19+$0x0], $0xffff;
	v54, v55, _ =	vpop (xrf1);
	v13 =	vadd.s32 v49, v12;
	v12 =	vmov v25;
	(xrf1) =	vsort.dscd.msk.f32 $0xffff, v9, v17  }
0x10a: {  	v25 =	vld.idx.msk [tilespmem:v4+s19+$0x0], $0xffff;
	v17 =	vsel vm0, v55, v47;
	(xrf1) =	vsort.dscd.msk.f32 $0xffff, v45, v62;
	v52 =	vsel vm0, v54, v5  }
0x10b: {  	v20 =	vperm.xlane v20, v8;
	v51 =	vlaneseq.u32;
	v9 =	vld.idx.msk [tilespmem:v53+s19+$0x0], $0xffff;
	v53 =	vperm.xlane v44, v8;
	v4, v27, _ =	vpop (xrf1);
	(xrf1) =	vsort.dscd.msk.f32 $0xffff, v52, v17  }
0x10c: {  	v18 =	vperm.xlane v18, v8;
	v43 =	vor.u32 $0x7, v14;
	v36 =	vperm.xlane v36, v8;
	(xrf1) =	vsort.dscd.msk.f32 $0xffff, v39, v51;
	v5, v55, _ =	vpop (xrf1)  }
0x10d: {  	v6 =	vor.u32 $0x6, v14;
	v54 =	vperm.xlane v46, v8;
	v17 =	vperm.xlane v38, v8;
	(xrf1) =	vsort.dscd.msk.f32 $0xffff, v34, v57;
	v34, v45, _ =	vpop (xrf1)  }
0x10e: {  	v44 =	vld.idx.msk [tilespmem:v56+s19+$0x0], $0xffff;
	v4 =	vperm.xlane v4, v8;
	v41 =	vsel vm0, v5, v53;
	(xrf1) =	vsort.dscd.msk.f32 $0xffff, v40, v60;
	v56, v42, _ =	vpop (xrf1)  }
0x10f: {  	v39 =	vor.u32 $0x5, v13;
	v5 =	vperm.xlane v27, v8;
	v38 =	vsel vm0, v55, v54;
	v50, v48, _ =	vpop (xrf1);
	(xrf1) =	vsort.dscd.msk.f32 $0xffff, v28, v57  }
0x110: {  	v34 =	vperm.xlane v34, v8;
	v45 =	vperm.xlane v45, v8;
	(xrf1) =	vsort.dscd.msk.f32 $0xffff, v7, v57;
	v7, v53, _ =	vpop (xrf1)  }
0x111: {  	v27 =	vld.idx.msk [tilespmem:v43+s19+$0x0], $0xffff;
	v40 =	vperm.xlane v32, v8;
	v28 =	vsel vm0, v31, v36;
	(xrf1) =	vsort.dscd.msk.f32 $0xffff, v30, v62;
	v55, v43, _ =	vpop (xrf1)  }
0x112: {  	v29 =	vld.idx.msk [tilespmem:v29+s19+$0x0], $0xffff;
	v31 =	vsel vm0, v33, v17;
	v52 =	vperm.xlane v50, v8;
	(xrf1) =	vsort.dscd.msk.f32 $0xffff, v35, v62;
	v35, v46, _ =	vpop (xrf1)  }
0x113: {  	v17 =	vperm.xlane v37, v8;
	v54 =	vperm.xlane v48, v8;
	(xrf1) =	vsort.dscd.msk.f32 $0xffff, v9, v62;
	v9, v47, _ =	vpop (xrf1)  }
0x114: {  	v36 =	vld.idx.msk [tilespmem:v6+s19+$0x0], $0xffff;
	v30 =	vperm.xlane v56, v8;
	[tilespmem:v39+s16+$0x0] =	vst.idx.msk $0xff, v7;
	v56, v48, _ =	vpop (xrf1);
	(xrf1) =	vsort.dscd.msk.f32 $0xffff, v41, v38  }
0x115: {  	[tilespmem:v39+s17+$0x0] =	vst.idx.msk $0xff, v53;
	v39 =	vld.idx.msk [tilespmem:v21+s19+$0x0], $0xffff;
	v21 =	vperm.xlane v42, v8;
	v6, v7, _ =	vpop (xrf1);
	(xrf1) =	vsort.dscd.msk.f32 $0xffff, v44, v51  }
0x116: {  	v50 =	vor.u32 $0x1, v15;
	v30 =	vsel vm0, v55, v30;
	v6 =	vsel vm0, v6, v52;
	v52, v53, _ =	vpop (xrf1);
	(xrf1) =	vsort.dscd.msk.f32 $0xffff, v27, v51  }
0x117: {  	v43 =	vsel vm0, v43, v21;
	v7 =	vsel vm0, v7, v54;
	v27 =	vor.u32 $0x6, v13;
	(xrf1) =	vsort.dscd.msk.f32 $0xffff, v29, v57;
	v29, v55, _ =	vpop (xrf1)  }
0x118: {  	v42 =	vld.idx.msk [tilespmem:v22+s19+$0x0], $0xffff;
	v54 =	vperm.xlane v56, v8;
	v22, v56, _ =	vpop (xrf1);
	v29 =	vsel vm0, v29, v18;
	(xrf1) =	vsort.dscd.msk.f32 $0xffff, v28, v31  }
0x119: {  	v41 =	vsel vm0, v55, v20;
	v18 =	vsel vm0, v22, v34;
	(xrf1) =	vsort.dscd.msk.f32 $0xffff, v25, v60;
	v31, v25, _ =	vpop (xrf1)  }
0x11a: {  	v20 =	vsel vm0, v56, v45;
	v34 =	vperm.xlane v52, v8;
	v28, v22, _ =	vpop (xrf1);
	(xrf1) =	vsort.dscd.msk.f32 $0xffff, v36, v51  }
0x11b: {  	v44 =	vld.idx.msk [tilespmem:v50+s19+$0x0], $0xffff;
	v21 =	vsel vm0, v28, v54;
	v28 =	vperm.xlane v53, v8;
	v50, v45, _ =	vpop (xrf1);
	(xrf1) =	vsort.dscd.msk.f32 $0xffff, v30, v43  }
0x11c: {  	[tilespmem:v27+s16+$0x0] =	vst.idx.msk $0xff, v35;
	v33 =	vperm.xlane v50, v8;
	(xrf1) =	vsort.dscd.msk.f32 $0xffff, v23, v57;
	v37, v38, _ =	vpop (xrf1)  }
0x11d: {  	v23 =	vperm.xlane v26, v8;
	v36 =	vperm.xlane v45, v8;
	[tilespmem:v27+s17+$0x0] =	vst.idx.msk $0xff, v46;
	v26, v30, _ =	vpop (xrf1)  }
0x11e: {  	v52 =	vor.u32 $0x3, v13;
	(xrf1) =	vsort.dscd.msk.f32 $0xffff, v18, v20;
	v26 =	vperm.xlane v26, v8;
	v53 =	vperm.xlane v30, v8;
	v18, v30, _ =	vpop (xrf1)  }
0x11f: {  	v54 =	vsel vm0, v25, v23;
	v23 =	vperm.xlane v18, v8;
	v25 =	vperm.xlane v30, v8;
	v30, v55, _ =	vpop (xrf1)  }
0x120: {  	v37 =	vperm.xlane v37, v8;
	v50 =	vsel vm0, v47, v36;
	(xrf1) =	vsort.dscd.msk.f32 $0xffff, v42, v62;
	v42, v56, _ =	vpop (xrf1)  }
0x121: {  	v16 =	vor.u32 $0x1, v14;
	v18 =	vperm.xlane v24, v8;
	(xrf1) =	vsort.dscd.msk.f32 $0xffff, v39, v60;
	v23 =	vsel vm0, v30, v23;
	v32, v20, _ =	vpop (xrf1)  }
0x122: {  	v27 =	vsel vm0, v56, v53;
	(xrf1) =	vsort.dscd.msk.f32 $0xffff, v19, v62;
	v24 =	vsel vm0, v55, v25;
	v19, v46, _ =	vpop (xrf1)  }
0x123: {  	p0 =	slt.u32 s20, $0x3F8;
	v30 =	vsel vm0, v42, v26;
	v25 =	vperm.xlane v38, v8;
	v39, v26, _ =	vpop (xrf1);
	[tilespmem:v52+s16+$0x0] =	vst.idx.msk $0xff, v19  }
.Ltmp8:
0x124: {  	(xrf1) =	vsort.dscd.msk.f32 $0xffff, v29, v41;
	v29 =	vsel vm0, v31, v40;
	v28 =	vsel vm0, v26, v28;
	v19, v26, _ =	vpop (xrf1);
	(pc) =	sbr.rel @p0 .LBB2_18-.Ltmp8, $4  }
0x125: {  	[tilespmem:v52+s17+$0x0] =	vst.idx.msk $0xff, v46;
	v31 =	vsel vm0, v39, v34;
	v52, v53, _ =	vpop (xrf1);
	(xrf1) =	vsort.dscd.msk.f32 $0xffff, v29, v54  }
0x126: {  	v16 =	vld.idx.msk [tilespmem:v16+s19+$0x0], $0xffff;
	v54 =	vsel vm0, v9, v33;
	v9 =	vsel vm0, v19, v37;
	v29 =	vperm.xlane v48, v8;
	v34, v33, _ =	vpop (xrf1)  }
0x127: {  	v3 =	vor.u32 $0x4, v14;
	v35 =	vperm.xlane v52, v8;
	v36 =	vperm.xlane v53, v8;
	(xrf1) =	vsort.dscd.msk.f32 $0xffff, v54, v50;
	v56, v55, _ =	vpop (xrf1)  }
0x128: {  	v19 =	vor.u32 $0x1, v13;
	(xrf1) =	vsort.dscd.msk.f32 $0xffff, v44, v60;
	v37 =	vperm.xlane v56, v8;
	v38 =	vperm.xlane v55, v8;
	v40, v39, _ =	vpop (xrf1)  }
0x129: {  	v32 =	vsel vm0, v32, v35  }
0x12a: {  	v20 =	vsel vm0, v20, v36;
	_ =	sdelay $0x1  }
0x12b: {  	v55 =	vsel vm0, v40, v37;
	v56 =	vsel vm0, v39, v38;
	(xrf1) =	vsort.dscd.msk.f32 $0xffff, v32, v20  }
0x12c: {  	v20, v32, _ =	vpop (xrf1);
	(xrf1) =	vsort.dscd.msk.f32 $0xffff, v55, v56  }
0x12d: {  	v35, v36, _ =	vpop (xrf1);
	(xrf1) =	vsort.dscd.msk.f32 $0xffff, v30, v27  }
0x12e: {  	v27, v30, _ =	vpop (xrf1);
	(xrf1) =	vsort.dscd.msk.f32 $0xffff, v10, v51  }
0x12f: {  	v10, v57, _ =	vpop (xrf1)  }
0x130: {  	(xrf1) =	vsort.dscd.msk.f32 $0xffff, v16, v51;
	v16, v58, _ =	vpop (xrf1)  }
0x131: {  	v18 =	vsel vm0, v34, v18;
	v17 =	vsel vm0, v33, v17;
	(xrf1) =	vsort.dscd.msk.f32 $0xffff, v31, v28;
	v28, v31, _ =	vpop (xrf1)  }
0x132: {  	(xrf1) =	vsort.dscd.msk.f32 $0xffff, v1, v0;
	v0 =	vsel vm0, v28, v4;
	v4 =	vsel vm0, v22, v29  }
0x133: {  	v2 =	vld.idx.msk [tilespmem:v2+s19+$0x0], $0xffff;
	v1 =	vsel vm0, v31, v5;
	(xrf1) =	vsort.dscd.msk.f32 $0xffff, v18, v17  }
0x134: {  	(xrf1) =	vsort.dscd.msk.f32 $0xffff, v0, v1;
	v0 =	vld.idx.msk [tilespmem:v14+s19+$0x0], $0xffff  }
0x135: {  	v1 =	vld.idx.msk [tilespmem:v15+s19+$0x0], $0xffff;
	(xrf1) =	vsort.dscd.msk.f32 $0xffff, v21, v4;
	v4, v5, _ =	vpop (xrf1)  }
0x136: {  	v3 =	vld.idx.msk [tilespmem:v3+s19+$0x0], $0xffff;
	(xrf1) =	vsort.dscd.msk.f32 $0xffff, v23, v24;
	v14, v15, _ =	vpop (xrf1)  }
0x137: {  	(xrf1) =	vsort.dscd.msk.f32 $0xffff, v6, v7;
	v6, v7, _ =	vpop (xrf1)  }
0x138: {  	(xrf1) =	vsort.dscd.msk.f32 $0xffff, v2, v60;
	v2, v17, _ =	vpop (xrf1)  }
0x139: {  	(xrf1) =	vsort.dscd.msk.f32 $0xffff, v0, v51;
	v0, v18, _ =	vpop (xrf1)  }
0x13a: {  	(xrf1) =	vsort.dscd.msk.f32 $0xffff, v1, v60;
	v1, v21, _ =	vpop (xrf1)  }
0x13b: {  	v23 =	vperm.xlane v58, v8;
	(xrf1) =	vsort.dscd.msk.f32 $0xffff, v3, v51;
	v3, v22, _ =	vpop (xrf1)  }
0x13c: {  	v16 =	vperm.xlane v16, v8;
	v24, v28, _ =	vpop (xrf1)  }
0x13d: {  	v23 =	vsel vm0, v28, v23  }
0x13e: {  	v16 =	vsel vm0, v24, v16  }
0x13f: {  	v29, v31, _ =	vpop (xrf1)  }
0x140: {  	v24, v28, _ =	vpop (xrf1)  }
0x141: {  	v59 =	vperm.xlane v35, v8;
	(xrf1) =	vsort.dscd.msk.f32 $0xffff, v16, v23;
	v16, v23, _ =	vpop (xrf1)  }
0x142: {  	v6 =	vperm.xlane v6, v8;
	v22 =	vperm.xlane v22, v8;
	v60, v61, _ =	vpop (xrf1)  }
0x143: {  	v36 =	vperm.xlane v36, v8;
	v10 =	vsel vm0, v10, v59;
	v7 =	vperm.xlane v7, v8;
	v63, v62, _ =	vpop (xrf1)  }
0x144: {  	v2 =	vperm.xlane v2, v8;
	v3 =	vperm.xlane v3, v8;
	v6 =	vsel vm0, v24, v6;
	v45, v44, _ =	vpop (xrf1)  }
0x145: {  	v36 =	vsel vm0, v57, v36;
	v17 =	vperm.xlane v17, v8;
	v7 =	vsel vm0, v28, v7;
	v46, v41, _ =	vpop (xrf1)  }
0x146: {  	v21 =	vsel vm0, v21, v22;
	v2 =	vsel vm0, v29, v2;
	(xrf1) =	vsort.dscd.msk.f32 $0xffff, v10, v36;
	v22, v24, _ =	vpop (xrf1)  }
0x147: {  	v17 =	vsel vm0, v31, v17;
	v1 =	vsel vm0, v1, v3;
	(xrf1) =	vsort.dscd.msk.f32 $0xffff, v6, v7;
	v10, v28, _ =	vpop (xrf1)  }
0x148: {  	v25 =	vsel vm0, v26, v25;
	(xrf1) =	vsort.dscd.msk.f32 $0xffff, v2, v17;
	v3, v6, _ =	vpop (xrf1)  }
0x149: {  	(xrf1) =	vsort.dscd.msk.f32 $0xffff, v1, v21;
	v10 =	vperm.xlane v10, v8;
	v17 =	vperm.xlane v28, v8;
	v2, v7, _ =	vpop (xrf1)  }
0x14a: {  	v1, v21, _ =	vpop (xrf1);
	(xrf1) =	vsort.dscd.msk.f32 $0xffff, v9, v25  }
0x14b: {  	v1 =	vsel vm0, v1, v10;
	v9 =	vsel vm0, v21, v17  }
0x14c: {  	(xrf1) =	vsort.dscd.msk.f32 $0xffff, v1, v9;
	_ =	sdelay $0x1  }
0x14d: {  	v0 =	vperm.xlane v0, v8;
	v17 =	vor.u32 $0x7, v13;
	v1 =	vperm.xlane v18, v8  }
0x14e: {  	v2 =	vperm.xlane v2, v8;
	v7 =	vperm.xlane v7, v8;
	v9, v10, _ =	vpop (xrf1)  }
0x14f: {  	v0 =	vsel vm0, v9, v0;
	v1 =	vsel vm0, v10, v1;
	v9 =	vor.u32 $0x4, v13  }
0x150: {  	v2 =	vsel vm0, v3, v2;
	v3 =	vsel vm0, v6, v7  }
0x151: {  	(xrf1) =	vsort.dscd.msk.f32 $0xffff, v0, v1  }
0x152: {  	[tilespmem:v17+s16+$0x0] =	vst.idx.msk $0xff, v4  }
0x153: {  	(xrf1) =	vsort.dscd.msk.f32 $0xffff, v2, v3;
	[tilespmem:v17+s17+$0x0] =	vst.idx.msk $0xff, v5;
	v0, v1, _ =	vpop (xrf1)  }
0x154: {  	[tilespmem:v9+s16+$0x0] =	vst.idx.msk $0xff, v14;
	v2, v3, _ =	vpop (xrf1);
	v0 =	vperm.xlane v0, v8;
	v1 =	vperm.xlane v1, v8  }
0x155: {  	v10 =	vperm.xlane v27, v8;
	[tilespmem:v9+s17+$0x0] =	vst.idx.msk $0xff, v15;
	v5, v6, _ =	vpop (xrf1)  }
0x156: {  	v7, v9, _ =	vpop (xrf1);
	v0 =	vsel vm0, v5, v0;
	v5 =	vperm.xlane v30, v8;
	v1 =	vsel vm0, v6, v1  }
0x157: {  	v14 =	vperm.xlane v22, v8;
	(xrf1) =	vsort.dscd.msk.f32 $0xffff, v0, v1;
	v15, v17, _ =	vpop (xrf1)  }
0x158: {  	v6 =	vperm.xlane v24, v8;
	v10 =	vsel vm0, v15, v10;
	v5 =	vsel vm0, v17, v5  }
0x159: {  	[tilespmem:v19+s16+$0x0] =	vst.idx.msk $0xff, v20;
	v4 =	vor.u32 $0x2, v13;
	v15, v17, _ =	vpop (xrf1);
	(xrf1) =	vsort.dscd.msk.f32 $0xffff, v10, v5  }
0x15a: {  	v0 =	vsel vm0, v17, v6;
	v1 =	vsel vm0, v15, v14;
	v6 =	vadd.s32 v49, v12  }
0x15b: {  	[tilespmem:v19+s17+$0x0] =	vst.idx.msk $0xff, v32;
	(xrf1) =	vsort.dscd.msk.f32 $0xffff, v1, v0;
	v5 =	vor.u32 $0x5, v6  }
0x15c: {  	[tilespmem:v13+s16+$0x0] =	vst.idx.msk $0xff, v60;
	v0 =	vperm.xlane v62, v8;
	v1 =	vperm.xlane v63, v8;
	v18 =	vor.u32 $0x6, v6  }
0x15d: {  	[tilespmem:v13+s17+$0x0] =	vst.idx.msk $0xff, v61  }
0x15e: {  	[tilespmem:v4+s16+$0x0] =	vst.idx.msk $0xff, v16;
	v0 =	vsel vm0, v44, v0;
	v1 =	vsel vm0, v45, v1  }
0x15f: {  	[tilespmem:v4+s17+$0x0] =	vst.idx.msk $0xff, v23;
	v14, v15, _ =	vpop (xrf1);
	(xrf1) =	vsort.dscd.msk.f32 $0xffff, v1, v0;
	v0 =	vor.u32 $0x3, v6  }
0x160: {  	v10 =	vperm.xlane v41, v8;
	v12 =	vperm.xlane v46, v8;
	[tilespmem:v5+s16+$0x0] =	vst.idx.msk $0xff, v2  }
0x161: {  	v16, v17, _ =	vpop (xrf1);
	v1 =	vor.u32 $0x1, v6;
	[tilespmem:v18+s16+$0x0] =	vst.idx.msk $0xff, v7  }
0x162: {  	v12 =	vsel vm0, v16, v12;
	v10 =	vsel vm0, v17, v10;
	[tilespmem:v5+s17+$0x0] =	vst.idx.msk $0xff, v3  }
0x163: {  	(xrf1) =	vsort.dscd.msk.f32 $0xffff, v12, v10;
	v2 =	vor.u32 $0x7, v6;
	[tilespmem:v18+s17+$0x0] =	vst.idx.msk $0xff, v9  }
0x164: {  	[tilespmem:v0+s16+$0x0] =	vst.idx.msk $0xff, v14  }
0x165: {  	v3 =	vor.u32 $0x4, v6;
	[tilespmem:v0+s17+$0x0] =	vst.idx.msk $0xff, v15;
	v0, v4, _ =	vpop (xrf1)  }
0x166: {  	[tilespmem:v1+s16+$0x0] =	vst.idx.msk $0xff, v0  }
0x167: {  	[tilespmem:v1+s17+$0x0] =	vst.idx.msk $0xff, v4;
	v0, v5, _ =	vpop (xrf1)  }
0x168: {  	[tilespmem:v2+s16+$0x0] =	vst.idx.msk $0xff, v0  }
0x169: {  	v0, v10, _ =	vpop (xrf1);
	[tilespmem:v2+s17+$0x0] =	vst.idx.msk $0xff, v5  }
0x16a: {  	s20 =	simm.s32 $0x0;
	[tilespmem:v3+s16+$0x0] =	vst.idx.msk $0xff, v0  }
0x16b: {  	v7 =	vmov s20;
	[tilespmem:v3+s17+$0x0] =	vst.idx.msk $0xff, v10  }
0x16c: {  	v9 =	vor.u32 $0x2, v6;
	v7 =	vmul.u32 $0x480, v7;
	v42 =	vld [tilespmem:$0x1FFF0];
	_ =	sdelay $0x1  }
0x16d: {  	v2 =	vbroadcast v7, $0x0  }
0x16e: {  	s24 =	sand.u32 $0x40, s19  }
0x16f: {  	s21 =	sor.u32 $0x30, s24;
	v4 =	vor.u32 s24, v51;
	v10 =	vor.u32 v11, v2;
	v1, v3, _ =	vpop (xrf1)  }
0x170: {  	v13 =	vadd.s32 $0x90, v2;
	v16 =	vadd.s32 $0x120, v2;
	[tilespmem:v9+s16+$0x0] =	vst.idx.msk $0xff, v1;
	v5, v12, _ =	vpop (xrf1);
	v14 =	vor.u32 s21, v42  }
0x171: {  	s25 =	sor.u32 $0x10, s24;
	v27 =	vor.u32 v13, v4;
	[tilespmem:v6+s16+$0x0] =	vst.idx.msk $0xff, v5;
	v0 =	vor.u32 s24, v42;
	v5 =	vor.u32 v14, v10  }
0x172: {  	s19 =	sor.u32 $0x20, s24;
	v1 =	vor.u32 s25, v42;
	v15 =	vadd.s32 v13, v14;
	v26 =	vor.u32 v0, v10;
	[tilespmem:$0x1FDD0] =	vst v5  }
0x173: {  	v7 =	vor.u32 s19, v42;
	v31 =	vor.u32 v1, v10;
	v20 =	vor.u32 v11, v15;
	[tilespmem:v9+s17+$0x0] =	vst.idx.msk $0xff, v3  }
0x174: {  	v3 =	vadd.s32 v13, v1;
	[tilespmem:v6+s17+$0x0] =	vst.idx.msk $0xff, v12;
	v6 =	vor.u32 v7, v13;
	v12 =	vadd.s32 $0x1B0, v2  }
0x175: {  	v9 =	vadd.s32 v16, v14;
	v21 =	vor.u32 v11, v3;
	v3 =	vadd.s32 v12, v14  }
0x176: {  	v13 =	vadd.s32 $0x240, v2;
	v9 =	vor.u32 v11, v9;
	[tilespmem:$0x1FE80] =	vst v21;
	v22 =	vor.u32 v11, v3  }
0x177: {  	v44 =	vor.u32 v11, v6;
	v6 =	vadd.s32 v13, v14;
	v15 =	vld.idx.msk [tilespmem:v5+s16+$0x0], $0xffff;
	[tilespmem:$0x1FDF0] =	vst v22  }
0x178: {  	v45 =	vor.u32 v7, v10;
	v10 =	vor.u32 v1, v16;
	v25 =	vor.u32 v11, v6;
	[tilespmem:$0x1FE70] =	vst v31  }
0x179: {  	v17 =	vadd.s32 $0x2D0, v2;
	v5 =	vor.u32 v11, v10;
	v3 =	vld.idx.msk [tilespmem:v20+s16+$0x0], $0xffff;
	[tilespmem:$0x1FE00] =	vst v25  }
0x17a: {  	v18 =	vadd.s32 v17, v14;
	[tilespmem:$0x1FF20] =	vst v5  }
0x17b: {  	v19 =	vadd.s32 $0x360, v2;
	v28 =	vor.u32 v16, v4;
	v29 =	vor.u32 v11, v18;
	v10 =	vld.idx.msk [tilespmem:v9+s16+$0x0], $0xffff  }
0x17c: {  	v23 =	vadd.s32 $0x3F0, v2;
	v18 =	vadd.s32 v19, v14;
	v6 =	vadd.s32 v16, v7;
	v21 =	vld.idx.msk [tilespmem:v21+s16+$0x0], $0xffff;
	[tilespmem:$0x1FE10] =	vst v29  }
0x17d: {  	v47 =	vor.u32 v11, v18;
	v14 =	vadd.s32 v23, v14;
	v46 =	vor.u32 v11, v6;
	v16 =	vld.idx.msk [tilespmem:v22+s16+$0x0], $0xffff  }
0x17e: {  	v6 =	vadd.s32 v12, v1;
	v24 =	vld.idx.msk [tilespmem:v44+s16+$0x0], $0xffff;
	[tilespmem:$0x1FE20] =	vst v47;
	v22 =	vsub.f32 v15, v15  }
0x17f: {  	v30 =	vor.u32 v11, v6;
	v25 =	vld.idx.msk [tilespmem:v25+s16+$0x0], $0xffff;
	[tilespmem:$0x1FBD0] =	vst v26;
	v2 =	vsub.f32 v3, v15  }
0x180: {  	v3 =	vld.idx.msk [tilespmem:v26+s16+$0x0], $0xffff;
	v26 =	vor.u32 v11, v14;
	[tilespmem:$0x1FF30] =	vst v30;
	v22 =	vmul.f32 $1.442695020e+00, v22  }
0x181: {  	[tilespmem:$0x1FE40] =	vst v26;
	v2 =	vmul.f32 $1.442695020e+00, v2;
	v10 =	vsub.f32 v10, v15  }
0x182: {  	v14 =	vld.idx.msk [tilespmem:v29+s16+$0x0], $0xffff;
	[tilespmem:$0x1FBE0] =	vst v27;
	(erf) = vpow2.f32 v22  }
0x183: {  	v16 =	vsub.f32 v16, v15;
	v10 =	vmul.f32 $1.442695020e+00, v10;
	(erf) = vpow2.f32 v2;
	v2 =	vld.idx.msk [tilespmem:v47+s16+$0x0], $0xffff  }
0x184: {  	v18 =	vadd.s32 v12, v7;
	v29 =	vor.u32 v12, v4  }
0x185: {  	v22 =	vld.idx.msk [tilespmem:v27+s16+$0x0], $0xffff;
	v12 =	vmul.f32 $1.442695020e+00, v16;
	v16 =	vsub.f32 v25, v15;
	(erf) = vpow2.f32 v10  }
0x186: {  	v48 =	vor.u32 v11, v18;
	v6 =	vadd.s32 v0, v13;
	v18 =	vld.idx.msk [tilespmem:v26+s16+$0x0], $0xffff  }
0x187: {  	v16 =	vmul.f32 $1.442695020e+00, v16;
	v14 =	vsub.f32 v14, v15;
	(erf) = vpow2.f32 v12  }
0x188: {  	v61 =	vor.u32 v11, v6;
	v10 =	vadd.s32 v13, v1;
	v2 =	vsub.f32 v2, v15  }
0x189: {  	v6 =	vld.idx.msk [tilespmem:v31+s16+$0x0], $0xffff;
	v13 =	vadd.s32 v13, v7;
	v12 =	vmul.f32 $1.442695020e+00, v14;
	(erf) = vpow2.f32 v16  }
0x18a: {  	v4 =	vld.idx.msk [tilespmem:v45+s16+$0x0], $0xffff;
	v50 =	vor.u32 v11, v13;
	v13 =	vsub.f32 v22, v3  }
0x18b: {  	v22 =	vld.idx.msk [tilespmem:v5+s16+$0x0], $0xffff;
	v15 =	vsub.f32 v18, v15;
	v26 =	vmul.f32 $1.442695020e+00, v2;
	(erf) = vpow2.f32 v12;
	v5 =	vpop (erf)  }
0x18c: {  	v25 =	vsub.f32 v3, v3;
	v49 =	vor.u32 v11, v10;
	v10 =	vadd.s32 v0, v17;
	v2 =	vpop (erf)  }
0x18d: {  	v15 =	vmul.f32 $1.442695020e+00, v15;
	(erf) = vpow2.f32 v26;
	v27 =	vadd.f32 v2, v5  }
0x18e: {  	v25 =	vmul.f32 $1.442695020e+00, v25;
	v40 =	vor.u32 v11, v10;
	v14 =	vadd.s32 v17, v1;
	v57 =	vpop (erf)  }
0x18f: {  	v16 =	vsub.f32 v6, v6;
	v12 =	vld.idx.msk [tilespmem:v46+s16+$0x0], $0xffff;
	[tilespmem:$0x1FBF0] =	vst v28;
	(erf) = vpow2.f32 v15;
	v27 =	vadd.f32 v57, v27  }
0x190: {  	v17 =	vadd.s32 v17, v7;
	v18 =	vsub.f32 v21, v6;
	v21 =	vsub.f32 v24, v4;
	v24 =	vld.idx.msk [tilespmem:v28+s16+$0x0], $0xffff;
	v62 =	vpop (erf)  }
0x191: {  	v13 =	vmul.f32 $1.442695020e+00, v13;
	v41 =	vor.u32 v11, v14;
	v28 =	vld.idx.msk [tilespmem:v48+s16+$0x0], $0xffff;
	v27 =	vadd.f32 v62, v27  }
0x192: {  	v43 =	vor.u32 v11, v17;
	v18 =	vmul.f32 $1.442695020e+00, v18;
	v15 =	vsub.f32 v22, v6;
	v22 =	vld.idx.msk [tilespmem:v30+s16+$0x0], $0xffff;
	[tilespmem:$0x1FC00] =	vst v29;
	v53 =	vpop (erf)  }
0x193: {  	v17 =	vadd.s32 v19, v1;
	v1 =	vadd.s32 v23, v1;
	v31 =	vld.idx.msk [tilespmem:v29+s16+$0x0], $0xffff;
	v14 =	vadd.f32 v53, v27  }
0x194: {  	v21 =	vmul.f32 $1.442695020e+00, v21;
	v26 =	vsub.f32 v4, v4;
	(erf) = vpow2.f32 v18;
	v29 =	vpop (erf)  }
0x195: {  	v16 =	vmul.f32 $1.442695020e+00, v16;
	v30 =	vadd.s32 v0, v19;
	v14 =	vadd.f32 v29, v14  }
0x196: {  	v26 =	vmul.f32 $1.442695020e+00, v26;
	v10 =	vsub.f32 v24, v3;
	(erf) = vpow2.f32 v21;
	v24 =	vpop (erf)  }
0x197: {  	v12 =	vsub.f32 v12, v4;
	v21 =	vld.idx.msk [tilespmem:v61+s16+$0x0], $0xffff;
	[tilespmem:$0x1FC10] =	vst v49;
	(erf) = vpow2.f32 v25;
	v14 =	vadd.f32 v24, v14  }
0x198: {  	v15 =	vmul.f32 $1.442695020e+00, v15;
	v25 =	vld.idx.msk [tilespmem:v49+s16+$0x0], $0xffff;
	v27 =	vsub.f32 v31, v3;
	[tilespmem:$0x1FC20] =	vst v50;
	(erf) = vpow2.f32 v13;
	v13 =	vpop (erf)  }
0x199: {  	v31 =	vor.u32 v11, v30;
	(erf) = vpow2.f32 v16;
	[tilespmem:$0x1FE30] =	vst v13;
	v13 =	vadd.f32 v13, v14  }
0x19a: {  	v12 =	vmul.f32 $1.442695020e+00, v12;
	v18 =	vsub.f32 v22, v6;
	(erf) = vpow2.f32 v26;
	v14 =	vld.idx.msk [tilespmem:v50+s16+$0x0], $0xffff;
	[tilespmem:$0x1FC30] =	vst v40  }
0x19b: {  	v22 =	vsub.f32 v28, v4;
	v28 =	vor.u32 v11, v17;
	(erf) = vrcp.f32 v13;
	v13 =	vld.idx.msk [tilespmem:v40+s16+$0x0], $0xffff;
	[tilespmem:$0x1FC40] =	vst v41  }
0x19c: {  	v19 =	vadd.s32 v19, v7;
	v0 =	vadd.s32 v0, v23;
	(erf) = vpow2.f32 v15;
	v15 =	vld.idx.msk [tilespmem:v41+s16+$0x0], $0xffff;
	[tilespmem:$0x1FC50] =	vst v43  }
0x19d: {  	v7 =	vadd.s32 v23, v7;
	v30 =	vor.u32 v11, v19;
	v26 =	vpop (erf);
	(erf) = vpow2.f32 v12;
	v12 =	vld.idx.msk [tilespmem:v43+s16+$0x0], $0xffff;
	[tilespmem:$0x1FC60] =	vst v31  }
0x19e: {  	v23 =	vor.u32 v11, v0;
	v10 =	vmul.f32 $1.442695020e+00, v10;
	v19 =	vmul.f32 $1.442695020e+00, v22;
	v0 =	vld.idx.msk [tilespmem:v31+s16+$0x0], $0xffff;
	[tilespmem:$0x1FE60] =	vst v26  }
0x19f: {  	v17 =	vmul.f32 $1.442695020e+00, v18;
	v16 =	vsub.f32 v21, v3;
	v18 =	vsub.f32 v25, v6;
	v25 =	vpop (erf);
	[tilespmem:$0x1FC70] =	vst v28  }
0x1a0: {  	v22 =	vor.u32 v11, v1;
	v21 =	vmul.f32 $1.442695020e+00, v27;
	(erf) = vpow2.f32 v10;
	v1 =	vld.idx.msk [tilespmem:v28+s16+$0x0], $0xffff;
	[tilespmem:$0x1FED0] =	vst v25  }
0x1a1: {  	v10 =	vsub.f32 v14, v4;
	v14 =	vmul.f32 $1.442695020e+00, v16;
	(erf) = vpow2.f32 v17;
	[tilespmem:$0x1FC80] =	vst v30  }
0x1a2: {  	v17 =	vor.u32 v11, v7;
	(erf) = vpow2.f32 v19;
	v16 =	vld.idx.msk [tilespmem:v30+s16+$0x0], $0xffff;
	v19 =	vpop (erf);
	v7 =	vsub.f32 v13, v3;
	[tilespmem:$0x1FC90] =	vst v23  }
0x1a3: {  	v13 =	vmul.f32 $1.442695020e+00, v18;
	[tilespmem:$0x1FF40] =	vst v19;
	(erf) = vpow2.f32 v21;
	v18 =	vpop (erf)  }
0x1a4: {  	[tilespmem:$0x1FF50] =	vst v18;
	(erf) = vpow2.f32 v14;
	v27 =	vpop (erf);
	v14 =	vmul.f32 $1.442695020e+00, v7;
	v7 =	vsub.f32 v12, v4  }
0x1a5: {  	v15 =	vsub.f32 v15, v6;
	[tilespmem:$0x1FE50] =	vst v27;
	v21 =	vpop (erf)  }
0x1a6: {  	v10 =	vmul.f32 $1.442695020e+00, v10;
	v12 =	vld.idx.msk [tilespmem:v23+s16+$0x0], $0xffff;
	[tilespmem:$0x1FEC0] =	vst v21  }
0x1a7: {  	(erf) = vpow2.f32 v13;
	v13 =	vmul.f32 $1.442695020e+00, v15;
	[tilespmem:$0x1FCA0] =	vst v22  }
0x1a8: {  	(erf) = vpow2.f32 v10;
	v10 =	vmul.f32 $1.442695020e+00, v7;
	v15 =	vld.idx.msk [tilespmem:v22+s16+$0x0], $0xffff;
	[tilespmem:$0x1FCB0] =	vst v17;
	v7 =	vpop (erf)  }
0x1a9: {  	v0 =	vsub.f32 v0, v3;
	v1 =	vsub.f32 v1, v6;
	v17 =	vld.idx.msk [tilespmem:v17+s16+$0x0], $0xffff;
	v23 =	vpop (erf)  }
0x1aa: {  	(erf) = vpow2.f32 v14;
	v14 =	vsub.f32 v16, v4;
	v16 =	vadd.f32 v25, v21;
	v22 =	vpop (erf)  }
0x1ab: {  	v0 =	vmul.f32 $1.442695020e+00, v0;
	(erf) = vpow2.f32 v13;
	v13 =	vadd.f32 v26, v27;
	v21 =	vpop (erf)  }
0x1ac: {  	v1 =	vmul.f32 $1.442695020e+00, v1;
	(erf) = vpow2.f32 v10;
	v10 =	vadd.f32 v18, v19;
	v32 =	vpop (erf)  }
0x1ad: {  	v3 =	vsub.f32 v12, v3;
	v12 =	vmul.f32 $1.442695020e+00, v14;
	v6 =	vsub.f32 v15, v6;
	v15 =	vpop (erf)  }
0x1ae: {  	(erf) = vpow2.f32 v0;
	v0 =	vadd.f32 v23, v13;
	v4 =	vsub.f32 v17, v4;
	v14 =	vpop (erf)  }
0x1af: {  	s26 =	simm.s32 $0x0;
	(erf) = vpow2.f32 v1;
	v1 =	vmul.f32 $1.442695020e+00, v3;
	v3 =	vadd.f32 v22, v16;
	v13 =	vpop (erf)  }
0x1b0: {  	(erf) = vpow2.f32 v12;
	v6 =	vmul.f32 $1.442695020e+00, v6;
	v12 =	vmov s26;
	v17 =	vpop (erf)  }
0x1b1: {  	[tilespmem:$0x1FE90] =	vst v23;
	v10 =	vadd.f32 v21, v10;
	v16 =	vpop (erf);
	(erf) = vpow2.f32 v1;
	v1 =	vmul.u32 $0x480, v12  }
0x1b2: {  	s19 =	simm.s32 $0x40;
	[tilespmem:$0x1FEE0] =	vst v22;
	v0 =	vadd.f32 v32, v0;
	v4 =	vmul.f32 $1.442695020e+00, v4;
	v3 =	vadd.f32 v15, v3  }
0x1b3: {  	s28 =	sand.u32 $0x40, s19;
	[tilespmem:$0x1FEF0] =	vst v15;
	v10 =	vadd.f32 v14, v10;
	v15 =	vpop (erf);
	(erf) = vpow2.f32 v6;
	v1 =	vbroadcast v1, $0x0  }
0x1b4: {  	s29 =	sor.u32 $0x30, s28;
	[tilespmem:$0x1FF60] =	vst v21;
	v0 =	vadd.f32 v17, v0;
	v6 =	vpop (erf);
	(erf) = vpow2.f32 v4  }
0x1b5: {  	[tilespmem:$0x1FCD0] =	vst v13;
	v4 =	vadd.f32 v13, v10;
	v13 =	vor.u32 s29, v42;
	v12 =	vadd.s32 $0x90, v1  }
0x1b6: {  	[tilespmem:$0x1FEB0] =	vst v6;
	v0 =	vadd.f32 v6, v0;
	v6 =	vadd.s32 v12, v13  }
0x1b7: {  	[tilespmem:$0x1FCC0] =	vst v14  }
0x1b8: {  	[tilespmem:$0x1FEA0] =	vst v17;
	v3 =	vadd.f32 v16, v3;
	v14 =	vpop (erf);
	v10 =	vor.u32 v11, v1  }
0x1b9: {  	[tilespmem:$0x1FF00] =	vst v16;
	v25 =	vor.u32 v13, v10;
	v30 =	vor.u32 v11, v6;
	v6 =	vpop (erf)  }
0x1ba: {  	[tilespmem:$0x1FF10] =	vst v14;
	v3 =	vadd.f32 v14, v3;
	v14 =	vadd.s32 $0x120, v1;
	v34 =	vpop (erf)  }
0x1bb: {  	[tilespmem:$0x1FCE0] =	vst v15;
	v4 =	vadd.f32 v15, v4;
	v18 =	vadd.s32 $0x1B0, v1;
	v15 =	vadd.s32 v14, v13;
	v59 =	vpop (erf)  }
0x1bc: {  	v54 =	vadd.s32 $0x240, v1;
	v26 =	vor.u32 v11, v15;
	v15 =	vadd.s32 v18, v13;
	[tilespmem:$0x1FCF0] =	vst v6;
	v16 =	vpop (erf)  }
0x1bd: {  	v27 =	vor.u32 v11, v15;
	v15 =	vadd.s32 v54, v13;
	v4 =	vadd.f32 v6, v4;
	[tilespmem:$0x1FD00] =	vst v16  }
0x1be: {  	s30 =	sor.u32 $0x10, s28;
	v60 =	vor.u32 v11, v15;
	v0 =	vadd.f32 v34, v0;
	v15 =	vld.idx.msk [tilespmem:v25+s16+$0x0], $0xffff  }
0x1bf: {  	v31 =	vor.u32 s30, v42;
	v3 =	vadd.f32 v59, v3;
	v4 =	vadd.f32 v16, v4;
	v63 =	vpop (erf);
	v17 =	vld.idx.msk [tilespmem:v30+s16+$0x0], $0xffff  }
0x1c0: {  	v50 =	vadd.s32 $0x2D0, v1;
	v16 =	vadd.s32 $0x360, v1;
	v0 =	vadd.f32 v63, v0;
	v49 =	vpop (erf)  }
0x1c1: {  	(erf) = vrcp.f32 v4;
	v3 =	vadd.f32 v49, v3;
	v4 =	vadd.s32 v50, v13  }
0x1c2: {  	(erf) = vrcp.f32 v0;
	v0 =	vld.idx.msk [tilespmem:v26+s16+$0x0], $0xffff;
	v22 =	vor.u32 v11, v4;
	v4 =	vadd.s32 v16, v13  }
0x1c3: {  	v6 =	vadd.s32 $0x3F0, v1;
	(erf) = vrcp.f32 v3;
	v3 =	vld.idx.msk [tilespmem:v27+s16+$0x0], $0xffff;
	v23 =	vor.u32 v11, v4  }
0x1c4: {  	v21 =	vld.idx.msk [tilespmem:v60+s16+$0x0], $0xffff;
	v19 =	vsub.f32 v15, v15;
	v1 =	vsub.f32 v17, v15;
	v17 =	vadd.s32 v12, v31  }
0x1c5: {  	v13 =	vadd.s32 v6, v13;
	v28 =	vor.u32 v11, v17  }
0x1c6: {  	v17 =	vmul.f32 $1.442695020e+00, v19;
	v19 =	vor.u32 v11, v13  }
0x1c7: {  	v47 =	vor.u32 v31, v10;
	v1 =	vmul.f32 $1.442695020e+00, v1;
	v0 =	vsub.f32 v0, v15  }
0x1c8: {  	v13 =	vld.idx.msk [tilespmem:v22+s16+$0x0], $0xffff;
	v3 =	vsub.f32 v3, v15;
	(erf) = vpow2.f32 v17  }
0x1c9: {  	v0 =	vmul.f32 $1.442695020e+00, v0;
	v17 =	vld.idx.msk [tilespmem:v23+s16+$0x0], $0xffff;
	[tilespmem:$0x1FD10] =	vst v28;
	(erf) = vpow2.f32 v1;
	v1 =	vsub.f32 v21, v15  }
0x1ca: {  	s31 =	sor.u32 $0x20, s28;
	v3 =	vmul.f32 $1.442695020e+00, v3;
	v21 =	vld.idx.msk [tilespmem:v28+s16+$0x0], $0xffff  }
0x1cb: {  	v4 =	vor.u32 s31, v42;
	(erf) = vpow2.f32 v0;
	v1 =	vmul.f32 $1.442695020e+00, v1;
	v35 =	vld.idx.msk [tilespmem:v19+s16+$0x0], $0xffff;
	[tilespmem:$0x1FD20] =	vst v47  }
0x1cc: {  	(erf) = vpow2.f32 v3;
	v3 =	vor.u32 v4, v12;
	v28 =	vld.idx.msk [tilespmem:v47+s16+$0x0], $0xffff  }
0x1cd: {  	v52 =	vor.u32 v11, v3;
	(erf) = vpow2.f32 v1;
	v1 =	vsub.f32 v13, v15  }
0x1ce: {  	v0 =	vor.u32 v4, v10;
	v13 =	vsub.f32 v17, v15  }
0x1cf: {  	v37 =	vor.u32 s28, v42;
	v47 =	vpop (erf);
	v1 =	vmul.f32 $1.442695020e+00, v1  }
0x1d0: {  	v58 =	vor.u32 s28, v51;
	v56 =	vor.u32 v37, v10;
	v3 =	vpop (erf);
	v10 =	vmul.f32 $1.442695020e+00, v13  }
0x1d1: {  	v55 =	vor.u32 v12, v58;
	[tilespmem:$0x1FD30] =	vst v52;
	v33 =	vpop (erf);
	(erf) = vpow2.f32 v1;
	v1 =	vsub.f32 v21, v28  }
0x1d2: {  	v12 =	vsub.f32 v35, v15;
	v35 =	vpop (erf);
	v13 =	vld.idx.msk [tilespmem:v52+s16+$0x0], $0xffff;
	[tilespmem:$0x1FD40] =	vst v0;
	(erf) = vpow2.f32 v10;
	v10 =	vor.u32 v31, v14  }
0x1d3: {  	v36 =	vpop (erf);
	v21 =	vld.idx.msk [tilespmem:v0+s16+$0x0], $0xffff;
	v17 =	vmul.f32 $1.442695020e+00, v1  }
0x1d4: {  	v12 =	vmul.f32 $1.442695020e+00, v12;
	[tilespmem:$0x1FD50] =	vst v56;
	v15 =	vadd.f32 v36, v35  }
0x1d5: {  	v41 =	vor.u32 v11, v10;
	v1 =	vld.idx.msk [tilespmem:v56+s16+$0x0], $0xffff;
	v10 =	vpop (erf)  }
0x1d6: {  	[tilespmem:$0x1FD60] =	vst v55;
	(erf) = vpow2.f32 v12;
	v12 =	vadd.f32 v10, v15;
	v15 =	vadd.s32 v14, v4  }
0x1d7: {  	v39 =	vld.idx.msk [tilespmem:v55+s16+$0x0], $0xffff;
	v55 =	vor.u32 v14, v58;
	(erf) = vpow2.f32 v17;
	v17 =	vpop (erf)  }
0x1d8: {  	v58 =	vor.u32 v18, v58;
	v13 =	vsub.f32 v13, v21;
	v12 =	vadd.f32 v17, v12  }
0x1d9: {  	v14 =	vadd.s32 v18, v31;
	v18 =	vadd.s32 v18, v4;
	v51 =	vor.u32 v11, v15;
	v15 =	vpop (erf)  }
0x1da: {  	[tilespmem:$0x1FD70] =	vst v41;
	v0 =	vor.u32 v11, v14;
	v14 =	vsub.f32 v1, v1;
	v12 =	vadd.f32 v15, v12  }
0x1db: {  	v52 =	vor.u32 v11, v18;
	v38 =	vld.idx.msk [tilespmem:v41+s16+$0x0], $0xffff  }
0x1dc: {  	v18 =	vsub.f32 v39, v1;
	v39 =	vmul.f32 $1.442695020e+00, v13;
	v14 =	vmul.f32 $1.442695020e+00, v14;
	v13 =	vpop (erf)  }
0x1dd: {  	v56 =	vsub.f32 v28, v28;
	v40 =	vadd.f32 v13, v12  }
0x1de: {  	v43 =	vsub.f32 v21, v21;
	(erf) = vpow2.f32 v39;
	v18 =	vmul.f32 $1.442695020e+00, v18;
	v39 =	vld.idx.msk [tilespmem:v51+s16+$0x0], $0xffff;
	[tilespmem:$0x1FD80] =	vst v55;
	v12 =	vpop (erf)  }
0x1df: {  	v41 =	vmul.f32 $1.442695020e+00, v56;
	(erf) = vpow2.f32 v14;
	v55 =	vld.idx.msk [tilespmem:v55+s16+$0x0], $0xffff;
	[tilespmem:$0x1FD90] =	vst v0;
	v40 =	vadd.f32 v12, v40  }
0x1e0: {  	(erf) = vpow2.f32 v18;
	v18 =	vsub.f32 v38, v28;
	v38 =	vmul.f32 $1.442695020e+00, v43;
	v43 =	vld.idx.msk [tilespmem:v0+s16+$0x0], $0xffff;
	v14 =	vpop (erf)  }
0x1e1: {  	v56 =	vld.idx.msk [tilespmem:v52+s16+$0x0], $0xffff;
	(erf) = vpow2.f32 v41;
	v40 =	vadd.f32 v14, v40  }
0x1e2: {  	v41 =	vadd.s32 v37, v54;
	(erf) = vpow2.f32 v38;
	v18 =	vmul.f32 $1.442695020e+00, v18  }
0x1e3: {  	v0 =	vor.u32 v11, v41;
	v38 =	vsub.f32 v39, v21;
	(erf) = vrcp.f32 v40  }
0x1e4: {  	v39 =	vadd.s32 v54, v31;
	(erf) = vpow2.f32 v18;
	v18 =	vsub.f32 v55, v1  }
0x1e5: {  	v40 =	vadd.s32 v54, v4;
	v41 =	vsub.f32 v43, v28;
	v38 =	vmul.f32 $1.442695020e+00, v38  }
0x1e6: {  	v54 =	vmovc v61;
	v61 =	vor.u32 v11, v39;
	v39 =	vsub.f32 v56, v21;
	v18 =	vmul.f32 $1.442695020e+00, v18  }
0x1e7: {  	(erf) = vpow2.f32 v38;
	v56 =	vmul.f32 $1.442695020e+00, v41  }
0x1e8: {  	(erf) = vpow2.f32 v18;
	v18 =	vmul.f32 $1.442695020e+00, v39  }
0x1e9: {  	(erf) = vpow2.f32 v56  }
0x1ea: {  	(erf) = vpow2.f32 v18;
	v18 =	vmul.f32 v7, v5;
	v5 =	vld [tilespmem:$0x1FDD0]  }
0x1eb: {  	[tilespmem:$0x1FDA0] =	vst v58  }
0x1ec: {  	v43 =	vld.idx.msk [tilespmem:v58+s16+$0x0], $0xffff;
	_ =	sdelay $0x2  }
0x1ed: {  	[tilespmem:$0x1FDB0] =	vst v0;
	v55 =	vor.u32 v11, v40;
	v38 =	vmul.f32 v7, v2;
	v2 =	vadd.s32 v37, v50  }
0x1ee: {  	v58 =	vld.idx.msk [tilespmem:v0+s16+$0x0], $0xffff;
	v0 =	vor.u32 v11, v2  }
0x1ef: {  	v41 =	vld.idx.msk [tilespmem:v61+s16+$0x0], $0xffff;
	[tilespmem:$0x1FDC0] =	vst v55;
	v56 =	vsub.f32 v43, v1  }
0x1f0: {  	[tilespmem:v5+s16+$0x0] =	vst.idx.msk $0xffff, v18  }
0x1f1: {  	v39 =	vmul.f32 $1.442695020e+00, v56;
	[tilespmem:v20+s16+$0x0] =	vst.idx.msk $0xffff, v38;
	v38 =	vmul.f32 v7, v57  }
0x1f2: {  	v43 =	vld.idx.msk [tilespmem:v55+s16+$0x0], $0xffff;
	[tilespmem:$0x1FDE0] =	vst v0  }
0x1f3: {  	v56 =	vpop (erf);
	(erf) = vpow2.f32 v39;
	v39 =	vld.idx.msk [tilespmem:v0+s16+$0x0], $0xffff;
	[tilespmem:v9+s16+$0x0] =	vst.idx.msk $0xffff, v38  }
0x1f4: {  	v0 =	vld [tilespmem:$0x1FDF0];
	_ =	sdelay $0x1  }
0x1f5: {  	v40 =	vsub.f32 v58, v1;
	_ =	sdelay $0x1  }
0x1f6: {  	v2 =	vadd.s32 v50, v31;
	v50 =	vadd.s32 v50, v4;
	v40 =	vmul.f32 $1.442695020e+00, v40  }
0x1f7: {  	v58 =	vor.u32 v11, v50;
	v18 =	vsub.f32 v41, v28;
	v20 =	vsub.f32 v43, v21  }
0x1f8: {  	v50 =	vadd.s32 v37, v16;
	v55 =	vpop (erf);
	(erf) = vpow2.f32 v40;
	v57 =	vmul.f32 v7, v62  }
0x1f9: {  	v5 =	vadd.s32 v16, v31;
	v16 =	vadd.s32 v16, v4;
	v18 =	vmul.f32 $1.442695020e+00, v18  }
0x1fa: {  	v31 =	vadd.s32 v6, v31;
	v62 =	vor.u32 v11, v16;
	v16 =	vmul.f32 $1.442695020e+00, v20;
	[tilespmem:v0+s16+$0x0] =	vst.idx.msk $0xffff, v57  }
0x1fb: {  	v20 =	vpop (erf);
	(erf) = vpow2.f32 v18;
	v18 =	vadd.s32 v37, v6;
	v0 =	vadd.s32 v6, v4;
	v6 =	vld [tilespmem:$0x1FE00];
	_ =	sdelay $0x5  }
0x1fc: {  	v9 =	vpop (erf);
	(erf) = vpow2.f32 v16;
	v16 =	vmul.f32 v7, v53;
	_ =	sdelay $0x1  }
0x1fd: {  	[tilespmem:v6+s16+$0x0] =	vst.idx.msk $0xffff, v16  }
0x1fe: {  	v6 =	vld [tilespmem:$0x1FE10];
	_ =	sdelay $0x5  }
0x1ff: {  	v29 =	vmul.f32 v7, v29;
	_ =	sdelay $0x1  }
0x200: {  	[tilespmem:v6+s16+$0x0] =	vst.idx.msk $0xffff, v29  }
0x201: {  	v6 =	vld [tilespmem:$0x1FE20];
	_ =	sdelay $0x2  }
0x202: {  	v2 =	vor.u32 v11, v2;
	_ =	sdelay $0x2  }
0x203: {  	v57 =	vsub.f32 v39, v1;
	v39 =	vmul.f32 v7, v24;
	_ =	sdelay $0x1  }
0x204: {  	v50 =	vor.u32 v11, v50;
	v40 =	vld.idx.msk [tilespmem:v2+s16+$0x0], $0xffff;
	[tilespmem:v6+s16+$0x0] =	vst.idx.msk $0xffff, v39  }
0x205: {  	v6 =	vld [tilespmem:$0x1FE30];
	_ =	sdelay $0x2  }
0x206: {  	v43 =	vld.idx.msk [tilespmem:v58+s16+$0x0], $0xffff  }
0x207: {  	v37 =	vld.idx.msk [tilespmem:v50+s16+$0x0], $0xffff  }
0x208: {  	v53 =	vor.u32 v11, v18;
	v18 =	vsub.f32 v40, v28;
	v7 =	vmul.f32 v7, v6;
	v6 =	vld [tilespmem:$0x1FE40]  }
0x209: {  	v24 =	vmul.f32 $1.442695020e+00, v57  }
0x20a: {  	v18 =	vmul.f32 $1.442695020e+00, v18  }
0x20b: {  	v5 =	vor.u32 v11, v5;
	v4 =	vor.u32 v11, v31;
	v31 =	vsub.f32 v43, v21  }
0x20c: {  	v43 =	vld.idx.msk [tilespmem:v62+s16+$0x0], $0xffff;
	v57 =	vpop (erf)  }
0x20d: {  	(erf) = vpow2.f32 v24;
	v24 =	vpop (erf);
	v16 =	vsub.f32 v37, v1;
	v29 =	vmul.f32 $1.442695020e+00, v31  }
0x20e: {  	(erf) = vpow2.f32 v18;
	v18 =	vpop (erf)  }
0x20f: {  	v35 =	vmul.f32 v18, v35;
	v16 =	vmul.f32 $1.442695020e+00, v16  }
0x210: {  	v40 =	vld.idx.msk [tilespmem:v5+s16+$0x0], $0xffff;
	(erf) = vpow2.f32 v29;
	[tilespmem:v6+s16+$0x0] =	vst.idx.msk $0xffff, v7;
	v7 =	vmul.f32 v18, v36  }
0x211: {  	v29 =	vpop (erf);
	(erf) = vpow2.f32 v16;
	v16 =	vsub.f32 v43, v21;
	v43 =	vmul.f32 v18, v10;
	[tilespmem:v25+s16+$0x0] =	vst.idx.msk $0xffff, v35  }
0x212: {  	v0 =	vor.u32 v11, v0;
	[tilespmem:v30+s16+$0x0] =	vst.idx.msk $0xffff, v7;
	v7 =	vmul.f32 v18, v17  }
0x213: {  	v15 =	vmul.f32 v18, v15;
	[tilespmem:v26+s16+$0x0] =	vst.idx.msk $0xffff, v43  }
0x214: {  	v17 =	vmul.f32 v18, v13;
	[tilespmem:v27+s16+$0x0] =	vst.idx.msk $0xffff, v7  }
0x215: {  	v12 =	vmul.f32 v18, v12;
	v31 =	vsub.f32 v40, v28;
	v40 =	vld.idx.msk [tilespmem:v4+s16+$0x0], $0xffff;
	[tilespmem:v60+s16+$0x0] =	vst.idx.msk $0xffff, v15  }
0x216: {  	v14 =	vmul.f32 v18, v14;
	[tilespmem:v22+s16+$0x0] =	vst.idx.msk $0xffff, v17  }
0x217: {  	v41 =	vld.idx.msk [tilespmem:v0+s16+$0x0], $0xffff;
	v31 =	vmul.f32 $1.442695020e+00, v31;
	[tilespmem:v23+s16+$0x0] =	vst.idx.msk $0xffff, v12  }
0x218: {  	v16 =	vmul.f32 $1.442695020e+00, v16;
	[tilespmem:v19+s16+$0x0] =	vst.idx.msk $0xffff, v14  }
0x219: {  	v10 =	vpop (erf);
	(erf) = vpow2.f32 v31;
	v6 =	vld [tilespmem:$0x1FE50]  }
0x21a: {  	v25 =	vpop (erf);
	(erf) = vpow2.f32 v16;
	v16 =	vsub.f32 v40, v28;
	_ =	sdelay $0x1  }
0x21b: {  	v7 =	vsub.f32 v41, v21;
	v15 =	vmul.f32 $1.442695020e+00, v16;
	v16 =	vadd.f32 v56, v57;
	_ =	sdelay $0x1  }
0x21c: {  	v12 =	vadd.f32 v29, v16;
	v16 =	vmul.f32 $1.442695020e+00, v7;
	v7 =	vmul.f32 v3, v6;
	v6 =	vld [tilespmem:$0x1FE60];
	_ =	sdelay $0x4  }
0x21d: {  	v18 =	vmul.f32 v3, v6;
	v6 =	vld [tilespmem:$0x1FE70];
	_ =	sdelay $0x7  }
0x21e: {  	v37 =	vld.idx.msk [tilespmem:v53+s16+$0x0], $0xffff;
	[tilespmem:v6+s16+$0x0] =	vst.idx.msk $0xffff, v7  }
0x21f: {  	v6 =	vld [tilespmem:$0x1FE80];
	_ =	sdelay $0x4  }
0x220: {  	v1 =	vsub.f32 v37, v1;
	_ =	sdelay $0x1  }
0x221: {  	v1 =	vmul.f32 $1.442695020e+00, v1  }
0x222: {  	[tilespmem:v6+s16+$0x0] =	vst.idx.msk $0xffff, v18  }
0x223: {  	v13 =	vpop (erf);
	v6 =	vld [tilespmem:$0x1FE90]  }
0x224: {  	v26 =	vpop (erf);
	v17 =	vadd.f32 v55, v24  }
0x225: {  	(erf) = vpow2.f32 v1;
	v1 =	vpop (erf)  }
0x226: {  	v27 =	vpop (erf);
	v14 =	vadd.f32 v10, v17;
	v17 =	vadd.f32 v13, v12  }
0x227: {  	v31 =	vpop (erf);
	(erf) = vpow2.f32 v15  }
0x228: {  	(erf) = vpow2.f32 v16;
	v16 =	vadd.f32 v31, v17;
	v17 =	vmul.f32 v3, v6;
	v6 =	vld [tilespmem:$0x1FEA0];
	_ =	sdelay $0x4  }
0x229: {  	v43 =	vmul.f32 v3, v6;
	v6 =	vld [tilespmem:$0x1FEB0]  }
0x22a: {  	v12 =	vpop (erf)  }
0x22b: {  	v7 =	vpop (erf)  }
0x22c: {  	v28 =	vpop (erf)  }
0x22d: {  	v38 =	vmul.f32 v3, v63;
	v22 =	vmul.f32 v3, v32;
	v32 =	vpop (erf)  }
0x22e: {  	v39 =	vmul.f32 v3, v34;
	v30 =	vpop (erf);
	v41 =	vmul.f32 v3, v6;
	v3 =	vadd.f32 v28, v16  }
0x22f: {  	v60 =	vpop (erf)  }
0x230: {  	v16 =	vadd.f32 v60, v3;
	v3 =	vld [tilespmem:$0x1FED0];
	_ =	sdelay $0x3  }
0x231: {  	v6 =	vld [tilespmem:$0x1FEC0]  }
0x232: {  	v21 =	vadd.f32 v9, v20;
	v18 =	vmul.f32 v33, v3;
	v3 =	vld [tilespmem:$0x1FEE0];
	_ =	sdelay $0x3  }
0x233: {  	v15 =	vadd.f32 v25, v21;
	v21 =	vpop (erf)  }
0x234: {  	v19 =	vld [tilespmem:$0x1FEF0];
	v40 =	vmul.f32 v33, v6;
	v6 =	vmul.f32 v33, v3;
	v3 =	vpop (erf)  }
0x235: {  	v15 =	vadd.f32 v1, v15;
	v63 =	vpop (erf)  }
0x236: {  	v23 =	vadd.f32 v63, v16;
	v16 =	vld [tilespmem:$0x1FF20]  }
0x237: {  	v15 =	vadd.f32 v27, v15;
	_ =	sdelay $0x1  }
0x238: {  	v15 =	vadd.f32 v7, v15;
	v37 =	vmul.f32 v33, v19;
	v19 =	vld [tilespmem:$0x1FF00];
	_ =	sdelay $0x1  }
0x239: {  	v15 =	vadd.f32 v30, v15;
	_ =	sdelay $0x1  }
0x23a: {  	v15 =	vadd.f32 v3, v15  }
0x23b: {  	v36 =	vmul.f32 v33, v19;
	v19 =	vld [tilespmem:$0x1FF10];
	[tilespmem:v16+s16+$0x0] =	vst.idx.msk $0xffff, v17  }
0x23c: {  	(erf) = vrcp.f32 v15;
	v15 =	vld [tilespmem:$0x1FF30]  }
0x23d: {  	v14 =	vadd.f32 v26, v14;
	_ =	sdelay $0x1  }
0x23e: {  	v14 =	vadd.f32 v12, v14;
	_ =	sdelay $0x1  }
0x23f: {  	v14 =	vadd.f32 v32, v14;
	_ =	sdelay $0x1  }
0x240: {  	v14 =	vadd.f32 v21, v14  }
0x241: {  	v35 =	vmul.f32 v33, v59;
	v59 =	vpop (erf);
	[tilespmem:v15+s16+$0x0] =	vst.idx.msk $0xffff, v22  }
0x242: {  	v17 =	vadd.f32 v59, v14;
	v14 =	vld [tilespmem:$0x1FF50];
	_ =	sdelay $0x3  }
0x243: {  	v19 =	vmul.f32 v33, v19;
	v15 =	vld [tilespmem:$0x1FF40]  }
0x244: {  	v16 =	vmul.f32 v33, v49;
	v33 =	vmul.f32 v47, v14;
	v14 =	vld [tilespmem:$0x1FF60];
	_ =	sdelay $0x3  }
0x245: {  	(erf) = vrcp.f32 v23  }
0x246: {  	s20 =	simm.s32 $0x4;
	v15 =	vmul.f32 v47, v15;
	v14 =	vmul.f32 v47, v14  }
.LBB2_20:
0x247: {  	(erf) = vrcp.f32 v17;
	v17 =	vld [tilespmem:$0x1FCC0];
	_ =	sdelay $0x3  }
0x248: {  	v22 =	vmov v20  }
0x249: {  	v34 =	vmul.f32 v47, v17;
	v17 =	vld [tilespmem:$0x1FC10];
	_ =	sdelay $0x1  }
0x24a: {  	[tilespmem:$0x1FB70] =	vst v22;
	v22 =	vmov v9;
	v9 =	vmov v25  }
0x24b: {  	[tilespmem:$0x1FBB0] =	vst v9;
	v9 =	vld [tilespmem:$0x1FCD0];
	_ =	sdelay $0x4  }
0x24c: {  	[tilespmem:v17+s16+$0x0] =	vst.idx.msk $0xffff, v43;
	v17 =	vmov v29;
	v29 =	vmul.f32 v47, v9;
	v9 =	vld [tilespmem:$0x1FCE0];
	_ =	sdelay $0x4  }
0x24d: {  	v20 =	vmov v24;
	v10 =	vmov v10;
	v24 =	vmul.f32 v47, v9;
	v9 =	vld [tilespmem:$0x1FC40]  }
0x24e: {  	[tilespmem:$0x1FB10] =	vst v10;
	v10 =	vld [tilespmem:$0x1FC70];
	_ =	sdelay $0x6  }
0x24f: {  	[tilespmem:v9+s16+$0x0] =	vst.idx.msk $0xffff, v41  }
0x250: {  	s20 =	sadd.s32 $0x4, s20;
	[tilespmem:v10+s16+$0x0] =	vst.idx.msk $0xffff, v39;
	v10 =	vmov v5;
	v5 =	vmov v4  }
0x251: {  	s21 =	sshrl.u32 s20, $0x3;
	[tilespmem:$0x1FAB0] =	vst v17;
	v9 =	vmov v2  }
0x252: {  	[tilespmem:$0x1FC40] =	vst v9;
	v9 =	vmov s21  }
0x253: {  	v17 =	vmul.u32 $0x480, v9;
	v9 =	vld [tilespmem:$0x1FCA0];
	[tilespmem:$0x1FCA0] =	vst v5;
	v5 =	vmov v26;
	_ =	sdelay $0x2  }
0x254: {  	[tilespmem:$0x1FB20] =	vst v5;
	v5 =	vmov v1;
	v1 =	vld [tilespmem:$0x1FD40];
	_ =	sdelay $0x4  }
0x255: {  	[tilespmem:$0x1FAF0] =	vst v20;
	v25 =	vmov v1;
	v1 =	vmov v7  }
0x256: {  	[tilespmem:$0x1FCE0] =	vst v1;
	v1 =	vld [tilespmem:$0x1FD30]  }
0x257: {  	[tilespmem:v45+s16+$0x0] =	vst.idx.msk $0xffff, v40  }
0x258: {  	[tilespmem:v44+s16+$0x0] =	vst.idx.msk $0xffff, v18;
	v2 =	vld [tilespmem:$0x1FCF0]  }
0x259: {  	[tilespmem:v46+s16+$0x0] =	vst.idx.msk $0xffff, v6;
	v6 =	vmov v51  }
0x25a: {  	s19 =	sadd.s32 $0x40, s19;
	[tilespmem:$0x1FA90] =	vst v6  }
0x25b: {  	s31 =	sand.u32 $0x40, s19;
	v43 =	vmovc v13;
	v13 =	vmov v12;
	[tilespmem:$0x1FCC0] =	vst v5;
	v7 =	vbroadcast v17, $0x0;
	v12 =	vmov v1  }
0x25c: {  	s21 =	sor.u32 $0x30, s31;
	v1 =	vmov v3;
	[tilespmem:$0x1FB80] =	vst v12  }
0x25d: {  	v20 =	vmul.f32 v47, v2;
	v2 =	vld [tilespmem:$0x1FD00];
	v5 =	vmovc v21;
	[tilespmem:$0x1FD00] =	vst v1;
	v1 =	vadd.s32 $0x90, v7;
	v12 =	vor.u32 s21, v42  }
0x25e: {  	v6 =	vld [tilespmem:$0x1FC20];
	[tilespmem:$0x1FB60] =	vst v5;
	v5 =	vadd.s32 v1, v12  }
0x25f: {  	v26 =	vor.u32 v11, v5;
	v5 =	vld [tilespmem:$0x1FC50];
	_ =	sdelay $0x3  }
0x260: {  	[tilespmem:v48+s16+$0x0] =	vst.idx.msk $0xffff, v37  }
0x261: {  	[tilespmem:v9+s16+$0x0] =	vst.idx.msk $0xffff, v38;
	v9 =	vmov v28  }
0x262: {  	s22 =	sor.u32 $0x10, s31;
	[tilespmem:$0x1FAE0] =	vst v9;
	v9 =	vlaneseq.u32  }
0x263: {  	[tilespmem:v6+s16+$0x0] =	vst.idx.msk $0xffff, v36;
	v18 =	vor.u32 s31, v9;
	v9 =	vor.u32 s22, v42  }
0x264: {  	[tilespmem:v5+s16+$0x0] =	vst.idx.msk $0xffff, v19;
	v5 =	vadd.s32 v1, v9  }
0x265: {  	[tilespmem:$0x1FC70] =	vst v10;
	v10 =	vmov v30;
	v30 =	vor.u32 v11, v5;
	v5 =	vld [tilespmem:$0x1FC80];
	_ =	sdelay $0x2  }
0x266: {  	[tilespmem:$0x1FB90] =	vst v22;
	v19 =	vmov v52  }
0x267: {  	v4 =	vmov v32;
	[tilespmem:$0x1FA80] =	vst v19;
	v19 =	vld [tilespmem:$0x1FDC0]  }
0x268: {  	[tilespmem:$0x1FB50] =	vst v4  }
0x269: {  	s23 =	sor.u32 $0x20, s31;
	[tilespmem:$0x1FCF0] =	vst v10  }
0x26a: {  	v23 =	vmovc v61;
	v4 =	vor.u32 s31, v42;
	v10 =	vor.u32 s23, v42;
	[tilespmem:$0x1FBA0] =	vst v25;
	v3 =	vor.u32 v11, v7  }
0x26b: {  	v32 =	vadd.s32 $0x240, v7;
	v48 =	vor.u32 v10, v3;
	v25 =	vor.u32 v12, v3;
	[tilespmem:v5+s16+$0x0] =	vst.idx.msk $0xffff, v35  }
0x26c: {  	v35 =	vor.u32 v4, v3;
	v5 =	vmovc v19;
	v19 =	vor.u32 v9, v3;
	v3 =	vadd.s32 v32, v12  }
0x26d: {  	v22 =	vmov v31;
	[tilespmem:$0x1FB30] =	vst v13;
	v13 =	vadd.s32 $0x120, v7;
	v28 =	vor.u32 v11, v3;
	v3 =	vld [tilespmem:$0x1FCB0]  }
0x26e: {  	[tilespmem:$0x1FAD0] =	vst v22;
	v22 =	vadd.s32 v13, v12  }
0x26f: {  	[tilespmem:$0x1FC10] =	vst v23;
	v23 =	vmov v27;
	v27 =	vor.u32 v11, v22;
	_ =	sdelay $0x1  }
0x270: {  	v31 =	vadd.s32 $0x1B0, v7  }
0x271: {  	[tilespmem:$0x1FCD0] =	vst v23;
	v6 =	vor.u32 v10, v1;
	v22 =	vadd.s32 v31, v12  }
0x272: {  	v38 =	vld.idx.msk [tilespmem:v25+s16+$0x0], $0xffff;
	[tilespmem:$0x1FC20] =	vst v5;
	v5 =	vor.u32 v1, v18;
	v1 =	vor.u32 v11, v22  }
0x273: {  	v39 =	vadd.s32 $0x2D0, v7;
	v37 =	vadd.s32 $0x360, v7;
	v36 =	vld.idx.msk [tilespmem:v27+s16+$0x0], $0xffff;
	[tilespmem:$0x1FB40] =	vst v30  }
0x274: {  	v46 =	vor.u32 v11, v6;
	v23 =	vld.idx.msk [tilespmem:v26+s16+$0x0], $0xffff;
	[tilespmem:v3+s16+$0x0] =	vst.idx.msk $0xffff, v16;
	v16 =	vadd.s32 v39, v12  }
0x275: {  	v40 =	vld.idx.msk [tilespmem:v30+s16+$0x0], $0xffff;
	v30 =	vor.u32 v11, v16;
	v16 =	vadd.s32 $0x3F0, v7;
	v7 =	vmovc v0;
	v0 =	vadd.s32 v31, v10  }
0x276: {  	[tilespmem:$0x1FB00] =	vst v55;
	v49 =	vadd.s32 v31, v9;
	v52 =	vor.u32 v11, v0;
	v0 =	vor.u32 v31, v18;
	v31 =	vld [tilespmem:$0x1FBD0]  }
0x277: {  	[tilespmem:$0x1FAC0] =	vst v43;
	v43 =	vld.idx.msk [tilespmem:v1+s16+$0x0], $0xffff  }
0x278: {  	[tilespmem:$0x1FAA0] =	vst v56;
	v36 =	vsub.f32 v36, v38;
	v56 =	vld.idx.msk [tilespmem:v28+s16+$0x0], $0xffff  }
0x279: {  	v2 =	vmul.f32 v47, v2;
	[tilespmem:$0x1FD30] =	vst v46;
	v6 =	vmovc v58;
	v45 =	vsub.f32 v38, v38;
	v3 =	vmov v62  }
0x27a: {  	v55 =	vmul.f32 $1.442695020e+00, v36;
	[tilespmem:$0x1FC80] =	vst v3;
	v3 =	vadd.s32 v37, v12;
	v58 =	vld.idx.msk [tilespmem:v46+s16+$0x0], $0xffff;
	v46 =	vsub.f32 v23, v38  }
0x27b: {  	v47 =	vpop (erf);
	v44 =	vld.idx.msk [tilespmem:v5+s16+$0x0], $0xffff;
	v23 =	vor.u32 v11, v49;
	v49 =	vmul.f32 $1.442695020e+00, v45;
	v3 =	vor.u32 v11, v3  }
0x27c: {  	v21 =	vpop (erf);
	v22 =	vor.u32 v9, v13;
	v45 =	vld [tilespmem:$0x1FBE0];
	v43 =	vsub.f32 v43, v38;
	v61 =	vmul.f32 $1.442695020e+00, v46  }
0x27d: {  	v17 =	vpop (erf);
	[tilespmem:$0x1FCB0] =	vst v7;
	v7 =	vadd.s32 v16, v12;
	v12 =	vld.idx.msk [tilespmem:v35+s16+$0x0], $0xffff;
	(erf) = vpow2.f32 v49;
	v49 =	vsub.f32 v56, v38  }
0x27e: {  	v43 =	vmul.f32 $1.442695020e+00, v43;
	(erf) = vpow2.f32 v61;
	v62 =	vld.idx.msk [tilespmem:v30+s16+$0x0], $0xffff;
	[tilespmem:v31+s16+$0x0] =	vst.idx.msk $0xffff, v15;
	v15 =	vadd.s32 v32, v9  }
0x27f: {  	(erf) = vpow2.f32 v55;
	v61 =	vor.u32 v11, v15;
	v15 =	vmul.f32 $1.442695020e+00, v49;
	v49 =	vld [tilespmem:$0x1FBF0]  }
0x280: {  	[tilespmem:$0x1FC50] =	vst v6;
	v6 =	vor.u32 v11, v22;
	v41 =	vld.idx.msk [tilespmem:v3+s16+$0x0], $0xffff;
	(erf) = vpow2.f32 v43  }
0x281: {  	(erf) = vpow2.f32 v15;
	v15 =	vld [tilespmem:$0x1FC00]  }
0x282: {  	v22 =	vadd.s32 v13, v10;
	v13 =	vor.u32 v13, v18;
	v18 =	vadd.s32 v4, v32  }
0x283: {  	[tilespmem:$0x1FD40] =	vst v48;
	v36 =	vor.u32 v11, v18;
	v18 =	vadd.s32 v32, v10;
	v32 =	vld.idx.msk [tilespmem:v48+s16+$0x0], $0xffff  }
0x284: {  	[tilespmem:v45+s16+$0x0] =	vst.idx.msk $0xffff, v33;
	v45 =	vsub.f32 v62, v38  }
0x285: {  	[tilespmem:$0x1FBC0] =	vst v6;
	v48 =	vor.u32 v11, v18;
	v18 =	vld.idx.msk [tilespmem:v6+s16+$0x0], $0xffff;
	v6 =	vsub.f32 v41, v38  }
0x286: {  	v45 =	vmul.f32 $1.442695020e+00, v45  }
0x287: {  	v51 =	vor.u32 v11, v22;
	v22 =	vmov v53;
	v53 =	vmul.f32 $1.442695020e+00, v6;
	[tilespmem:v49+s16+$0x0] =	vst.idx.msk $0xffff, v14  }
0x288: {  	v56 =	vmov v50;
	v58 =	vsub.f32 v58, v32;
	v14 =	vpop (erf);
	(erf) = vpow2.f32 v45;
	v50 =	vld.idx.msk [tilespmem:v13+s16+$0x0], $0xffff  }
0x289: {  	v7 =	vor.u32 v11, v7;
	[tilespmem:v15+s16+$0x0] =	vst.idx.msk $0xffff, v34;
	v15 =	vpop (erf);
	(erf) = vpow2.f32 v53;
	v53 =	vld [tilespmem:$0x1FC30]  }
0x28a: {  	v6 =	vmov v57;
	v57 =	vmul.f32 $1.442695020e+00, v58;
	v58 =	vld [tilespmem:$0x1FC60];
	_ =	sdelay $0x3  }
0x28b: {  	v46 =	vld.idx.msk [tilespmem:v7+s16+$0x0], $0xffff  }
0x28c: {  	v31 =	vld.idx.msk [tilespmem:v19+s16+$0x0], $0xffff;
	[tilespmem:v54+s16+$0x0] =	vst.idx.msk $0xffff, v29  }
0x28d: {  	v44 =	vsub.f32 v44, v12;
	v29 =	vld.idx.msk [tilespmem:v0+s16+$0x0], $0xffff  }
0x28e: {  	v54 =	vld.idx.msk [tilespmem:v36+s16+$0x0], $0xffff;
	[tilespmem:v53+s16+$0x0] =	vst.idx.msk $0xffff, v24  }
0x28f: {  	v33 =	vsub.f32 v12, v12;
	[tilespmem:v58+s16+$0x0] =	vst.idx.msk $0xffff, v20;
	v20 =	vmul.f32 $1.442695020e+00, v44;
	v44 =	vld.idx.msk [tilespmem:v48+s16+$0x0], $0xffff  }
0x290: {  	[tilespmem:$0x1FDC0] =	vst v48;
	v48 =	vld [tilespmem:$0x1FC90]  }
0x291: {  	v38 =	vsub.f32 v46, v38;
	v34 =	vsub.f32 v31, v31  }
0x292: {  	v62 =	vld.idx.msk [tilespmem:v51+s16+$0x0], $0xffff;
	v55 =	vadd.f32 v15, v14  }
0x293: {  	v38 =	vmul.f32 $1.442695020e+00, v38;
	v24 =	vmul.f32 $1.442695020e+00, v33;
	v33 =	vpop (erf);
	v58 =	vld [tilespmem:$0x1FD50]  }
0x294: {  	v45 =	vsub.f32 v32, v32;
	v55 =	vadd.f32 v33, v55  }
0x295: {  	v41 =	vld.idx.msk [tilespmem:v23+s16+$0x0], $0xffff;
	v42 =	vsub.f32 v40, v31;
	(erf) = vpow2.f32 v38;
	v38 =	vmul.f32 $1.442695020e+00, v34;
	v34 =	vpop (erf)  }
0x296: {  	v55 =	vadd.f32 v34, v55  }
0x297: {  	v18 =	vsub.f32 v18, v31;
	v62 =	vsub.f32 v62, v32;
	v46 =	vmul.f32 $1.442695020e+00, v42  }
0x298: {  	v49 =	vadd.s32 v39, v9;
	v42 =	vmul.f32 $1.442695020e+00, v45;
	v45 =	vpop (erf);
	[tilespmem:v48+s16+$0x0] =	vst.idx.msk $0xffff, v2;
	v2 =	vmov v58  }
0x299: {  	(erf) = vpow2.f32 v46;
	[tilespmem:$0x1FBD0] =	vst v2;
	v2 =	vor.u32 v11, v49;
	v49 =	vadd.f32 v45, v55  }
0x29a: {  	v55 =	vmov v35;
	v35 =	vsub.f32 v41, v31;
	v41 =	vpop (erf);
	(erf) = vpow2.f32 v57  }
0x29b: {  	v43 =	vadd.s32 v4, v39;
	v46 =	vmul.f32 $1.442695020e+00, v62;
	v62 =	vld [tilespmem:$0x1FD60];
	(erf) = vpow2.f32 v24  }
0x29c: {  	v43 =	vor.u32 v11, v43;
	v18 =	vmul.f32 $1.442695020e+00, v18;
	v57 =	vpop (erf);
	(erf) = vpow2.f32 v20;
	v20 =	vld [tilespmem:$0x1FD80]  }
0x29d: {  	v40 =	vld.idx.msk [tilespmem:v52+s16+$0x0], $0xffff;
	v39 =	vadd.s32 v39, v10;
	v50 =	vsub.f32 v50, v12;
	v49 =	vadd.f32 v41, v49  }
0x29e: {  	v48 =	vadd.s32 v4, v37;
	v58 =	vor.u32 v11, v39;
	v39 =	vadd.s32 v37, v9  }
0x29f: {  	v37 =	vadd.s32 v37, v10;
	v4 =	vadd.s32 v4, v16;
	v49 =	vadd.f32 v57, v49  }
0x2a0: {  	v9 =	vadd.s32 v16, v9;
	v10 =	vadd.s32 v16, v10;
	v16 =	vld [tilespmem:$0x1FDB0];
	(erf) = vpow2.f32 v38;
	v38 =	vpop (erf)  }
0x2a1: {  	v53 =	vld.idx.msk [tilespmem:v61+s16+$0x0], $0xffff;
	[tilespmem:$0x1FD50] =	vst v55;
	v55 =	vmovc v62;
	v62 =	vmov v5;
	v5 =	vmov v20;
	v20 =	vadd.f32 v38, v49  }
0x2a2: {  	v40 =	vsub.f32 v40, v32;
	v50 =	vmul.f32 $1.442695020e+00, v50;
	[tilespmem:$0x1FBE0] =	vst v55;
	v55 =	vld.idx.msk [tilespmem:v43+s16+$0x0], $0xffff;
	(erf) = vpow2.f32 v42  }
0x2a3: {  	v48 =	vor.u32 v11, v48;
	v24 =	vsub.f32 v29, v12;
	[tilespmem:$0x1FD60] =	vst v62;
	v49 =	vld [tilespmem:$0x1FDA0];
	(erf) = vrcp.f32 v20  }
0x2a4: {  	v62 =	vor.u32 v11, v37;
	v42 =	vmovc v13;
	v13 =	vmovc v0;
	v0 =	vsub.f32 v54, v12;
	(erf) = vpow2.f32 v18;
	v18 =	vld [tilespmem:$0x1FDE0]  }
0x2a5: {  	v24 =	vmul.f32 $1.442695020e+00, v24;
	v54 =	vmovc v16;
	v16 =	vmov v36;
	[tilespmem:$0x1FBF0] =	vst v5;
	v5 =	vor.u32 v11, v39;
	v39 =	vld.idx.msk [tilespmem:v58+s16+$0x0], $0xffff  }
0x2a6: {  	v29 =	vld.idx.msk [tilespmem:v2+s16+$0x0], $0xffff;
	[tilespmem:$0x1FDA0] =	vst v13;
	v13 =	vmul.f32 $1.442695020e+00, v35;
	v35 =	vsub.f32 v53, v31;
	v53 =	vsub.f32 v44, v32  }
0x2a7: {  	v36 =	vmul.f32 $1.442695020e+00, v40;
	v40 =	vpop (erf);
	[tilespmem:$0x1FD80] =	vst v42;
	v44 =	vmul.f32 $1.442695020e+00, v0;
	v20 =	vmov v43  }
0x2a8: {  	[tilespmem:$0x1FDB0] =	vst v16;
	v0 =	vor.u32 v11, v10;
	v16 =	vpop (erf);
	v53 =	vmul.f32 $1.442695020e+00, v53;
	(erf) = vpow2.f32 v46  }
0x2a9: {  	v10 =	vsub.f32 v55, v12;
	v37 =	vmovc v49;
	[tilespmem:$0x1FDE0] =	vst v20;
	(erf) = vpow2.f32 v50;
	v49 =	vmul.f32 $1.442695020e+00, v35;
	v42 =	vmovc v18  }
0x2aa: {  	v35 =	vsub.f32 v39, v32;
	v20 =	vpop (erf);
	(erf) = vpow2.f32 v13;
	[tilespmem:$0x1FC30] =	vst v42;
	v42 =	vor.u32 v11, v4  }
0x2ab: {  	v29 =	vsub.f32 v29, v31;
	v43 =	vld.idx.msk [tilespmem:v5+s16+$0x0], $0xffff;
	v4 =	vor.u32 v11, v9;
	v9 =	vpop (erf);
	(erf) = vpow2.f32 v36  }
0x2ac: {  	v10 =	vmul.f32 $1.442695020e+00, v10;
	(erf) = vpow2.f32 v24;
	v36 =	vpop (erf)  }
0x2ad: {  	v55 =	vmul.f32 $1.442695020e+00, v29;
	v13 =	vmov v56;
	v18 =	vld.idx.msk [tilespmem:v48+s16+$0x0], $0xffff;
	(erf) = vpow2.f32 v44;
	v24 =	vpop (erf)  }
0x2ae: {  	v46 =	vld.idx.msk [tilespmem:v62+s16+$0x0], $0xffff;
	[tilespmem:$0x1FC60] =	vst v13;
	v13 =	vmul.f32 $1.442695020e+00, v35;
	(erf) = vpow2.f32 v49;
	v35 =	vpop (erf)  }
0x2af: {  	(erf) = vpow2.f32 v53;
	v14 =	vmul.f32 v35, v14;
	v39 =	vld.idx.msk [tilespmem:v42+s16+$0x0], $0xffff  }
0x2b0: {  	[tilespmem:$0x1FC00] =	vst v37;
	v43 =	vsub.f32 v43, v31;
	v29 =	vpop (erf);
	v15 =	vmul.f32 v35, v15;
	v56 =	vld.idx.msk [tilespmem:v4+s16+$0x0], $0xffff;
	(erf) = vpow2.f32 v10  }
0x2b1: {  	v37 =	vld.idx.msk [tilespmem:v0+s16+$0x0], $0xffff;
	v10 =	vpop (erf);
	(erf) = vpow2.f32 v55;
	[tilespmem:v25+s16+$0x0] =	vst.idx.msk $0xffff, v14;
	v14 =	vmul.f32 v35, v33  }
0x2b2: {  	v18 =	vsub.f32 v18, v12;
	v53 =	vmul.f32 $1.442695020e+00, v43;
	v25 =	vpop (erf);
	[tilespmem:v26+s16+$0x0] =	vst.idx.msk $0xffff, v15;
	v15 =	vmul.f32 v35, v34  }
0x2b3: {  	v46 =	vsub.f32 v46, v32;
	(erf) = vpow2.f32 v13;
	v13 =	vpop (erf);
	[tilespmem:v27+s16+$0x0] =	vst.idx.msk $0xffff, v14;
	v14 =	vmul.f32 v35, v45  }
0x2b4: {  	v18 =	vmul.f32 $1.442695020e+00, v18;
	v26 =	vpop (erf);
	[tilespmem:v1+s16+$0x0] =	vst.idx.msk $0xffff, v15;
	v15 =	vmul.f32 v35, v41;
	v12 =	vsub.f32 v39, v12  }
0x2b5: {  	v55 =	vsub.f32 v56, v31;
	v56 =	vmul.f32 $1.442695020e+00, v46;
	v1 =	vpop (erf);
	[tilespmem:v28+s16+$0x0] =	vst.idx.msk $0xffff, v14;
	v14 =	vmul.f32 v35, v57  }
0x2b6: {  	v27 =	vpop (erf);
	(erf) = vpow2.f32 v18;
	[tilespmem:v30+s16+$0x0] =	vst.idx.msk $0xffff, v15;
	v15 =	vmul.f32 v35, v38  }
0x2b7: {  	v31 =	vpop (erf);
	(erf) = vpow2.f32 v53;
	v41 =	vmul.f32 $1.442695020e+00, v12  }
0x2b8: {  	[tilespmem:v3+s16+$0x0] =	vst.idx.msk $0xffff, v14;
	v14 =	vmul.f32 $1.442695020e+00, v55;
	v12 =	vpop (erf);
	(erf) = vpow2.f32 v56  }
0x2b9: {  	v32 =	vsub.f32 v37, v32;
	[tilespmem:v7+s16+$0x0] =	vst.idx.msk $0xffff, v15;
	v7 =	vpop (erf);
	(erf) = vpow2.f32 v41  }
0x2ba: {  	v28 =	vpop (erf);
	(erf) = vpow2.f32 v14;
	v14 =	vmul.f32 v21, v6;
	v6 =	vld [tilespmem:$0x1FAA0]  }
0x2bb: {  	v45 =	vmul.f32 $1.442695020e+00, v32;
	_ =	sdelay $0x1  }
0x2bc: {  	v49 =	vadd.f32 v40, v36;
	v32 =	vpop (erf);
	(erf) = vpow2.f32 v45;
	v45 =	vld [tilespmem:$0x1FD20]  }
0x2bd: {  	v44 =	vadd.f32 v16, v24;
	v55 =	vmov v16;
	v16 =	vld [tilespmem:$0x1FD10]  }
0x2be: {  	v18 =	vadd.f32 v29, v49;
	v49 =	vmul.f32 v21, v6;
	v6 =	vld [tilespmem:$0x1FAB0]  }
0x2bf: {  	v33 =	vadd.f32 v9, v20;
	_ =	sdelay $0x1  }
0x2c0: {  	v30 =	vadd.f32 v10, v44;
	v3 =	vadd.f32 v25, v33;
	_ =	sdelay $0x1  }
0x2c1: {  	v3 =	vadd.f32 v1, v3;
	v34 =	vmul.f32 v21, v6;
	v6 =	vld [tilespmem:$0x1FAC0]  }
0x2c2: {  	v15 =	vadd.f32 v13, v18;
	[tilespmem:v45+s16+$0x0] =	vst.idx.msk $0xffff, v14  }
0x2c3: {  	v18 =	vadd.f32 v26, v30;
	v30 =	vmov v22;
	v3 =	vadd.f32 v27, v3;
	[tilespmem:v16+s16+$0x0] =	vst.idx.msk $0xffff, v49;
	v16 =	vld [tilespmem:$0x1FB20];
	_ =	sdelay $0x1  }
0x2c4: {  	v3 =	vadd.f32 v7, v3;
	v14 =	vmov v19;
	v19 =	vld [tilespmem:$0x1FB40]  }
0x2c5: {  	v53 =	vmov v42;
	[tilespmem:$0x1FC90] =	vst v30;
	v30 =	vpop (erf);
	v42 =	vmul.f32 v21, v6;
	v6 =	vld [tilespmem:$0x1FAD0]  }
0x2c6: {  	[tilespmem:$0x1FD20] =	vst v14;
	v14 =	vadd.f32 v30, v3;
	v3 =	vld [tilespmem:$0x1FAF0]  }
0x2c7: {  	v37 =	vmul.f32 v17, v16;
	v16 =	vld [tilespmem:$0x1FB30];
	_ =	sdelay $0x2  }
0x2c8: {  	v43 =	vmul.f32 v21, v6;
	v6 =	vld [tilespmem:$0x1FAE0]  }
0x2c9: {  	v56 =	vmov v40;
	v40 =	vmul.f32 v17, v3;
	v3 =	vld [tilespmem:$0x1FB00]  }
0x2ca: {  	v57 =	vmovc v36;
	v18 =	vadd.f32 v12, v18;
	v36 =	vmul.f32 v17, v16;
	v16 =	vmov v19  }
0x2cb: {  	[tilespmem:$0x1FD10] =	vst v16;
	v16 =	vld [tilespmem:$0x1FB50]  }
0x2cc: {  	v39 =	vmul.f32 v21, v60;
	v18 =	vadd.f32 v32, v18;
	v60 =	vpop (erf)  }
0x2cd: {  	v38 =	vmul.f32 v21, v63;
	v41 =	vmul.f32 v21, v6;
	v21 =	vpop (erf)  }
0x2ce: {  	v44 =	vadd.f32 v21, v18;
	v18 =	vmul.f32 v17, v3;
	v3 =	vld [tilespmem:$0x1FB10];
	_ =	sdelay $0x1  }
0x2cf: {  	v19 =	vmul.f32 v17, v16;
	v16 =	vld [tilespmem:$0x1FB60];
	_ =	sdelay $0x2  }
0x2d0: {  	v6 =	vmul.f32 v17, v3;
	v3 =	vpop (erf)  }
0x2d1: {  	v14 =	vadd.f32 v3, v14  }
0x2d2: {  	v35 =	vmul.f32 v17, v16;
	v63 =	vpop (erf)  }
0x2d3: {  	v15 =	vadd.f32 v31, v15;
	v16 =	vmul.f32 v17, v59;
	v59 =	vpop (erf);
	(erf) = vrcp.f32 v14;
	v14 =	vld [tilespmem:$0x1FB90];
	_ =	sdelay $0x1  }
0x2d4: {  	v15 =	vadd.f32 v28, v15;
	_ =	sdelay $0x1  }
0x2d5: {  	v15 =	vadd.f32 v60, v15  }
0x2d6: {  	v33 =	vmul.f32 v47, v14;
	v14 =	vld [tilespmem:$0x1FD70]  }
0x2d7: {  	v49 =	vadd.f32 v63, v15;
	_ =	sdelay $0x1  }
0x2d8: {  	(erf) = vrcp.f32 v49;
	v49 =	vld [tilespmem:$0x1FD90];
	_ =	sdelay $0x2  }
0x2d9: {  	v22 =	vld [tilespmem:$0x1FBC0]  }
0x2da: {  	v15 =	vld [tilespmem:$0x1FB70]  }
0x2db: {  	p0 =	slt.u32 s20, $0x3C;
	[tilespmem:v14+s16+$0x0] =	vst.idx.msk $0xffff, v34;
	v14 =	vld [tilespmem:$0x1FBB0]  }
.Ltmp9:
0x2dc: {  	v50 =	vmov v48;
	v48 =	vld [tilespmem:$0x1FA80];
	(pc) =	sbr.rel @p0 .LBB2_20-.Ltmp9, $4  }
0x2dd: {  	v46 =	vld [tilespmem:$0x1FA90]  }
0x2de: {  	v45 =	vld [tilespmem:$0x1FBA0];
	[tilespmem:v49+s16+$0x0] =	vst.idx.msk $0xffff, v42;
	v49 =	vmov v22  }
0x2df: {  	v17 =	vadd.f32 v59, v44;
	v44 =	vld [tilespmem:$0x1FB80];
	v22 =	vmov v23;
	[tilespmem:$0x1FD70] =	vst v49  }
0x2e0: {  	v15 =	vmul.f32 v47, v15;
	v42 =	vld [tilespmem:$0x1FFF0];
	[tilespmem:$0x1FD90] =	vst v22;
	v14 =	vmul.f32 v47, v14  }
0x2e1: {  	v22 =	vld [tilespmem:$0x1FC10];
	_ =	sdelay $0x7  }
0x2e2: {  	[tilespmem:v22+s16+$0x0] =	vst.idx.msk $0xffff, v43  }
0x2e3: {  	v22 =	vld [tilespmem:$0x1FC40];
	_ =	sdelay $0x7  }
0x2e4: {  	[tilespmem:v22+s16+$0x0] =	vst.idx.msk $0xffff, v41  }
0x2e5: {  	v22 =	vld [tilespmem:$0x1FC70];
	_ =	sdelay $0x7  }
0x2e6: {  	[tilespmem:v22+s16+$0x0] =	vst.idx.msk $0xffff, v39  }
0x2e7: {  	v22 =	vld [tilespmem:$0x1FCA0];
	_ =	sdelay $0x3  }
0x2e8: {  	[tilespmem:v45+s16+$0x0] =	vst.idx.msk $0xffff, v40  }
0x2e9: {  	[tilespmem:v44+s16+$0x0] =	vst.idx.msk $0xffff, v18  }
0x2ea: {  	[tilespmem:v46+s16+$0x0] =	vst.idx.msk $0xffff, v6  }
0x2eb: {  	[tilespmem:v48+s16+$0x0] =	vst.idx.msk $0xffff, v37  }
0x2ec: {  	[tilespmem:v22+s16+$0x0] =	vst.idx.msk $0xffff, v38  }
0x2ed: {  	v6 =	vld [tilespmem:$0x1FC20];
	_ =	sdelay $0x7  }
0x2ee: {  	[tilespmem:v6+s16+$0x0] =	vst.idx.msk $0xffff, v36  }
0x2ef: {  	v6 =	vld [tilespmem:$0x1FC50];
	_ =	sdelay $0x7  }
0x2f0: {  	[tilespmem:v6+s16+$0x0] =	vst.idx.msk $0xffff, v19  }
0x2f1: {  	v6 =	vld [tilespmem:$0x1FC80];
	_ =	sdelay $0x7  }
0x2f2: {  	[tilespmem:v6+s16+$0x0] =	vst.idx.msk $0xffff, v35  }
0x2f3: {  	v6 =	vld [tilespmem:$0x1FCB0];
	_ =	sdelay $0x7  }
0x2f4: {  	[tilespmem:v6+s16+$0x0] =	vst.idx.msk $0xffff, v16  }
0x2f5: {  	v6 =	vld [tilespmem:$0x1FBD0];
	_ =	sdelay $0x7  }
0x2f6: {  	[tilespmem:v6+s16+$0x0] =	vst.idx.msk $0xffff, v15  }
0x2f7: {  	v6 =	vld [tilespmem:$0x1FBE0];
	_ =	sdelay $0x7  }
0x2f8: {  	[tilespmem:v6+s16+$0x0] =	vst.idx.msk $0xffff, v33  }
0x2f9: {  	v15 =	vld [tilespmem:$0x1FBF0];
	_ =	sdelay $0x7  }
0x2fa: {  	v6 =	vld [tilespmem:$0x1FCC0];
	[tilespmem:v15+s16+$0x0] =	vst.idx.msk $0xffff, v14  }
0x2fb: {  	v15 =	vld [tilespmem:$0x1FC00];
	_ =	sdelay $0x1  }
0x2fc: {  	v14 =	vld [tilespmem:$0x1FCD0];
	_ =	sdelay $0x3  }
0x2fd: {  	v6 =	vmul.f32 v47, v6  }
0x2fe: {  	v14 =	vmul.f32 v47, v14  }
0x2ff: {  	[tilespmem:v15+s16+$0x0] =	vst.idx.msk $0xffff, v6  }
0x300: {  	v6 =	vld [tilespmem:$0x1FCE0];
	[tilespmem:v54+s16+$0x0] =	vst.idx.msk $0xffff, v14  }
0x301: {  	v16 =	vld [tilespmem:$0x1FC30];
	_ =	sdelay $0x5  }
0x302: {  	v6 =	vmul.f32 v47, v6;
	_ =	sdelay $0x1  }
0x303: {  	v14 =	vld [tilespmem:$0x1FCF0];
	[tilespmem:v16+s16+$0x0] =	vst.idx.msk $0xffff, v6  }
0x304: {  	v38 =	vld [tilespmem:$0x1FC60];
	_ =	sdelay $0x5  }
0x305: {  	v14 =	vmul.f32 v47, v14;
	_ =	sdelay $0x1  }
0x306: {  	v6 =	vld [tilespmem:$0x1FD00];
	[tilespmem:v38+s16+$0x0] =	vst.idx.msk $0xffff, v14  }
0x307: {  	(erf) = vrcp.f32 v17;
	v17 =	vld [tilespmem:$0x1FC90];
	_ =	sdelay $0x5  }
0x308: {  	v6 =	vmul.f32 v47, v6;
	_ =	sdelay $0x1  }
0x309: {  	[tilespmem:v17+s16+$0x0] =	vst.idx.msk $0xffff, v6  }
0x30a: {  	v17 =	vld [tilespmem:$0x1FD20];
	_ =	sdelay $0x3  }
0x30b: {  	v36 =	vpop (erf)  }
0x30c: {  	v37 =	vpop (erf)  }
0x30d: {  	v39 =	vmul.f32 v37, v57;
	_ =	sdelay $0x1  }
0x30e: {  	[tilespmem:v17+s16+$0x0] =	vst.idx.msk $0xffff, v39  }
0x30f: {  	v17 =	vld [tilespmem:$0x1FD10];
	_ =	sdelay $0x5  }
0x310: {  	v6 =	vmul.f32 v37, v56;
	_ =	sdelay $0x1  }
0x311: {  	[tilespmem:v17+s16+$0x0] =	vst.idx.msk $0xffff, v6  }
0x312: {  	v41 =	vld [tilespmem:$0x1FD70];
	_ =	sdelay $0x5  }
0x313: {  	v40 =	vmul.f32 v37, v29;
	_ =	sdelay $0x1  }
0x314: {  	[tilespmem:v41+s16+$0x0] =	vst.idx.msk $0xffff, v40  }
0x315: {  	v14 =	vld [tilespmem:$0x1FD90];
	_ =	sdelay $0x5  }
0x316: {  	v6 =	vmul.f32 v37, v13  }
0x317: {  	v42 =	vmul.f32 v37, v31  }
0x318: {  	[tilespmem:v14+s16+$0x0] =	vst.idx.msk $0xffff, v6;
	v6 =	vmul.f32 v37, v28  }
0x319: {  	v43 =	vmul.f32 v37, v60;
	[tilespmem:v61+s16+$0x0] =	vst.idx.msk $0xffff, v42  }
0x31a: {  	v44 =	vmul.f32 v37, v63;
	[tilespmem:v2+s16+$0x0] =	vst.idx.msk $0xffff, v6  }
0x31b: {  	[tilespmem:v5+s16+$0x0] =	vst.idx.msk $0xffff, v43  }
0x31c: {  	[tilespmem:v4+s16+$0x0] =	vst.idx.msk $0xffff, v44  }
0x31d: {  	v4 =	vld [tilespmem:$0x1FD40];
	_ =	sdelay $0x4  }
0x31e: {  	v6 =	vpop (erf)  }
0x31f: {  	v45 =	vmul.f32 v6, v24;
	_ =	sdelay $0x1  }
0x320: {  	[tilespmem:v4+s16+$0x0] =	vst.idx.msk $0xffff, v45  }
0x321: {  	v5 =	vld [tilespmem:$0x1FD30];
	_ =	sdelay $0x5  }
0x322: {  	v46 =	vmul.f32 v6, v55  }
0x323: {  	v47 =	vmul.f32 v6, v10  }
0x324: {  	v48 =	vmul.f32 v6, v26;
	[tilespmem:v5+s16+$0x0] =	vst.idx.msk $0xffff, v46  }
0x325: {  	[tilespmem:v51+s16+$0x0] =	vst.idx.msk $0xffff, v47  }
0x326: {  	[tilespmem:v52+s16+$0x0] =	vst.idx.msk $0xffff, v48  }
0x327: {  	v5 =	vld [tilespmem:$0x1FDC0];
	_ =	sdelay $0x5  }
0x328: {  	v49 =	vmul.f32 v6, v12  }
0x329: {  	v51 =	vmul.f32 v6, v32  }
0x32a: {  	v52 =	vmul.f32 v6, v21;
	[tilespmem:v5+s16+$0x0] =	vst.idx.msk $0xffff, v49  }
0x32b: {  	v54 =	vmul.f32 v6, v59;
	[tilespmem:v58+s16+$0x0] =	vst.idx.msk $0xffff, v51  }
0x32c: {  	[tilespmem:v62+s16+$0x0] =	vst.idx.msk $0xffff, v52  }
0x32d: {  	[tilespmem:v0+s16+$0x0] =	vst.idx.msk $0xffff, v54  }
0x32e: {  	v2 =	vld [tilespmem:$0x1FD50];
	_ =	sdelay $0x5  }
0x32f: {  	v55 =	vmul.f32 v36, v20;
	_ =	sdelay $0x1  }
0x330: {  	[tilespmem:v2+s16+$0x0] =	vst.idx.msk $0xffff, v55  }
0x331: {  	v4 =	vld [tilespmem:$0x1FD60];
	_ =	sdelay $0x5  }
0x332: {  	v56 =	vmul.f32 v36, v9;
	_ =	sdelay $0x1  }
0x333: {  	[tilespmem:v4+s16+$0x0] =	vst.idx.msk $0xffff, v56  }
0x334: {  	v59 =	vld [tilespmem:$0x1FD80];
	_ =	sdelay $0x5  }
0x335: {  	v57 =	vmul.f32 v36, v25;
	_ =	sdelay $0x1  }
0x336: {  	[tilespmem:v59+s16+$0x0] =	vst.idx.msk $0xffff, v57  }
0x337: {  	v2 =	vld [tilespmem:$0x1FDA0];
	_ =	sdelay $0x5  }
0x338: {  	v58 =	vmul.f32 v36, v1;
	_ =	sdelay $0x1  }
0x339: {  	[tilespmem:v2+s16+$0x0] =	vst.idx.msk $0xffff, v58  }
0x33a: {  	v2 =	vld [tilespmem:$0x1FDB0];
	_ =	sdelay $0x5  }
0x33b: {  	v60 =	vmul.f32 v36, v27;
	_ =	sdelay $0x1  }
0x33c: {  	[tilespmem:v2+s16+$0x0] =	vst.idx.msk $0xffff, v60  }
0x33d: {  	v2 =	vld [tilespmem:$0x1FDE0];
	_ =	sdelay $0x5  }
0x33e: {  	v61 =	vmul.f32 v36, v7  }
0x33f: {  	v62 =	vmul.f32 v36, v30  }
0x340: {  	v63 =	vmul.f32 v36, v3;
	[tilespmem:v2+s16+$0x0] =	vst.idx.msk $0xffff, v61  }
0x341: {  	s19 =	simm.s32 $0x12000;
	[tilespmem:v50+s16+$0x0] =	vst.idx.msk $0xffff, v62  }
0x342: {  	s20 =	simm.s32 $0x10;
	s22 =	sadd.s32 $0x0, s11;
	s21 =	simm.s32 $0x12090;
	[tilespmem:v53+s16+$0x0] =	vst.idx.msk $0xffff, v63  }
.LBB2_22:
0x343: {  	[hbm4b:s22+s2] =	stream.linear.scatter [tilespmem:s19], [sflag:$0x1], $0x80, $0x38;
	[tilespmem:$0x16800] =	vst v63  }
0x344: {  	s22 =	smov.u32 s20;
	s19 =	smov.u32 s21;
	p0 =	sne.s32 s20, $0x3F0  }
.Ltmp10:
0x345: {  	s20 =	sadd.s32 $0x10, s20;
	(pc) =	sbr.rel @p0 .LBB2_22-.Ltmp10, $2  }
0x346: {  	_ =	sdelay $0x2  }
0x347: {  	s21 =	sadd.s32 $0x90, s21;
	s22 =	sadd.s32 s22, s11  }
0x348: {  	v59 =	vld [tilespmem:$0x1FF70]  }
0x349: {  	v61 =	vld [tilespmem:$0x1FF80]  }
0x34a: {  	v60 =	vld [tilespmem:$0x1FF90]  }
0x34b: {  	v63 =	vld [tilespmem:$0x1FFA0]  }
0x34c: {  	v62 =	vld [tilespmem:$0x1FFB0]  }
0x34d: {  	[hbm4b:s22+s2] =	stream.linear.scatter [tilespmem:s19], [sflag:$0x1], $0x80, $0x38;
	v58 =	vld [tilespmem:$0x1FFC0]  }
0x34e: {  	s19 =	simm.s32 $0x14400;
	v57 =	vld [tilespmem:$0x1FFD0]  }
0x34f: {  	s20 =	simm.s32 $0x10;
	s22 =	sadd.s32 $0x0, s12;
	s21 =	simm.s32 $0x14490;
	v51 =	vlaneseq.u32;
	v49 =	vld [tilespmem:$0x1FFE0]  }
.LBB2_24:
0x350: {  	[hbm4b:s22+s2] =	stream.linear.scatter [tilespmem:s19], [sflag:$0x1], $0x80, $0x38;
	[tilespmem:$0x16800] =	vst v63  }
0x351: {  	s22 =	smov.u32 s20;
	s19 =	smov.u32 s21;
	p0 =	sne.s32 s20, $0x3F0  }
.Ltmp11:
0x352: {  	s20 =	sadd.s32 $0x10, s20;
	(pc) =	sbr.rel @p0 .LBB2_24-.Ltmp11, $2  }
0x353: {  	_ =	sdelay $0x2  }
0x354: {  	s21 =	sadd.s32 $0x90, s21;
	s22 =	sadd.s32 s22, s12  }
0x355: {  	[hbm4b:s22+s2] =	stream.linear.scatter [tilespmem:s19], [sflag:$0x1], $0x80, $0x38;
	[tilespmem:$0x16800] =	vst v63  }
0x356: {  	s19 =	simm.s32 $0x14400  }
0x357: {  	s20 =	simm.s32 $0x10;
	s22 =	sadd.s32 $0x0, s13;
	s21 =	simm.s32 $0x14490  }
.LBB2_26:
0x358: {  	[hbm4b:s22+s2] =	stream.linear.scatter [tilespmem:s19], [sflag:$0x1], $0x80, $0x38;
	[tilespmem:$0x16800] =	vst v63  }
0x359: {  	s22 =	smov.u32 s20;
	s19 =	smov.u32 s21;
	p0 =	sne.s32 s20, $0x3F0  }
.Ltmp12:
0x35a: {  	s20 =	sadd.s32 $0x10, s20;
	(pc) =	sbr.rel @p0 .LBB2_26-.Ltmp12, $2  }
0x35b: {  	_ =	sdelay $0x2  }
0x35c: {  	s21 =	sadd.s32 $0x90, s21;
	s22 =	sadd.s32 s22, s13  }
0x35d: {  	[hbm4b:s22+s2] =	stream.linear.scatter [tilespmem:s19], [sflag:$0x1], $0x80, $0x38;
	[tilespmem:$0x16800] =	vst v63  }
0x35e: {  	_ =	swait.ge [sflag:s15], $0x2000  }
0x35f: {  	[sflag:s15] =	ssyncset.done $0x0  }
0x360: {  	s18 =	sadd.s32 $0x1, s18;
	[sflag:s15] =	ssyncadd.s32 $0xFFFFE000  }
0x361: {  	p0 =	sne.s32 s18, s14;
	_ =	swait.ge [sflag:s15], $0x2000  }
.Ltmp13:
0x362: {  	[sflag:s15] =	ssyncset.done $0x0;
	(pc) =	sbr.rel @p0 .LBB2_1-.Ltmp13, $4  }
0x363: {  	[sflag:s15] =	ssyncadd.s32 $0xFFFFE000  }
0x364: {  	_ =	swait.ge [sflag:s15], $0x2000  }
0x365: {  	[sflag:s15] =	ssyncset.done $0x0  }
0x366: {  	[sflag:s15] =	ssyncadd.s32 $0xFFFFE000  }
0x367: {  	_ =	sfence.sel $0x180000  }
0x368: {  	[bflag:$0x0] =	sbarrier.arrive $0xFFFF  }
0x369: {  	p0 =	sne.s32 s1, $0x0;
	_ =	strace $0x90000047  }
0x36a: {  	s0 =	sadd.s32 @!p0 $0x100000, s0;
	[bflag:$0x2] =	sbarrier.arrive $0xFFFF  }
0x36b: {  	[sflag:s0] =	ssyncadd.tile.s32 @!p0 $0x1;
	_ =	shalt  }
.Lfunc_end2:
_tile_overlayer_lowered:
.L_overlay_start_2:
0x36c: {  	(tag) =	ssettag $0x2  }
0x36d: {  	s0 =	rddreg [dreg:$0x0];
	s2 =	stileid.u32  }
0x36e: {  	s1 =	rddreg [dreg:$0x1];
	p0 =	sne.s32 s2, $0x0  }
0x36f: {  	s3 =	rddreg [dreg:$0x2];
	[bflag:$0x3] =	sbarrier.arrive $0xFFFF;
	s2 =	simm.s32 @!p0 $0x1C02  }
0x370: {  	[timem:s3], [sflag:s2] =	dma.local @!p0 [hbm:s0], s1  }
0x371: {  	s0 =	simm.s32 @!p0 $0x2  }
0x372: {  	_ =	swait.ge @!p0 [sflag:s0], s1  }
0x373: {  	s1 =	ssub.s32 @!p0 $0x0, s1;
	[sflag:s0] =	ssyncset.done @!p0 $0x0  }
0x374: {  	[sflag:s0] =	ssyncadd.s32 @!p0 s1  }
0x375: {  	[bflag:$0x3] =	sbarrier.arrive $0xFFFF  }
0x376: {  	_ =	shalt  }

</sc_bundles>
